<compile_context>
chip_gen: v7x
topology: tpu7x:2x2x1
jax: 0.10.2.dev20260603
libtpu: 0.0.44.dev20260713+nightly
codegen_flags: <defaults>
</compile_context>

<pallas_src>
import functools

import jax
import jax.numpy as jnp
from jax import lax
from jax.experimental import pallas as pl
from jax.experimental.pallas import tpu as pltpu
from jax.experimental.pallas import tpu_sc as plsc

INPUT_DIM = 512
N_CLASSES = 128
MAX_DEPTH = 12
N_NODES = 2**MAX_DEPTH - 1
N_LEAVES = 2**MAX_DEPTH
BATCH = 16384

NC = 2
NS = 16
L = 16
NW = NC * NS
ROWS_PER_W = BATCH // NW
PASS_ROWS = 32
NPASS = ROWS_PER_W // PASS_ROWS
NGRP = PASS_ROWS // L
NBUF = 4


def _prep_body(sf_ref, lp_ref, nf_ref, table_ref):
    sf = sf_ref[...]
    nf_ref[...] = jnp.clip(jnp.floor(sf), 0, INPUT_DIM - 1).astype(jnp.int32)
    p = lp_ref[...]
    m = jnp.max(p, axis=1, keepdims=True)
    e = jnp.exp(p - m)
    table_ref[...] = e / jnp.sum(e, axis=1, keepdims=True)


def _prep(split_features, leaf_probabilities):
    return pl.pallas_call(
        _prep_body,
        out_shape=[
            jax.ShapeDtypeStruct((N_NODES,), jnp.int32),
            jax.ShapeDtypeStruct((N_LEAVES, N_CLASSES), jnp.float32),
        ],
    )(split_features, leaf_probabilities)


def _traverse_body(
    x_ref, nf_ref, th_ref, table_ref, out_ref,
    nf_v, th_v, table_sh, xbufs, gidxs, rowbufs, xsems, rsems, osems,
):
    sid = lax.axis_index("s")
    wid = sid * NC + lax.axis_index("c")
    base = wid * ROWS_PER_W

    def fire_x(b, p):
        pltpu.async_copy(
            x_ref.at[pl.ds(base + p * PASS_ROWS, PASS_ROWS), :],
            xbufs[b], xsems[b],
        )

    for b in range(NBUF):
        fire_x(b, b)
    shrows = N_LEAVES // NS
    sh_lo = sid * shrows
    pltpu.sync_copy(
        table_ref.at[pl.ds(sh_lo, shrows), :],
        table_sh.at[pl.ds(sh_lo, shrows), :],
    )
    pltpu.sync_copy(nf_ref, nf_v)
    pltpu.sync_copy(th_ref, th_v)
    plsc.subcore_barrier()

    lane = lax.iota(jnp.int32, L)
    zero = jnp.zeros((L,), jnp.int32)
    lrows = [g * L + lane for g in range(NGRP)]

    def run_pass(b, pp):
        p = pp * NBUF + b
        pltpu.make_async_copy(
            x_ref.at[pl.ds(base, PASS_ROWS), :], xbufs[b], xsems[b]
        ).wait()
        feat0 = plsc.load_gather(nf_v, [zero])
        thr0 = plsc.load_gather(th_v, [zero])
        idxs = []
        for g in range(NGRP):
            xv = plsc.load_gather(xbufs[b], [lrows[g], feat0])
            dec = jnp.where(xv > thr0, 1, 0).astype(jnp.int32)
            idxs.append(1 + dec)
        for _ in range(MAX_DEPTH - 1):
            for g in range(NGRP):
                feat = plsc.load_gather(nf_v, [idxs[g]])
                thr = plsc.load_gather(th_v, [idxs[g]])
                xv = plsc.load_gather(xbufs[b], [lrows[g], feat])
                dec = jnp.where(xv > thr, 1, 0).astype(jnp.int32)
                idxs[g] = idxs[g] * 2 + 1 + dec
        @pl.when(pp < NPASS // NBUF - 1)
        def _():
            fire_x(b, p + NBUF)
        @pl.when(pp > 0)
        def _():
            pltpu.make_async_copy(
                rowbufs[b], out_ref.at[pl.ds(base, PASS_ROWS), :], osems[b]
            ).wait()
        for g in range(NGRP):
            gidxs[b][pl.ds(g * L, L)] = idxs[g] - N_NODES
        pltpu.async_copy(table_sh.at[gidxs[b]], rowbufs[b], rsems[b])
        bprev = (b - 1) % NBUF

        def drain_prev():
            pltpu.make_async_copy(
                table_sh.at[gidxs[bprev]], rowbufs[bprev], rsems[bprev]
            ).wait()
            pltpu.async_copy(
                rowbufs[bprev],
                out_ref.at[pl.ds(base + (p - 1) * PASS_ROWS, PASS_ROWS), :],
                osems[bprev],
            )

        if b == 0:
            pl.when(pp > 0)(drain_prev)
        else:
            drain_prev()

    def body(pp, carry):
        for b in range(NBUF):
            run_pass(b, pp)
        return carry

    lax.fori_loop(0, NPASS // NBUF, body, 0)

    last_b = (NPASS - 1) % NBUF
    pltpu.make_async_copy(
        table_sh.at[gidxs[last_b]], rowbufs[last_b], rsems[last_b]
    ).wait()
    pltpu.sync_copy(
        rowbufs[last_b],
        out_ref.at[pl.ds(base + (NPASS - 1) * PASS_ROWS, PASS_ROWS), :],
    )
    for b in range(NBUF - 1):
        pltpu.make_async_copy(
            rowbufs[b], out_ref.at[pl.ds(base, PASS_ROWS), :], osems[b]
        ).wait()


@functools.partial(
    pl.kernel,
    out_type=jax.ShapeDtypeStruct((BATCH, N_CLASSES), jnp.float32),
    mesh=plsc.VectorSubcoreMesh(
        core_axis_name="c", subcore_axis_name="s", num_cores=NC,
        num_subcores=NS,
    ),
    scratch_types=(
        [
            pltpu.VMEM((N_NODES,), jnp.int32),
            pltpu.VMEM((N_NODES,), jnp.float32),
            pltpu.VMEM_SHARED((N_LEAVES, N_CLASSES), jnp.float32),
        ]
        + [pltpu.VMEM((PASS_ROWS, INPUT_DIM), jnp.float32)] * NBUF
        + [pltpu.VMEM((PASS_ROWS,), jnp.int32)] * NBUF
        + [pltpu.VMEM((PASS_ROWS, N_CLASSES), jnp.float32)] * NBUF
        + [pltpu.SemaphoreType.DMA] * (3 * NBUF)
    ),
    compiler_params=pltpu.CompilerParams(needs_layout_passes=False),
)
def _traverse(x, nf, th, table, out, *scratch):
    nf_v, th_v, table_sh = scratch[0], scratch[1], scratch[2]
    xbufs = scratch[3:3 + NBUF]
    gidxs = scratch[3 + NBUF:3 + 2 * NBUF]
    rowbufs = scratch[3 + 2 * NBUF:3 + 3 * NBUF]
    sems = scratch[3 + 3 * NBUF:]
    xsems = sems[0:NBUF]
    rsems = sems[NBUF:2 * NBUF]
    osems = sems[2 * NBUF:3 * NBUF]
    _traverse_body(
        x, nf, th, table, out,
        nf_v, th_v, table_sh, xbufs, gidxs, rowbufs, xsems, rsems, osems,
    )


def kernel(x, split_features, split_thresholds, leaf_probabilities):
    nf, table = _prep(split_features, leaf_probabilities)
    return _traverse(x, nf, split_thresholds, table)

# --- scband reference (transcript-rebuilt; emitter-appended) ---
"""Pipeline reference for scband-decision-tree-module-57999238365558 (READ-ONLY COPY).

The authoritative reference and input builder live on the scoring server;
editing this copy changes nothing except your own understanding.
"""

import jax, jax.numpy as jnp
import numpy as np

INPUT_DIM = 512
N_CLASSES = 128
MAX_DEPTH = 12
N_NODES = 2 ** MAX_DEPTH - 1
N_LEAVES = 2 ** MAX_DEPTH
BATCH = 16384


def setup_inputs(seed: int = 0) -> dict:
    key = jax.random.key(seed)
    k1, k2, k3, k4 = jax.random.split(key, 4)
    x = jax.random.normal(k1, (BATCH, INPUT_DIM), dtype=jnp.float32)
    # split_features = rand(n_nodes) * input_dim
    split_features = jax.random.uniform(k2, (N_NODES,), dtype=jnp.float32) * INPUT_DIM
    # split_thresholds = randn(n_nodes) / sqrt(input_dim)
    split_thresholds = jax.random.normal(k3, (N_NODES,), dtype=jnp.float32) / np.sqrt(INPUT_DIM)
    # xavier_uniform_ with gain = 1/sqrt(n_classes) on [n_leaves, n_classes]
    gain = 1.0 / np.sqrt(N_CLASSES)
    limit = gain * np.sqrt(6.0 / (N_LEAVES + N_CLASSES))
    leaf_probabilities = jax.random.uniform(
        k4, (N_LEAVES, N_CLASSES), dtype=jnp.float32, minval=-limit, maxval=limit
    )
    return {
        "x": x,
        "split_features": split_features,
        "split_thresholds": split_thresholds,
        "leaf_probabilities": leaf_probabilities,
    }


def reference(x, split_features, split_thresholds, leaf_probabilities):
    batch_size = x.shape[0]
    node_features = jnp.clip(
        jnp.floor(split_features).astype(jnp.int32), 0, INPUT_DIM - 1
    )
    node_indices = jnp.zeros((batch_size,), dtype=jnp.int32)
    rows = jnp.arange(batch_size)
    for depth in range(MAX_DEPTH):
        current_features = node_features[node_indices]
        current_thresholds = split_thresholds[node_indices]
        decisions = x[rows, current_features] > current_thresholds
        node_indices = node_indices * 2 + 1 + decisions.astype(jnp.int32)
    leaf_indices = node_indices - (2 ** MAX_DEPTH - 1)
    probabilities = leaf_probabilities[leaf_indices]
    return jax.nn.softmax(probabilities, axis=1)

if __name__ == "__main__":
    import jax
    _d = setup_inputs()
    print(jax.jit(kernel)(*tuple(_d.values())))

</pallas_src>

<mosaic_0001>
#map = affine_map<(d0, d1) -> (0, 0)>
#map1 = affine_map<(d0, d1) -> (0)>
module attributes {stable_mosaic.version = 14 : i64} {
  func.func @_traverse(%arg0: i32, %arg1: i32, %arg2: memref<16384x512xf32, #tpu.memory_space<hbm>>, %arg3: memref<4095xi32, #tpu.memory_space<hbm>>, %arg4: memref<4095xf32, #tpu.memory_space<hbm>>, %arg5: memref<4096x128xf32, #tpu.memory_space<hbm>>, %arg6: memref<16384x128xf32, #tpu.memory_space<hbm>>, %arg7: memref<4095xi32, #tpu.memory_space<vmem>>, %arg8: memref<4095xf32, #tpu.memory_space<vmem>>, %arg9: memref<4096x128xf32, #tpu.memory_space<vmem_shared>>, %arg10: memref<32x512xf32, #tpu.memory_space<vmem>>, %arg11: memref<32x512xf32, #tpu.memory_space<vmem>>, %arg12: memref<32x512xf32, #tpu.memory_space<vmem>>, %arg13: memref<32x512xf32, #tpu.memory_space<vmem>>, %arg14: memref<32xi32, #tpu.memory_space<vmem>>, %arg15: memref<32xi32, #tpu.memory_space<vmem>>, %arg16: memref<32xi32, #tpu.memory_space<vmem>>, %arg17: memref<32xi32, #tpu.memory_space<vmem>>, %arg18: memref<32x128xf32, #tpu.memory_space<vmem>>, %arg19: memref<32x128xf32, #tpu.memory_space<vmem>>, %arg20: memref<32x128xf32, #tpu.memory_space<vmem>>, %arg21: memref<32x128xf32, #tpu.memory_space<vmem>>, %arg22: memref<!tpu.dma_semaphore, #tpu.memory_space<semaphore_mem>>, %arg23: memref<!tpu.dma_semaphore, #tpu.memory_space<semaphore_mem>>, %arg24: memref<!tpu.dma_semaphore, #tpu.memory_space<semaphore_mem>>, %arg25: memref<!tpu.dma_semaphore, #tpu.memory_space<semaphore_mem>>, %arg26: memref<!tpu.dma_semaphore, #tpu.memory_space<semaphore_mem>>, %arg27: memref<!tpu.dma_semaphore, #tpu.memory_space<semaphore_mem>>, %arg28: memref<!tpu.dma_semaphore, #tpu.memory_space<semaphore_mem>>, %arg29: memref<!tpu.dma_semaphore, #tpu.memory_space<semaphore_mem>>, %arg30: memref<!tpu.dma_semaphore, #tpu.memory_space<semaphore_mem>>, %arg31: memref<!tpu.dma_semaphore, #tpu.memory_space<semaphore_mem>>, %arg32: memref<!tpu.dma_semaphore, #tpu.memory_space<semaphore_mem>>, %arg33: memref<!tpu.dma_semaphore, #tpu.memory_space<semaphore_mem>>) attributes {dimension_semantics = [#tpu.dimension_semantics<core_parallel>, #tpu.dimension_semantics<subcore_parallel>], iteration_bounds = array<i64: 2, 16>, scalar_prefetch = 0 : i64, scratch_operands = 27 : i64, tpu.core_type = #tpu.core_type<sc_vector_subcore>, window_params = [{transform_indices = #map}, {transform_indices = #map1}, {transform_indices = #map1}, {transform_indices = #map}, {transform_indices = #map}]} {
    %mul3A = arith.constant 2 : i32
    %mul3A_0 = arith.muli %arg1, %mul3A : i32
    %add3A = arith.addi %mul3A_0, %arg0 : i32
    %mul3A_1 = arith.constant 512 : i32
    %mul3A_2 = arith.muli %add3A, %mul3A_1 : i32
    %add3A_3 = arith.constant 0 : i32
    %add3A_4 = arith.addi %mul3A_2, %add3A_3 : i32
    %dma_start3A = arith.constant 0 : i32
    %dma_start3A_5 = tpu.memref_slice %arg2[%add3A_4, %dma_start3A] : memref<16384x512xf32, #tpu.memory_space<hbm>> -> memref<32x512xf32, #tpu.memory_space<hbm>>
    %dma_start3A_6 = arith.constant 0 : i32
    %dma_start3A_7 = tpu.memref_slice %arg2[%add3A_4, %dma_start3A_6] : memref<16384x512xf32, #tpu.memory_space<hbm>> -> memref<32x512xf32, #tpu.memory_space<hbm>>
    tpu.enqueue_dma source(%dma_start3A_7 : memref<32x512xf32, #tpu.memory_space<hbm>>) target(%arg10 : memref<32x512xf32, #tpu.memory_space<vmem>>) target_semaphore(%arg22 : memref<!tpu.dma_semaphore, #tpu.memory_space<semaphore_mem>>)
    %add3A_8 = arith.constant 32 : i32
    %add3A_9 = arith.addi %mul3A_2, %add3A_8 : i32
    %dma_start3A_10 = arith.constant 0 : i32
    %dma_start3A_11 = tpu.memref_slice %arg2[%add3A_9, %dma_start3A_10] : memref<16384x512xf32, #tpu.memory_space<hbm>> -> memref<32x512xf32, #tpu.memory_space<hbm>>
    %dma_start3A_12 = arith.constant 0 : i32
    %dma_start3A_13 = tpu.memref_slice %arg2[%add3A_9, %dma_start3A_12] : memref<16384x512xf32, #tpu.memory_space<hbm>> -> memref<32x512xf32, #tpu.memory_space<hbm>>
    tpu.enqueue_dma source(%dma_start3A_13 : memref<32x512xf32, #tpu.memory_space<hbm>>) target(%arg11 : memref<32x512xf32, #tpu.memory_space<vmem>>) target_semaphore(%arg23 : memref<!tpu.dma_semaphore, #tpu.memory_space<semaphore_mem>>)
    %add3A_14 = arith.constant 64 : i32
    %add3A_15 = arith.addi %mul3A_2, %add3A_14 : i32
    %dma_start3A_16 = arith.constant 0 : i32
    %dma_start3A_17 = tpu.memref_slice %arg2[%add3A_15, %dma_start3A_16] : memref<16384x512xf32, #tpu.memory_space<hbm>> -> memref<32x512xf32, #tpu.memory_space<hbm>>
    %dma_start3A_18 = arith.constant 0 : i32
    %dma_start3A_19 = tpu.memref_slice %arg2[%add3A_15, %dma_start3A_18] : memref<16384x512xf32, #tpu.memory_space<hbm>> -> memref<32x512xf32, #tpu.memory_space<hbm>>
    tpu.enqueue_dma source(%dma_start3A_19 : memref<32x512xf32, #tpu.memory_space<hbm>>) target(%arg12 : memref<32x512xf32, #tpu.memory_space<vmem>>) target_semaphore(%arg24 : memref<!tpu.dma_semaphore, #tpu.memory_space<semaphore_mem>>)
    %add3A_20 = arith.constant 96 : i32
    %add3A_21 = arith.addi %mul3A_2, %add3A_20 : i32
    %dma_start3A_22 = arith.constant 0 : i32
    %dma_start3A_23 = tpu.memref_slice %arg2[%add3A_21, %dma_start3A_22] : memref<16384x512xf32, #tpu.memory_space<hbm>> -> memref<32x512xf32, #tpu.memory_space<hbm>>
    %dma_start3A_24 = arith.constant 0 : i32
    %dma_start3A_25 = tpu.memref_slice %arg2[%add3A_21, %dma_start3A_24] : memref<16384x512xf32, #tpu.memory_space<hbm>> -> memref<32x512xf32, #tpu.memory_space<hbm>>
    tpu.enqueue_dma source(%dma_start3A_25 : memref<32x512xf32, #tpu.memory_space<hbm>>) target(%arg13 : memref<32x512xf32, #tpu.memory_space<vmem>>) target_semaphore(%arg25 : memref<!tpu.dma_semaphore, #tpu.memory_space<semaphore_mem>>)
    %mul3A_26 = arith.constant 256 : i32
    %mul3A_27 = arith.muli %arg1, %mul3A_26 : i32
    "tpu.region"() ({
      %run_scoped3A = tpu.sem_alloc : memref<!tpu.dma_semaphore, #tpu.memory_space<semaphore_mem>>
      %dma_start3A_56 = arith.constant 0 : i32
      %dma_start3A_57 = tpu.memref_slice %arg9[%mul3A_27, %dma_start3A_56] : memref<4096x128xf32, #tpu.memory_space<vmem_shared>> -> memref<256x128xf32, #tpu.memory_space<vmem_shared>>
      %dma_start3A_58 = arith.constant 0 : i32
      %dma_start3A_59 = tpu.memref_slice %arg5[%mul3A_27, %dma_start3A_58] : memref<4096x128xf32, #tpu.memory_space<hbm>> -> memref<256x128xf32, #tpu.memory_space<hbm>>
      tpu.enqueue_dma source(%dma_start3A_59 : memref<256x128xf32, #tpu.memory_space<hbm>>) target(%dma_start3A_57 : memref<256x128xf32, #tpu.memory_space<vmem_shared>>) target_semaphore(%run_scoped3A : memref<!tpu.dma_semaphore, #tpu.memory_space<semaphore_mem>>)
      %dma_wait3A_60 = arith.constant 0 : i32
      %dma_wait3A_61 = tpu.memref_slice %arg9[%mul3A_27, %dma_wait3A_60] : memref<4096x128xf32, #tpu.memory_space<vmem_shared>> -> memref<256x128xf32, #tpu.memory_space<vmem_shared>>
      %dma_wait3A_62 = arith.constant 0 : i32
      %dma_wait3A_63 = tpu.memref_slice %arg5[%mul3A_27, %dma_wait3A_62] : memref<4096x128xf32, #tpu.memory_space<hbm>> -> memref<256x128xf32, #tpu.memory_space<hbm>>
      tpu.wait_dma2 semaphore(%run_scoped3A : memref<!tpu.dma_semaphore, #tpu.memory_space<semaphore_mem>>) src(%dma_wait3A_63 : memref<256x128xf32, #tpu.memory_space<hbm>>) dst(%dma_wait3A_61 : memref<256x128xf32, #tpu.memory_space<vmem_shared>>)
      tpu.yield
    }) : () -> ()
    "tpu.region"() ({
      %run_scoped3A = tpu.sem_alloc : memref<!tpu.dma_semaphore, #tpu.memory_space<semaphore_mem>>
      tpu.enqueue_dma source(%arg3 : memref<4095xi32, #tpu.memory_space<hbm>>) target(%arg7 : memref<4095xi32, #tpu.memory_space<vmem>>) target_semaphore(%run_scoped3A : memref<!tpu.dma_semaphore, #tpu.memory_space<semaphore_mem>>)
      tpu.wait_dma2 semaphore(%run_scoped3A : memref<!tpu.dma_semaphore, #tpu.memory_space<semaphore_mem>>) src(%arg3 : memref<4095xi32, #tpu.memory_space<hbm>>) dst(%arg7 : memref<4095xi32, #tpu.memory_space<vmem>>)
      tpu.yield
    }) : () -> ()
    "tpu.region"() ({
      %run_scoped3A = tpu.sem_alloc : memref<!tpu.dma_semaphore, #tpu.memory_space<semaphore_mem>>
      tpu.enqueue_dma source(%arg4 : memref<4095xf32, #tpu.memory_space<hbm>>) target(%arg8 : memref<4095xf32, #tpu.memory_space<vmem>>) target_semaphore(%run_scoped3A : memref<!tpu.dma_semaphore, #tpu.memory_space<semaphore_mem>>)
      tpu.wait_dma2 semaphore(%run_scoped3A : memref<!tpu.dma_semaphore, #tpu.memory_space<semaphore_mem>>) src(%arg4 : memref<4095xf32, #tpu.memory_space<hbm>>) dst(%arg8 : memref<4095xf32, #tpu.memory_space<vmem>>)
      tpu.yield
    }) : () -> ()
    %barrier3A = arith.constant 0 : index
    tpu.barrier barrier_id(%barrier3A)
    %iota3A = tpu.iota {dimensions = array<i32: 0>} : vector<16xi32>
    %broadcast_in_dim3A = arith.constant 0 : i32
    %broadcast_in_dim3A_28 = vector.broadcast %broadcast_in_dim3A : i32 to vector<16xi32>
    %add3A_29 = arith.constant 0 : i32
    %add3A_30 = vector.broadcast %add3A_29 : i32 to vector<16xi32>
    %add3A_31 = arith.addi %add3A_30, %iota3A : vector<16xi32>
    %add3A_32 = arith.constant 16 : i32
    %add3A_33 = vector.broadcast %add3A_32 : i32 to vector<16xi32>
    %add3A_34 = arith.addi %add3A_33, %iota3A : vector<16xi32>
    %scan3A = arith.constant 0 : i32
    %scan3A_35 = arith.constant 0 : i32
    %scan3A_36 = arith.constant 4 : i32
    %scan3A_37 = arith.addi %scan3A_35, %scan3A_36 : i32
    %scan3A_38 = arith.constant 1 : i32
    scf.for %scan3A_56 = %scan3A_35 to %scan3A_37 step %scan3A_38  : i32 {
      %mul3A_57 = arith.constant 4 : i32
      %mul3A_58 = arith.muli %scan3A_56, %mul3A_57 : i32
      %add3A_59 = arith.constant 0 : i32
      %add3A_60 = arith.addi %mul3A_58, %add3A_59 : i32
      %dma_wait3A_61 = arith.constant 0 : i32
      %dma_wait3A_62 = tpu.memref_slice %arg2[%mul3A_2, %dma_wait3A_61] : memref<16384x512xf32, #tpu.memory_space<hbm>> -> memref<32x512xf32, #tpu.memory_space<hbm>>
      %dma_wait3A_63 = arith.constant 0 : i32
      %dma_wait3A_64 = tpu.memref_slice %arg2[%mul3A_2, %dma_wait3A_63] : memref<16384x512xf32, #tpu.memory_space<hbm>> -> memref<32x512xf32, #tpu.memory_space<hbm>>
      tpu.wait_dma2 semaphore(%arg22 : memref<!tpu.dma_semaphore, #tpu.memory_space<semaphore_mem>>) src(%dma_wait3A_64 : memref<32x512xf32, #tpu.memory_space<hbm>>) dst(%arg10 : memref<32x512xf32, #tpu.memory_space<vmem>>)
      %gather3A = tpu.vector_load_idx %arg7[%broadcast_in_dim3A_28] : memref<4095xi32, #tpu.memory_space<vmem>>[vector<16xi32>], vector<16xi32>,
      %gather3A_65 = tpu.vector_load_idx %arg8[%broadcast_in_dim3A_28] : memref<4095xf32, #tpu.memory_space<vmem>>[vector<16xi32>], vector<16xf32>,
      %gather3A_66 = tpu.vector_load_idx %arg10[%add3A_31, %gather3A] : memref<32x512xf32, #tpu.memory_space<vmem>>[vector<16xi32>, vector<16xi32>], vector<16xf32>,
      %gt3A = arith.cmpf ogt, %gather3A_66, %gather3A_65 : vector<16xf32>
      %jit3A = arith.constant 1 : i32
      %jit3A_67 = arith.constant 0 : i32
      %broadcast_in_dim3A_68 = vector.broadcast %jit3A : i32 to vector<16xi32>
      %broadcast_in_dim3A_69 = vector.broadcast %jit3A_67 : i32 to vector<16xi32>
      %select_n3A = arith.select %gt3A, %broadcast_in_dim3A_68, %broadcast_in_dim3A_69 : vector<16xi1>, vector<16xi32>
      %add3A_70 = arith.constant 1 : i32
      %add3A_71 = vector.broadcast %add3A_70 : i32 to vector<16xi32>
      %add3A_72 = arith.addi %add3A_71, %select_n3A : vector<16xi32>
      %gather3A_73 = tpu.vector_load_idx %arg10[%add3A_34, %gather3A] : memref<32x512xf32, #tpu.memory_space<vmem>>[vector<16xi32>, vector<16xi32>], vector<16xf32>,
      %gt3A_74 = arith.cmpf ogt, %gather3A_73, %gather3A_65 : vector<16xf32>
      %jit3A_75 = arith.constant 1 : i32
      %jit3A_76 = arith.constant 0 : i32
      %broadcast_in_dim3A_77 = vector.broadcast %jit3A_75 : i32 to vector<16xi32>
      %broadcast_in_dim3A_78 = vector.broadcast %jit3A_76 : i32 to vector<16xi32>
      %select_n3A_79 = arith.select %gt3A_74, %broadcast_in_dim3A_77, %broadcast_in_dim3A_78 : vector<16xi1>, vector<16xi32>
      %add3A_80 = arith.constant 1 : i32
      %add3A_81 = vector.broadcast %add3A_80 : i32 to vector<16xi32>
      %add3A_82 = arith.addi %add3A_81, %select_n3A_79 : vector<16xi32>
      %gather3A_83 = tpu.vector_load_idx %arg7[%add3A_72] : memref<4095xi32, #tpu.memory_space<vmem>>[vector<16xi32>], vector<16xi32>,
      %gather3A_84 = tpu.vector_load_idx %arg8[%add3A_72] : memref<4095xf32, #tpu.memory_space<vmem>>[vector<16xi32>], vector<16xf32>,
      %gather3A_85 = tpu.vector_load_idx %arg10[%add3A_31, %gather3A_83] : memref<32x512xf32, #tpu.memory_space<vmem>>[vector<16xi32>, vector<16xi32>], vector<16xf32>,
      %gt3A_86 = arith.cmpf ogt, %gather3A_85, %gather3A_84 : vector<16xf32>
      %jit3A_87 = arith.constant 1 : i32
      %jit3A_88 = arith.constant 0 : i32
      %broadcast_in_dim3A_89 = vector.broadcast %jit3A_87 : i32 to vector<16xi32>
      %broadcast_in_dim3A_90 = vector.broadcast %jit3A_88 : i32 to vector<16xi32>
      %select_n3A_91 = arith.select %gt3A_86, %broadcast_in_dim3A_89, %broadcast_in_dim3A_90 : vector<16xi1>, vector<16xi32>
      %mul3A_92 = arith.constant 2 : i32
      %mul3A_93 = vector.broadcast %mul3A_92 : i32 to vector<16xi32>
      %mul3A_94 = arith.muli %add3A_72, %mul3A_93 : vector<16xi32>
      %add3A_95 = arith.constant 1 : i32
      %add3A_96 = vector.broadcast %add3A_95 : i32 to vector<16xi32>
      %add3A_97 = arith.addi %mul3A_94, %add3A_96 : vector<16xi32>
      %add3A_98 = arith.addi %add3A_97, %select_n3A_91 : vector<16xi32>
      %gather3A_99 = tpu.vector_load_idx %arg7[%add3A_82] : memref<4095xi32, #tpu.memory_space<vmem>>[vector<16xi32>], vector<16xi32>,
      %gather3A_100 = tpu.vector_load_idx %arg8[%add3A_82] : memref<4095xf32, #tpu.memory_space<vmem>>[vector<16xi32>], vector<16xf32>,
      %gather3A_101 = tpu.vector_load_idx %arg10[%add3A_34, %gather3A_99] : memref<32x512xf32, #tpu.memory_space<vmem>>[vector<16xi32>, vector<16xi32>], vector<16xf32>,
      %gt3A_102 = arith.cmpf ogt, %gather3A_101, %gather3A_100 : vector<16xf32>
      %jit3A_103 = arith.constant 1 : i32
      %jit3A_104 = arith.constant 0 : i32
      %broadcast_in_dim3A_105 = vector.broadcast %jit3A_103 : i32 to vector<16xi32>
      %broadcast_in_dim3A_106 = vector.broadcast %jit3A_104 : i32 to vector<16xi32>
      %select_n3A_107 = arith.select %gt3A_102, %broadcast_in_dim3A_105, %broadcast_in_dim3A_106 : vector<16xi1>, vector<16xi32>
      %mul3A_108 = arith.constant 2 : i32
      %mul3A_109 = vector.broadcast %mul3A_108 : i32 to vector<16xi32>
      %mul3A_110 = arith.muli %add3A_82, %mul3A_109 : vector<16xi32>
      %add3A_111 = arith.constant 1 : i32
      %add3A_112 = vector.broadcast %add3A_111 : i32 to vector<16xi32>
      %add3A_113 = arith.addi %mul3A_110, %add3A_112 : vector<16xi32>
      %add3A_114 = arith.addi %add3A_113, %select_n3A_107 : vector<16xi32>
      %gather3A_115 = tpu.vector_load_idx %arg7[%add3A_98] : memref<4095xi32, #tpu.memory_space<vmem>>[vector<16xi32>], vector<16xi32>,
      %gather3A_116 = tpu.vector_load_idx %arg8[%add3A_98] : memref<4095xf32, #tpu.memory_space<vmem>>[vector<16xi32>], vector<16xf32>,
      %gather3A_117 = tpu.vector_load_idx %arg10[%add3A_31, %gather3A_115] : memref<32x512xf32, #tpu.memory_space<vmem>>[vector<16xi32>, vector<16xi32>], vector<16xf32>,
      %gt3A_118 = arith.cmpf ogt, %gather3A_117, %gather3A_116 : vector<16xf32>
      %jit3A_119 = arith.constant 1 : i32
      %jit3A_120 = arith.constant 0 : i32
      %broadcast_in_dim3A_121 = vector.broadcast %jit3A_119 : i32 to vector<16xi32>
      %broadcast_in_dim3A_122 = vector.broadcast %jit3A_120 : i32 to vector<16xi32>
      %select_n3A_123 = arith.select %gt3A_118, %broadcast_in_dim3A_121, %broadcast_in_dim3A_122 : vector<16xi1>, vector<16xi32>
      %mul3A_124 = arith.constant 2 : i32
      %mul3A_125 = vector.broadcast %mul3A_124 : i32 to vector<16xi32>
      %mul3A_126 = arith.muli %add3A_98, %mul3A_125 : vector<16xi32>
      %add3A_127 = arith.constant 1 : i32
      %add3A_128 = vector.broadcast %add3A_127 : i32 to vector<16xi32>
      %add3A_129 = arith.addi %mul3A_126, %add3A_128 : vector<16xi32>
      %add3A_130 = arith.addi %add3A_129, %select_n3A_123 : vector<16xi32>
      %gather3A_131 = tpu.vector_load_idx %arg7[%add3A_114] : memref<4095xi32, #tpu.memory_space<vmem>>[vector<16xi32>], vector<16xi32>,
      %gather3A_132 = tpu.vector_load_idx %arg8[%add3A_114] : memref<4095xf32, #tpu.memory_space<vmem>>[vector<16xi32>], vector<16xf32>,
      %gather3A_133 = tpu.vector_load_idx %arg10[%add3A_34, %gather3A_131] : memref<32x512xf32, #tpu.memory_space<vmem>>[vector<16xi32>, vector<16xi32>], vector<16xf32>,
      %gt3A_134 = arith.cmpf ogt, %gather3A_133, %gather3A_132 : vector<16xf32>
      %jit3A_135 = arith.constant 1 : i32
      %jit3A_136 = arith.constant 0 : i32
      %broadcast_in_dim3A_137 = vector.broadcast %jit3A_135 : i32 to vector<16xi32>
      %broadcast_in_dim3A_138 = vector.broadcast %jit3A_136 : i32 to vector<16xi32>
      %select_n3A_139 = arith.select %gt3A_134, %broadcast_in_dim3A_137, %broadcast_in_dim3A_138 : vector<16xi1>, vector<16xi32>
      %mul3A_140 = arith.constant 2 : i32
      %mul3A_141 = vector.broadcast %mul3A_140 : i32 to vector<16xi32>
      %mul3A_142 = arith.muli %add3A_114, %mul3A_141 : vector<16xi32>
      %add3A_143 = arith.constant 1 : i32
      %add3A_144 = vector.broadcast %add3A_143 : i32 to vector<16xi32>
      %add3A_145 = arith.addi %mul3A_142, %add3A_144 : vector<16xi32>
      %add3A_146 = arith.addi %add3A_145, %select_n3A_139 : vector<16xi32>
      %gather3A_147 = tpu.vector_load_idx %arg7[%add3A_130] : memref<4095xi32, #tpu.memory_space<vmem>>[vector<16xi32>], vector<16xi32>,
      %gather3A_148 = tpu.vector_load_idx %arg8[%add3A_130] : memref<4095xf32, #tpu.memory_space<vmem>>[vector<16xi32>], vector<16xf32>,
      %gather3A_149 = tpu.vector_load_idx %arg10[%add3A_31, %gather3A_147] : memref<32x512xf32, #tpu.memory_space<vmem>>[vector<16xi32>, vector<16xi32>], vector<16xf32>,
      %gt3A_150 = arith.cmpf ogt, %gather3A_149, %gather3A_148 : vector<16xf32>
      %jit3A_151 = arith.constant 1 : i32
      %jit3A_152 = arith.constant 0 : i32
      %broadcast_in_dim3A_153 = vector.broadcast %jit3A_151 : i32 to vector<16xi32>
      %broadcast_in_dim3A_154 = vector.broadcast %jit3A_152 : i32 to vector<16xi32>
      %select_n3A_155 = arith.select %gt3A_150, %broadcast_in_dim3A_153, %broadcast_in_dim3A_154 : vector<16xi1>, vector<16xi32>
      %mul3A_156 = arith.constant 2 : i32
      %mul3A_157 = vector.broadcast %mul3A_156 : i32 to vector<16xi32>
      %mul3A_158 = arith.muli %add3A_130, %mul3A_157 : vector<16xi32>
      %add3A_159 = arith.constant 1 : i32
      %add3A_160 = vector.broadcast %add3A_159 : i32 to vector<16xi32>
      %add3A_161 = arith.addi %mul3A_158, %add3A_160 : vector<16xi32>
      %add3A_162 = arith.addi %add3A_161, %select_n3A_155 : vector<16xi32>
      %gather3A_163 = tpu.vector_load_idx %arg7[%add3A_146] : memref<4095xi32, #tpu.memory_space<vmem>>[vector<16xi32>], vector<16xi32>,
      %gather3A_164 = tpu.vector_load_idx %arg8[%add3A_146] : memref<4095xf32, #tpu.memory_space<vmem>>[vector<16xi32>], vector<16xf32>,
      %gather3A_165 = tpu.vector_load_idx %arg10[%add3A_34, %gather3A_163] : memref<32x512xf32, #tpu.memory_space<vmem>>[vector<16xi32>, vector<16xi32>], vector<16xf32>,
      %gt3A_166 = arith.cmpf ogt, %gather3A_165, %gather3A_164 : vector<16xf32>
      %jit3A_167 = arith.constant 1 : i32
      %jit3A_168 = arith.constant 0 : i32
      %broadcast_in_dim3A_169 = vector.broadcast %jit3A_167 : i32 to vector<16xi32>
      %broadcast_in_dim3A_170 = vector.broadcast %jit3A_168 : i32 to vector<16xi32>
      %select_n3A_171 = arith.select %gt3A_166, %broadcast_in_dim3A_169, %broadcast_in_dim3A_170 : vector<16xi1>, vector<16xi32>
      %mul3A_172 = arith.constant 2 : i32
      %mul3A_173 = vector.broadcast %mul3A_172 : i32 to vector<16xi32>
      %mul3A_174 = arith.muli %add3A_146, %mul3A_173 : vector<16xi32>
      %add3A_175 = arith.constant 1 : i32
      %add3A_176 = vector.broadcast %add3A_175 : i32 to vector<16xi32>
      %add3A_177 = arith.addi %mul3A_174, %add3A_176 : vector<16xi32>
      %add3A_178 = arith.addi %add3A_177, %select_n3A_171 : vector<16xi32>
      %gather3A_179 = tpu.vector_load_idx %arg7[%add3A_162] : memref<4095xi32, #tpu.memory_space<vmem>>[vector<16xi32>], vector<16xi32>,
      %gather3A_180 = tpu.vector_load_idx %arg8[%add3A_162] : memref<4095xf32, #tpu.memory_space<vmem>>[vector<16xi32>], vector<16xf32>,
      %gather3A_181 = tpu.vector_load_idx %arg10[%add3A_31, %gather3A_179] : memref<32x512xf32, #tpu.memory_space<vmem>>[vector<16xi32>, vector<16xi32>], vector<16xf32>,
      %gt3A_182 = arith.cmpf ogt, %gather3A_181, %gather3A_180 : vector<16xf32>
      %jit3A_183 = arith.constant 1 : i32
      %jit3A_184 = arith.constant 0 : i32
      %broadcast_in_dim3A_185 = vector.broadcast %jit3A_183 : i32 to vector<16xi32>
      %broadcast_in_dim3A_186 = vector.broadcast %jit3A_184 : i32 to vector<16xi32>
      %select_n3A_187 = arith.select %gt3A_182, %broadcast_in_dim3A_185, %broadcast_in_dim3A_186 : vector<16xi1>, vector<16xi32>
      %mul3A_188 = arith.constant 2 : i32
      %mul3A_189 = vector.broadcast %mul3A_188 : i32 to vector<16xi32>
      %mul3A_190 = arith.muli %add3A_162, %mul3A_189 : vector<16xi32>
      %add3A_191 = arith.constant 1 : i32
      %add3A_192 = vector.broadcast %add3A_191 : i32 to vector<16xi32>
      %add3A_193 = arith.addi %mul3A_190, %add3A_192 : vector<16xi32>
      %add3A_194 = arith.addi %add3A_193, %select_n3A_187 : vector<16xi32>
      %gather3A_195 = tpu.vector_load_idx %arg7[%add3A_178] : memref<4095xi32, #tpu.memory_space<vmem>>[vector<16xi32>], vector<16xi32>,
      %gather3A_196 = tpu.vector_load_idx %arg8[%add3A_178] : memref<4095xf32, #tpu.memory_space<vmem>>[vector<16xi32>], vector<16xf32>,
      %gather3A_197 = tpu.vector_load_idx %arg10[%add3A_34, %gather3A_195] : memref<32x512xf32, #tpu.memory_space<vmem>>[vector<16xi32>, vector<16xi32>], vector<16xf32>,
      %gt3A_198 = arith.cmpf ogt, %gather3A_197, %gather3A_196 : vector<16xf32>
      %jit3A_199 = arith.constant 1 : i32
      %jit3A_200 = arith.constant 0 : i32
      %broadcast_in_dim3A_201 = vector.broadcast %jit3A_199 : i32 to vector<16xi32>
      %broadcast_in_dim3A_202 = vector.broadcast %jit3A_200 : i32 to vector<16xi32>
      %select_n3A_203 = arith.select %gt3A_198, %broadcast_in_dim3A_201, %broadcast_in_dim3A_202 : vector<16xi1>, vector<16xi32>
      %mul3A_204 = arith.constant 2 : i32
      %mul3A_205 = vector.broadcast %mul3A_204 : i32 to vector<16xi32>
      %mul3A_206 = arith.muli %add3A_178, %mul3A_205 : vector<16xi32>
      %add3A_207 = arith.constant 1 : i32
      %add3A_208 = vector.broadcast %add3A_207 : i32 to vector<16xi32>
      %add3A_209 = arith.addi %mul3A_206, %add3A_208 : vector<16xi32>
      %add3A_210 = arith.addi %add3A_209, %select_n3A_203 : vector<16xi32>
      %gather3A_211 = tpu.vector_load_idx %arg7[%add3A_194] : memref<4095xi32, #tpu.memory_space<vmem>>[vector<16xi32>], vector<16xi32>,
      %gather3A_212 = tpu.vector_load_idx %arg8[%add3A_194] : memref<4095xf32, #tpu.memory_space<vmem>>[vector<16xi32>], vector<16xf32>,
      %gather3A_213 = tpu.vector_load_idx %arg10[%add3A_31, %gather3A_211] : memref<32x512xf32, #tpu.memory_space<vmem>>[vector<16xi32>, vector<16xi32>], vector<16xf32>,
      %gt3A_214 = arith.cmpf ogt, %gather3A_213, %gather3A_212 : vector<16xf32>
      %jit3A_215 = arith.constant 1 : i32
      %jit3A_216 = arith.constant 0 : i32
      %broadcast_in_dim3A_217 = vector.broadcast %jit3A_215 : i32 to vector<16xi32>
      %broadcast_in_dim3A_218 = vector.broadcast %jit3A_216 : i32 to vector<16xi32>
      %select_n3A_219 = arith.select %gt3A_214, %broadcast_in_dim3A_217, %broadcast_in_dim3A_218 : vector<16xi1>, vector<16xi32>
      %mul3A_220 = arith.constant 2 : i32
      %mul3A_221 = vector.broadcast %mul3A_220 : i32 to vector<16xi32>
      %mul3A_222 = arith.muli %add3A_194, %mul3A_221 : vector<16xi32>
      %add3A_223 = arith.constant 1 : i32
      %add3A_224 = vector.broadcast %add3A_223 : i32 to vector<16xi32>
      %add3A_225 = arith.addi %mul3A_222, %add3A_224 : vector<16xi32>
      %add3A_226 = arith.addi %add3A_225, %select_n3A_219 : vector<16xi32>
      %gather3A_227 = tpu.vector_load_idx %arg7[%add3A_210] : memref<4095xi32, #tpu.memory_space<vmem>>[vector<16xi32>], vector<16xi32>,
      %gather3A_228 = tpu.vector_load_idx %arg8[%add3A_210] : memref<4095xf32, #tpu.memory_space<vmem>>[vector<16xi32>], vector<16xf32>,
      %gather3A_229 = tpu.vector_load_idx %arg10[%add3A_34, %gather3A_227] : memref<32x512xf32, #tpu.memory_space<vmem>>[vector<16xi32>, vector<16xi32>], vector<16xf32>,
      %gt3A_230 = arith.cmpf ogt, %gather3A_229, %gather3A_228 : vector<16xf32>
      %jit3A_231 = arith.constant 1 : i32
      %jit3A_232 = arith.constant 0 : i32
      %broadcast_in_dim3A_233 = vector.broadcast %jit3A_231 : i32 to vector<16xi32>
      %broadcast_in_dim3A_234 = vector.broadcast %jit3A_232 : i32 to vector<16xi32>
      %select_n3A_235 = arith.select %gt3A_230, %broadcast_in_dim3A_233, %broadcast_in_dim3A_234 : vector<16xi1>, vector<16xi32>
      %mul3A_236 = arith.constant 2 : i32
      %mul3A_237 = vector.broadcast %mul3A_236 : i32 to vector<16xi32>
      %mul3A_238 = arith.muli %add3A_210, %mul3A_237 : vector<16xi32>
      %add3A_239 = arith.constant 1 : i32
      %add3A_240 = vector.broadcast %add3A_239 : i32 to vector<16xi32>
      %add3A_241 = arith.addi %mul3A_238, %add3A_240 : vector<16xi32>
      %add3A_242 = arith.addi %add3A_241, %select_n3A_235 : vector<16xi32>
      %gather3A_243 = tpu.vector_load_idx %arg7[%add3A_226] : memref<4095xi32, #tpu.memory_space<vmem>>[vector<16xi32>], vector<16xi32>,
      %gather3A_244 = tpu.vector_load_idx %arg8[%add3A_226] : memref<4095xf32, #tpu.memory_space<vmem>>[vector<16xi32>], vector<16xf32>,
      %gather3A_245 = tpu.vector_load_idx %arg10[%add3A_31, %gather3A_243] : memref<32x512xf32, #tpu.memory_space<vmem>>[vector<16xi32>, vector<16xi32>], vector<16xf32>,
      %gt3A_246 = arith.cmpf ogt, %gather3A_245, %gather3A_244 : vector<16xf32>
      %jit3A_247 = arith.constant 1 : i32
      %jit3A_248 = arith.constant 0 : i32
      %broadcast_in_dim3A_249 = vector.broadcast %jit3A_247 : i32 to vector<16xi32>
      %broadcast_in_dim3A_250 = vector.broadcast %jit3A_248 : i32 to vector<16xi32>
      %select_n3A_251 = arith.select %gt3A_246, %broadcast_in_dim3A_249, %broadcast_in_dim3A_250 : vector<16xi1>, vector<16xi32>
      %mul3A_252 = arith.constant 2 : i32
      %mul3A_253 = vector.broadcast %mul3A_252 : i32 to vector<16xi32>
      %mul3A_254 = arith.muli %add3A_226, %mul3A_253 : vector<16xi32>
      %add3A_255 = arith.constant 1 : i32
      %add3A_256 = vector.broadcast %add3A_255 : i32 to vector<16xi32>
      %add3A_257 = arith.addi %mul3A_254, %add3A_256 : vector<16xi32>
      %add3A_258 = arith.addi %add3A_257, %select_n3A_251 : vector<16xi32>
      %gather3A_259 = tpu.vector_load_idx %arg7[%add3A_242] : memref<4095xi32, #tpu.memory_space<vmem>>[vector<16xi32>], vector<16xi32>,
      %gather3A_260 = tpu.vector_load_idx %arg8[%add3A_242] : memref<4095xf32, #tpu.memory_space<vmem>>[vector<16xi32>], vector<16xf32>,
      %gather3A_261 = tpu.vector_load_idx %arg10[%add3A_34, %gather3A_259] : memref<32x512xf32, #tpu.memory_space<vmem>>[vector<16xi32>, vector<16xi32>], vector<16xf32>,
      %gt3A_262 = arith.cmpf ogt, %gather3A_261, %gather3A_260 : vector<16xf32>
      %jit3A_263 = arith.constant 1 : i32
      %jit3A_264 = arith.constant 0 : i32
      %broadcast_in_dim3A_265 = vector.broadcast %jit3A_263 : i32 to vector<16xi32>
      %broadcast_in_dim3A_266 = vector.broadcast %jit3A_264 : i32 to vector<16xi32>
      %select_n3A_267 = arith.select %gt3A_262, %broadcast_in_dim3A_265, %broadcast_in_dim3A_266 : vector<16xi1>, vector<16xi32>
      %mul3A_268 = arith.constant 2 : i32
      %mul3A_269 = vector.broadcast %mul3A_268 : i32 to vector<16xi32>
      %mul3A_270 = arith.muli %add3A_242, %mul3A_269 : vector<16xi32>
      %add3A_271 = arith.constant 1 : i32
      %add3A_272 = vector.broadcast %add3A_271 : i32 to vector<16xi32>
      %add3A_273 = arith.addi %mul3A_270, %add3A_272 : vector<16xi32>
      %add3A_274 = arith.addi %add3A_273, %select_n3A_267 : vector<16xi32>
      %gather3A_275 = tpu.vector_load_idx %arg7[%add3A_258] : memref<4095xi32, #tpu.memory_space<vmem>>[vector<16xi32>], vector<16xi32>,
      %gather3A_276 = tpu.vector_load_idx %arg8[%add3A_258] : memref<4095xf32, #tpu.memory_space<vmem>>[vector<16xi32>], vector<16xf32>,
      %gather3A_277 = tpu.vector_load_idx %arg10[%add3A_31, %gather3A_275] : memref<32x512xf32, #tpu.memory_space<vmem>>[vector<16xi32>, vector<16xi32>], vector<16xf32>,
      %gt3A_278 = arith.cmpf ogt, %gather3A_277, %gather3A_276 : vector<16xf32>
      %jit3A_279 = arith.constant 1 : i32
      %jit3A_280 = arith.constant 0 : i32
      %broadcast_in_dim3A_281 = vector.broadcast %jit3A_279 : i32 to vector<16xi32>
      %broadcast_in_dim3A_282 = vector.broadcast %jit3A_280 : i32 to vector<16xi32>
      %select_n3A_283 = arith.select %gt3A_278, %broadcast_in_dim3A_281, %broadcast_in_dim3A_282 : vector<16xi1>, vector<16xi32>
      %mul3A_284 = arith.constant 2 : i32
      %mul3A_285 = vector.broadcast %mul3A_284 : i32 to vector<16xi32>
      %mul3A_286 = arith.muli %add3A_258, %mul3A_285 : vector<16xi32>
      %add3A_287 = arith.constant 1 : i32
      %add3A_288 = vector.broadcast %add3A_287 : i32 to vector<16xi32>
      %add3A_289 = arith.addi %mul3A_286, %add3A_288 : vector<16xi32>
      %add3A_290 = arith.addi %add3A_289, %select_n3A_283 : vector<16xi32>
      %gather3A_291 = tpu.vector_load_idx %arg7[%add3A_274] : memref<4095xi32, #tpu.memory_space<vmem>>[vector<16xi32>], vector<16xi32>,
      %gather3A_292 = tpu.vector_load_idx %arg8[%add3A_274] : memref<4095xf32, #tpu.memory_space<vmem>>[vector<16xi32>], vector<16xf32>,
      %gather3A_293 = tpu.vector_load_idx %arg10[%add3A_34, %gather3A_291] : memref<32x512xf32, #tpu.memory_space<vmem>>[vector<16xi32>, vector<16xi32>], vector<16xf32>,
      %gt3A_294 = arith.cmpf ogt, %gather3A_293, %gather3A_292 : vector<16xf32>
      %jit3A_295 = arith.constant 1 : i32
      %jit3A_296 = arith.constant 0 : i32
      %broadcast_in_dim3A_297 = vector.broadcast %jit3A_295 : i32 to vector<16xi32>
      %broadcast_in_dim3A_298 = vector.broadcast %jit3A_296 : i32 to vector<16xi32>
      %select_n3A_299 = arith.select %gt3A_294, %broadcast_in_dim3A_297, %broadcast_in_dim3A_298 : vector<16xi1>, vector<16xi32>
      %mul3A_300 = arith.constant 2 : i32
      %mul3A_301 = vector.broadcast %mul3A_300 : i32 to vector<16xi32>
      %mul3A_302 = arith.muli %add3A_274, %mul3A_301 : vector<16xi32>
      %add3A_303 = arith.constant 1 : i32
      %add3A_304 = vector.broadcast %add3A_303 : i32 to vector<16xi32>
      %add3A_305 = arith.addi %mul3A_302, %add3A_304 : vector<16xi32>
      %add3A_306 = arith.addi %add3A_305, %select_n3A_299 : vector<16xi32>
      %gather3A_307 = tpu.vector_load_idx %arg7[%add3A_290] : memref<4095xi32, #tpu.memory_space<vmem>>[vector<16xi32>], vector<16xi32>,
      %gather3A_308 = tpu.vector_load_idx %arg8[%add3A_290] : memref<4095xf32, #tpu.memory_space<vmem>>[vector<16xi32>], vector<16xf32>,
      %gather3A_309 = tpu.vector_load_idx %arg10[%add3A_31, %gather3A_307] : memref<32x512xf32, #tpu.memory_space<vmem>>[vector<16xi32>, vector<16xi32>], vector<16xf32>,
      %gt3A_310 = arith.cmpf ogt, %gather3A_309, %gather3A_308 : vector<16xf32>
      %jit3A_311 = arith.constant 1 : i32
      %jit3A_312 = arith.constant 0 : i32
      %broadcast_in_dim3A_313 = vector.broadcast %jit3A_311 : i32 to vector<16xi32>
      %broadcast_in_dim3A_314 = vector.broadcast %jit3A_312 : i32 to vector<16xi32>
      %select_n3A_315 = arith.select %gt3A_310, %broadcast_in_dim3A_313, %broadcast_in_dim3A_314 : vector<16xi1>, vector<16xi32>
      %mul3A_316 = arith.constant 2 : i32
      %mul3A_317 = vector.broadcast %mul3A_316 : i32 to vector<16xi32>
      %mul3A_318 = arith.muli %add3A_290, %mul3A_317 : vector<16xi32>
      %add3A_319 = arith.constant 1 : i32
      %add3A_320 = vector.broadcast %add3A_319 : i32 to vector<16xi32>
      %add3A_321 = arith.addi %mul3A_318, %add3A_320 : vector<16xi32>
      %add3A_322 = arith.addi %add3A_321, %select_n3A_315 : vector<16xi32>
      %gather3A_323 = tpu.vector_load_idx %arg7[%add3A_306] : memref<4095xi32, #tpu.memory_space<vmem>>[vector<16xi32>], vector<16xi32>,
      %gather3A_324 = tpu.vector_load_idx %arg8[%add3A_306] : memref<4095xf32, #tpu.memory_space<vmem>>[vector<16xi32>], vector<16xf32>,
      %gather3A_325 = tpu.vector_load_idx %arg10[%add3A_34, %gather3A_323] : memref<32x512xf32, #tpu.memory_space<vmem>>[vector<16xi32>, vector<16xi32>], vector<16xf32>,
      %gt3A_326 = arith.cmpf ogt, %gather3A_325, %gather3A_324 : vector<16xf32>
      %jit3A_327 = arith.constant 1 : i32
      %jit3A_328 = arith.constant 0 : i32
      %broadcast_in_dim3A_329 = vector.broadcast %jit3A_327 : i32 to vector<16xi32>
      %broadcast_in_dim3A_330 = vector.broadcast %jit3A_328 : i32 to vector<16xi32>
      %select_n3A_331 = arith.select %gt3A_326, %broadcast_in_dim3A_329, %broadcast_in_dim3A_330 : vector<16xi1>, vector<16xi32>
      %mul3A_332 = arith.constant 2 : i32
      %mul3A_333 = vector.broadcast %mul3A_332 : i32 to vector<16xi32>
      %mul3A_334 = arith.muli %add3A_306, %mul3A_333 : vector<16xi32>
      %add3A_335 = arith.constant 1 : i32
      %add3A_336 = vector.broadcast %add3A_335 : i32 to vector<16xi32>
      %add3A_337 = arith.addi %mul3A_334, %add3A_336 : vector<16xi32>
      %add3A_338 = arith.addi %add3A_337, %select_n3A_331 : vector<16xi32>
      %gather3A_339 = tpu.vector_load_idx %arg7[%add3A_322] : memref<4095xi32, #tpu.memory_space<vmem>>[vector<16xi32>], vector<16xi32>,
      %gather3A_340 = tpu.vector_load_idx %arg8[%add3A_322] : memref<4095xf32, #tpu.memory_space<vmem>>[vector<16xi32>], vector<16xf32>,
      %gather3A_341 = tpu.vector_load_idx %arg10[%add3A_31, %gather3A_339] : memref<32x512xf32, #tpu.memory_space<vmem>>[vector<16xi32>, vector<16xi32>], vector<16xf32>,
      %gt3A_342 = arith.cmpf ogt, %gather3A_341, %gather3A_340 : vector<16xf32>
      %jit3A_343 = arith.constant 1 : i32
      %jit3A_344 = arith.constant 0 : i32
      %broadcast_in_dim3A_345 = vector.broadcast %jit3A_343 : i32 to vector<16xi32>
      %broadcast_in_dim3A_346 = vector.broadcast %jit3A_344 : i32 to vector<16xi32>
      %select_n3A_347 = arith.select %gt3A_342, %broadcast_in_dim3A_345, %broadcast_in_dim3A_346 : vector<16xi1>, vector<16xi32>
      %mul3A_348 = arith.constant 2 : i32
      %mul3A_349 = vector.broadcast %mul3A_348 : i32 to vector<16xi32>
      %mul3A_350 = arith.muli %add3A_322, %mul3A_349 : vector<16xi32>
      %add3A_351 = arith.constant 1 : i32
      %add3A_352 = vector.broadcast %add3A_351 : i32 to vector<16xi32>
      %add3A_353 = arith.addi %mul3A_350, %add3A_352 : vector<16xi32>
      %add3A_354 = arith.addi %add3A_353, %select_n3A_347 : vector<16xi32>
      %gather3A_355 = tpu.vector_load_idx %arg7[%add3A_338] : memref<4095xi32, #tpu.memory_space<vmem>>[vector<16xi32>], vector<16xi32>,
      %gather3A_356 = tpu.vector_load_idx %arg8[%add3A_338] : memref<4095xf32, #tpu.memory_space<vmem>>[vector<16xi32>], vector<16xf32>,
      %gather3A_357 = tpu.vector_load_idx %arg10[%add3A_34, %gather3A_355] : memref<32x512xf32, #tpu.memory_space<vmem>>[vector<16xi32>, vector<16xi32>], vector<16xf32>,
      %gt3A_358 = arith.cmpf ogt, %gather3A_357, %gather3A_356 : vector<16xf32>
      %jit3A_359 = arith.constant 1 : i32
      %jit3A_360 = arith.constant 0 : i32
      %broadcast_in_dim3A_361 = vector.broadcast %jit3A_359 : i32 to vector<16xi32>
      %broadcast_in_dim3A_362 = vector.broadcast %jit3A_360 : i32 to vector<16xi32>
      %select_n3A_363 = arith.select %gt3A_358, %broadcast_in_dim3A_361, %broadcast_in_dim3A_362 : vector<16xi1>, vector<16xi32>
      %mul3A_364 = arith.constant 2 : i32
      %mul3A_365 = vector.broadcast %mul3A_364 : i32 to vector<16xi32>
      %mul3A_366 = arith.muli %add3A_338, %mul3A_365 : vector<16xi32>
      %add3A_367 = arith.constant 1 : i32
      %add3A_368 = vector.broadcast %add3A_367 : i32 to vector<16xi32>
      %add3A_369 = arith.addi %mul3A_366, %add3A_368 : vector<16xi32>
      %add3A_370 = arith.addi %add3A_369, %select_n3A_363 : vector<16xi32>
      %gather3A_371 = tpu.vector_load_idx %arg7[%add3A_354] : memref<4095xi32, #tpu.memory_space<vmem>>[vector<16xi32>], vector<16xi32>,
      %gather3A_372 = tpu.vector_load_idx %arg8[%add3A_354] : memref<4095xf32, #tpu.memory_space<vmem>>[vector<16xi32>], vector<16xf32>,
      %gather3A_373 = tpu.vector_load_idx %arg10[%add3A_31, %gather3A_371] : memref<32x512xf32, #tpu.memory_space<vmem>>[vector<16xi32>, vector<16xi32>], vector<16xf32>,
      %gt3A_374 = arith.cmpf ogt, %gather3A_373, %gather3A_372 : vector<16xf32>
      %jit3A_375 = arith.constant 1 : i32
      %jit3A_376 = arith.constant 0 : i32
      %broadcast_in_dim3A_377 = vector.broadcast %jit3A_375 : i32 to vector<16xi32>
      %broadcast_in_dim3A_378 = vector.broadcast %jit3A_376 : i32 to vector<16xi32>
      %select_n3A_379 = arith.select %gt3A_374, %broadcast_in_dim3A_377, %broadcast_in_dim3A_378 : vector<16xi1>, vector<16xi32>
      %mul3A_380 = arith.constant 2 : i32
      %mul3A_381 = vector.broadcast %mul3A_380 : i32 to vector<16xi32>
      %mul3A_382 = arith.muli %add3A_354, %mul3A_381 : vector<16xi32>
      %add3A_383 = arith.constant 1 : i32
      %add3A_384 = vector.broadcast %add3A_383 : i32 to vector<16xi32>
      %add3A_385 = arith.addi %mul3A_382, %add3A_384 : vector<16xi32>
      %add3A_386 = arith.addi %add3A_385, %select_n3A_379 : vector<16xi32>
      %gather3A_387 = tpu.vector_load_idx %arg7[%add3A_370] : memref<4095xi32, #tpu.memory_space<vmem>>[vector<16xi32>], vector<16xi32>,
      %gather3A_388 = tpu.vector_load_idx %arg8[%add3A_370] : memref<4095xf32, #tpu.memory_space<vmem>>[vector<16xi32>], vector<16xf32>,
      %gather3A_389 = tpu.vector_load_idx %arg10[%add3A_34, %gather3A_387] : memref<32x512xf32, #tpu.memory_space<vmem>>[vector<16xi32>, vector<16xi32>], vector<16xf32>,
      %gt3A_390 = arith.cmpf ogt, %gather3A_389, %gather3A_388 : vector<16xf32>
      %jit3A_391 = arith.constant 1 : i32
      %jit3A_392 = arith.constant 0 : i32
      %broadcast_in_dim3A_393 = vector.broadcast %jit3A_391 : i32 to vector<16xi32>
      %broadcast_in_dim3A_394 = vector.broadcast %jit3A_392 : i32 to vector<16xi32>
      %select_n3A_395 = arith.select %gt3A_390, %broadcast_in_dim3A_393, %broadcast_in_dim3A_394 : vector<16xi1>, vector<16xi32>
      %mul3A_396 = arith.constant 2 : i32
      %mul3A_397 = vector.broadcast %mul3A_396 : i32 to vector<16xi32>
      %mul3A_398 = arith.muli %add3A_370, %mul3A_397 : vector<16xi32>
      %add3A_399 = arith.constant 1 : i32
      %add3A_400 = vector.broadcast %add3A_399 : i32 to vector<16xi32>
      %add3A_401 = arith.addi %mul3A_398, %add3A_400 : vector<16xi32>
      %add3A_402 = arith.addi %add3A_401, %select_n3A_395 : vector<16xi32>
      %gather3A_403 = tpu.vector_load_idx %arg7[%add3A_386] : memref<4095xi32, #tpu.memory_space<vmem>>[vector<16xi32>], vector<16xi32>,
      %gather3A_404 = tpu.vector_load_idx %arg8[%add3A_386] : memref<4095xf32, #tpu.memory_space<vmem>>[vector<16xi32>], vector<16xf32>,
      %gather3A_405 = tpu.vector_load_idx %arg10[%add3A_31, %gather3A_403] : memref<32x512xf32, #tpu.memory_space<vmem>>[vector<16xi32>, vector<16xi32>], vector<16xf32>,
      %gt3A_406 = arith.cmpf ogt, %gather3A_405, %gather3A_404 : vector<16xf32>
      %jit3A_407 = arith.constant 1 : i32
      %jit3A_408 = arith.constant 0 : i32
      %broadcast_in_dim3A_409 = vector.broadcast %jit3A_407 : i32 to vector<16xi32>
      %broadcast_in_dim3A_410 = vector.broadcast %jit3A_408 : i32 to vector<16xi32>
      %select_n3A_411 = arith.select %gt3A_406, %broadcast_in_dim3A_409, %broadcast_in_dim3A_410 : vector<16xi1>, vector<16xi32>
      %mul3A_412 = arith.constant 2 : i32
      %mul3A_413 = vector.broadcast %mul3A_412 : i32 to vector<16xi32>
      %mul3A_414 = arith.muli %add3A_386, %mul3A_413 : vector<16xi32>
      %add3A_415 = arith.constant 1 : i32
      %add3A_416 = vector.broadcast %add3A_415 : i32 to vector<16xi32>
      %add3A_417 = arith.addi %mul3A_414, %add3A_416 : vector<16xi32>
      %add3A_418 = arith.addi %add3A_417, %select_n3A_411 : vector<16xi32>
      %gather3A_419 = tpu.vector_load_idx %arg7[%add3A_402] : memref<4095xi32, #tpu.memory_space<vmem>>[vector<16xi32>], vector<16xi32>,
      %gather3A_420 = tpu.vector_load_idx %arg8[%add3A_402] : memref<4095xf32, #tpu.memory_space<vmem>>[vector<16xi32>], vector<16xf32>,
      %gather3A_421 = tpu.vector_load_idx %arg10[%add3A_34, %gather3A_419] : memref<32x512xf32, #tpu.memory_space<vmem>>[vector<16xi32>, vector<16xi32>], vector<16xf32>,
      %gt3A_422 = arith.cmpf ogt, %gather3A_421, %gather3A_420 : vector<16xf32>
      %jit3A_423 = arith.constant 1 : i32
      %jit3A_424 = arith.constant 0 : i32
      %broadcast_in_dim3A_425 = vector.broadcast %jit3A_423 : i32 to vector<16xi32>
      %broadcast_in_dim3A_426 = vector.broadcast %jit3A_424 : i32 to vector<16xi32>
      %select_n3A_427 = arith.select %gt3A_422, %broadcast_in_dim3A_425, %broadcast_in_dim3A_426 : vector<16xi1>, vector<16xi32>
      %mul3A_428 = arith.constant 2 : i32
      %mul3A_429 = vector.broadcast %mul3A_428 : i32 to vector<16xi32>
      %mul3A_430 = arith.muli %add3A_402, %mul3A_429 : vector<16xi32>
      %add3A_431 = arith.constant 1 : i32
      %add3A_432 = vector.broadcast %add3A_431 : i32 to vector<16xi32>
      %add3A_433 = arith.addi %mul3A_430, %add3A_432 : vector<16xi32>
      %add3A_434 = arith.addi %add3A_433, %select_n3A_427 : vector<16xi32>
      %lt3A = arith.constant 3 : i32
      %lt3A_435 = arith.cmpi slt, %scan3A_56, %lt3A : i32
      %convert_element_type3A = arith.extui %lt3A_435 : i1 to i32
      %cond3A = arith.constant 0 : i32
      %cond3A_436 = arith.cmpi ne, %convert_element_type3A, %cond3A : i32
      scf.if %cond3A_436 {
        %add3A_1709 = arith.constant 4 : i32
        %add3A_1710 = arith.addi %add3A_60, %add3A_1709 : i32
        %mul3A_1711 = arith.constant 32 : i32
        %mul3A_1712 = arith.muli %add3A_1710, %mul3A_1711 : i32
        %add3A_1713 = arith.addi %mul3A_2, %mul3A_1712 : i32
        %dma_start3A_1714 = arith.constant 0 : i32
        %dma_start3A_1715 = tpu.memref_slice %arg2[%add3A_1713, %dma_start3A_1714] : memref<16384x512xf32, #tpu.memory_space<hbm>> -> memref<32x512xf32, #tpu.memory_space<hbm>>
        %dma_start3A_1716 = arith.constant 0 : i32
        %dma_start3A_1717 = tpu.memref_slice %arg2[%add3A_1713, %dma_start3A_1716] : memref<16384x512xf32, #tpu.memory_space<hbm>> -> memref<32x512xf32, #tpu.memory_space<hbm>>
        tpu.enqueue_dma source(%dma_start3A_1717 : memref<32x512xf32, #tpu.memory_space<hbm>>) target(%arg10 : memref<32x512xf32, #tpu.memory_space<vmem>>) target_semaphore(%arg22 : memref<!tpu.dma_semaphore, #tpu.memory_space<semaphore_mem>>)
      } else {
      }
      %gt3A_437 = arith.constant 0 : i32
      %gt3A_438 = arith.cmpi sgt, %scan3A_56, %gt3A_437 : i32
      %convert_element_type3A_439 = arith.extui %gt3A_438 : i1 to i32
      %cond3A_440 = arith.constant 0 : i32
      %cond3A_441 = arith.cmpi ne, %convert_element_type3A_439, %cond3A_440 : i32
      scf.if %cond3A_441 {
        %dma_wait3A_1709 = arith.constant 0 : i32
        %dma_wait3A_1710 = tpu.memref_slice %arg6[%mul3A_2, %dma_wait3A_1709] : memref<16384x128xf32, #tpu.memory_space<hbm>> -> memref<32x128xf32, #tpu.memory_space<hbm>>
        %dma_wait3A_1711 = arith.constant 0 : i32
        %dma_wait3A_1712 = tpu.memref_slice %arg6[%mul3A_2, %dma_wait3A_1711] : memref<16384x128xf32, #tpu.memory_space<hbm>> -> memref<32x128xf32, #tpu.memory_space<hbm>>
        tpu.wait_dma2 semaphore(%arg30 : memref<!tpu.dma_semaphore, #tpu.memory_space<semaphore_mem>>) src(%arg18 : memref<32x128xf32, #tpu.memory_space<vmem>>) dst(%dma_wait3A_1712 : memref<32x128xf32, #tpu.memory_space<hbm>>)
      } else {
      }
      %sub3A = arith.constant 4095 : i32
      %sub3A_442 = vector.broadcast %sub3A : i32 to vector<16xi32>
      %sub3A_443 = arith.subi %add3A_418, %sub3A_442 : vector<16xi32>
      %swap3A = arith.constant 0 : index
      %swap3A_444 = tpu.vector_load %arg14[%swap3A] {strides = array<i32>} : memref<32xi32, #tpu.memory_space<vmem>>, vector<16xi32>,
      tpu.vector_store %arg14[%swap3A], %sub3A_443 {strides = array<i32>} : memref<32xi32, #tpu.memory_space<vmem>>, vector<16xi32>,
      %sub3A_445 = arith.constant 4095 : i32
      %sub3A_446 = vector.broadcast %sub3A_445 : i32 to vector<16xi32>
      %sub3A_447 = arith.subi %add3A_434, %sub3A_446 : vector<16xi32>
      %swap3A_448 = arith.constant 16 : index
      %swap3A_449 = tpu.vector_load %arg14[%swap3A_448] {strides = array<i32>} : memref<32xi32, #tpu.memory_space<vmem>>, vector<16xi32>,
      tpu.vector_store %arg14[%swap3A_448], %sub3A_447 {strides = array<i32>} : memref<32xi32, #tpu.memory_space<vmem>>, vector<16xi32>,
      %dma_start3A_450 = arith.constant 0 : i32
      %dma_start3A_451 = arith.constant 0 : i32
      %dma_start3A_452 = tpu.memref_slice %arg9[%dma_start3A_450, %dma_start3A_451] : memref<4096x128xf32, #tpu.memory_space<vmem_shared>> -> memref<4096x128xf32, #tpu.memory_space<vmem_shared>>
      tpu.enqueue_indirect_dma source(%dma_start3A_452 : memref<4096x128xf32, #tpu.memory_space<vmem_shared>>) target(%arg18 : memref<32x128xf32, #tpu.memory_space<vmem>>) offsets(%arg14 : memref<32xi32, #tpu.memory_space<vmem>>) semaphore(%arg26 : memref<!tpu.dma_semaphore, #tpu.memory_space<semaphore_mem>>)
      %gt3A_453 = arith.constant 0 : i32
      %gt3A_454 = arith.cmpi sgt, %scan3A_56, %gt3A_453 : i32
      %convert_element_type3A_455 = arith.extui %gt3A_454 : i1 to i32
      %cond3A_456 = arith.constant 0 : i32
      %cond3A_457 = arith.cmpi ne, %convert_element_type3A_455, %cond3A_456 : i32
      scf.if %cond3A_457 {
        %dma_wait3A_1709 = arith.constant 0 : i32
        %dma_wait3A_1710 = arith.constant 0 : i32
        %dma_wait3A_1711 = tpu.memref_slice %arg9[%dma_wait3A_1709, %dma_wait3A_1710] : memref<4096x128xf32, #tpu.memory_space<vmem_shared>> -> memref<4096x128xf32, #tpu.memory_space<vmem_shared>>
        tpu.wait_indirect_dma semaphore(%arg29 : memref<!tpu.dma_semaphore, #tpu.memory_space<semaphore_mem>>) src(%dma_wait3A_1711 : memref<4096x128xf32, #tpu.memory_space<vmem_shared>>) dst(%arg21 : memref<32x128xf32, #tpu.memory_space<vmem>>)
        %sub3A_1712 = arith.constant 1 : i32
        %sub3A_1713 = arith.subi %add3A_60, %sub3A_1712 : i32
        %mul3A_1714 = arith.constant 32 : i32
        %mul3A_1715 = arith.muli %sub3A_1713, %mul3A_1714 : i32
        %add3A_1716 = arith.addi %mul3A_2, %mul3A_1715 : i32
        %dma_start3A_1717 = arith.constant 0 : i32
        %dma_start3A_1718 = tpu.memref_slice %arg6[%add3A_1716, %dma_start3A_1717] : memref<16384x128xf32, #tpu.memory_space<hbm>> -> memref<32x128xf32, #tpu.memory_space<hbm>>
        %dma_start3A_1719 = arith.constant 0 : i32
        %dma_start3A_1720 = tpu.memref_slice %arg6[%add3A_1716, %dma_start3A_1719] : memref<16384x128xf32, #tpu.memory_space<hbm>> -> memref<32x128xf32, #tpu.memory_space<hbm>>
        tpu.enqueue_dma source(%arg21 : memref<32x128xf32, #tpu.memory_space<vmem>>) target(%dma_start3A_1720 : memref<32x128xf32, #tpu.memory_space<hbm>>) target_semaphore(%arg33 : memref<!tpu.dma_semaphore, #tpu.memory_space<semaphore_mem>>)
      } else {
      }
      %mul3A_458 = arith.constant 4 : i32
      %mul3A_459 = arith.muli %scan3A_56, %mul3A_458 : i32
      %add3A_460 = arith.constant 1 : i32
      %add3A_461 = arith.addi %mul3A_459, %add3A_460 : i32
      %dma_wait3A_462 = arith.constant 0 : i32
      %dma_wait3A_463 = tpu.memref_slice %arg2[%mul3A_2, %dma_wait3A_462] : memref<16384x512xf32, #tpu.memory_space<hbm>> -> memref<32x512xf32, #tpu.memory_space<hbm>>
      %dma_wait3A_464 = arith.constant 0 : i32
      %dma_wait3A_465 = tpu.memref_slice %arg2[%mul3A_2, %dma_wait3A_464] : memref<16384x512xf32, #tpu.memory_space<hbm>> -> memref<32x512xf32, #tpu.memory_space<hbm>>
      tpu.wait_dma2 semaphore(%arg23 : memref<!tpu.dma_semaphore, #tpu.memory_space<semaphore_mem>>) src(%dma_wait3A_465 : memref<32x512xf32, #tpu.memory_space<hbm>>) dst(%arg11 : memref<32x512xf32, #tpu.memory_space<vmem>>)
      %gather3A_466 = tpu.vector_load_idx %arg7[%broadcast_in_dim3A_28] : memref<4095xi32, #tpu.memory_space<vmem>>[vector<16xi32>], vector<16xi32>,
      %gather3A_467 = tpu.vector_load_idx %arg8[%broadcast_in_dim3A_28] : memref<4095xf32, #tpu.memory_space<vmem>>[vector<16xi32>], vector<16xf32>,
      %gather3A_468 = tpu.vector_load_idx %arg11[%add3A_31, %gather3A_466] : memref<32x512xf32, #tpu.memory_space<vmem>>[vector<16xi32>, vector<16xi32>], vector<16xf32>,
      %gt3A_469 = arith.cmpf ogt, %gather3A_468, %gather3A_467 : vector<16xf32>
      %jit3A_470 = arith.constant 1 : i32
      %jit3A_471 = arith.constant 0 : i32
      %broadcast_in_dim3A_472 = vector.broadcast %jit3A_470 : i32 to vector<16xi32>
      %broadcast_in_dim3A_473 = vector.broadcast %jit3A_471 : i32 to vector<16xi32>
      %select_n3A_474 = arith.select %gt3A_469, %broadcast_in_dim3A_472, %broadcast_in_dim3A_473 : vector<16xi1>, vector<16xi32>
      %add3A_475 = arith.constant 1 : i32
      %add3A_476 = vector.broadcast %add3A_475 : i32 to vector<16xi32>
      %add3A_477 = arith.addi %add3A_476, %select_n3A_474 : vector<16xi32>
      %gather3A_478 = tpu.vector_load_idx %arg11[%add3A_34, %gather3A_466] : memref<32x512xf32, #tpu.memory_space<vmem>>[vector<16xi32>, vector<16xi32>], vector<16xf32>,
      %gt3A_479 = arith.cmpf ogt, %gather3A_478, %gather3A_467 : vector<16xf32>
      %jit3A_480 = arith.constant 1 : i32
      %jit3A_481 = arith.constant 0 : i32
      %broadcast_in_dim3A_482 = vector.broadcast %jit3A_480 : i32 to vector<16xi32>
      %broadcast_in_dim3A_483 = vector.broadcast %jit3A_481 : i32 to vector<16xi32>
      %select_n3A_484 = arith.select %gt3A_479, %broadcast_in_dim3A_482, %broadcast_in_dim3A_483 : vector<16xi1>, vector<16xi32>
      %add3A_485 = arith.constant 1 : i32
      %add3A_486 = vector.broadcast %add3A_485 : i32 to vector<16xi32>
      %add3A_487 = arith.addi %add3A_486, %select_n3A_484 : vector<16xi32>
      %gather3A_488 = tpu.vector_load_idx %arg7[%add3A_477] : memref<4095xi32, #tpu.memory_space<vmem>>[vector<16xi32>], vector<16xi32>,
      %gather3A_489 = tpu.vector_load_idx %arg8[%add3A_477] : memref<4095xf32, #tpu.memory_space<vmem>>[vector<16xi32>], vector<16xf32>,
      %gather3A_490 = tpu.vector_load_idx %arg11[%add3A_31, %gather3A_488] : memref<32x512xf32, #tpu.memory_space<vmem>>[vector<16xi32>, vector<16xi32>], vector<16xf32>,
      %gt3A_491 = arith.cmpf ogt, %gather3A_490, %gather3A_489 : vector<16xf32>
      %jit3A_492 = arith.constant 1 : i32
      %jit3A_493 = arith.constant 0 : i32
      %broadcast_in_dim3A_494 = vector.broadcast %jit3A_492 : i32 to vector<16xi32>
      %broadcast_in_dim3A_495 = vector.broadcast %jit3A_493 : i32 to vector<16xi32>
      %select_n3A_496 = arith.select %gt3A_491, %broadcast_in_dim3A_494, %broadcast_in_dim3A_495 : vector<16xi1>, vector<16xi32>
      %mul3A_497 = arith.constant 2 : i32
      %mul3A_498 = vector.broadcast %mul3A_497 : i32 to vector<16xi32>
      %mul3A_499 = arith.muli %add3A_477, %mul3A_498 : vector<16xi32>
      %add3A_500 = arith.constant 1 : i32
      %add3A_501 = vector.broadcast %add3A_500 : i32 to vector<16xi32>
      %add3A_502 = arith.addi %mul3A_499, %add3A_501 : vector<16xi32>
      %add3A_503 = arith.addi %add3A_502, %select_n3A_496 : vector<16xi32>
      %gather3A_504 = tpu.vector_load_idx %arg7[%add3A_487] : memref<4095xi32, #tpu.memory_space<vmem>>[vector<16xi32>], vector<16xi32>,
      %gather3A_505 = tpu.vector_load_idx %arg8[%add3A_487] : memref<4095xf32, #tpu.memory_space<vmem>>[vector<16xi32>], vector<16xf32>,
      %gather3A_506 = tpu.vector_load_idx %arg11[%add3A_34, %gather3A_504] : memref<32x512xf32, #tpu.memory_space<vmem>>[vector<16xi32>, vector<16xi32>], vector<16xf32>,
      %gt3A_507 = arith.cmpf ogt, %gather3A_506, %gather3A_505 : vector<16xf32>
      %jit3A_508 = arith.constant 1 : i32
      %jit3A_509 = arith.constant 0 : i32
      %broadcast_in_dim3A_510 = vector.broadcast %jit3A_508 : i32 to vector<16xi32>
      %broadcast_in_dim3A_511 = vector.broadcast %jit3A_509 : i32 to vector<16xi32>
      %select_n3A_512 = arith.select %gt3A_507, %broadcast_in_dim3A_510, %broadcast_in_dim3A_511 : vector<16xi1>, vector<16xi32>
      %mul3A_513 = arith.constant 2 : i32
      %mul3A_514 = vector.broadcast %mul3A_513 : i32 to vector<16xi32>
      %mul3A_515 = arith.muli %add3A_487, %mul3A_514 : vector<16xi32>
      %add3A_516 = arith.constant 1 : i32
      %add3A_517 = vector.broadcast %add3A_516 : i32 to vector<16xi32>
      %add3A_518 = arith.addi %mul3A_515, %add3A_517 : vector<16xi32>
      %add3A_519 = arith.addi %add3A_518, %select_n3A_512 : vector<16xi32>
      %gather3A_520 = tpu.vector_load_idx %arg7[%add3A_503] : memref<4095xi32, #tpu.memory_space<vmem>>[vector<16xi32>], vector<16xi32>,
      %gather3A_521 = tpu.vector_load_idx %arg8[%add3A_503] : memref<4095xf32, #tpu.memory_space<vmem>>[vector<16xi32>], vector<16xf32>,
      %gather3A_522 = tpu.vector_load_idx %arg11[%add3A_31, %gather3A_520] : memref<32x512xf32, #tpu.memory_space<vmem>>[vector<16xi32>, vector<16xi32>], vector<16xf32>,
      %gt3A_523 = arith.cmpf ogt, %gather3A_522, %gather3A_521 : vector<16xf32>
      %jit3A_524 = arith.constant 1 : i32
      %jit3A_525 = arith.constant 0 : i32
      %broadcast_in_dim3A_526 = vector.broadcast %jit3A_524 : i32 to vector<16xi32>
      %broadcast_in_dim3A_527 = vector.broadcast %jit3A_525 : i32 to vector<16xi32>
      %select_n3A_528 = arith.select %gt3A_523, %broadcast_in_dim3A_526, %broadcast_in_dim3A_527 : vector<16xi1>, vector<16xi32>
      %mul3A_529 = arith.constant 2 : i32
      %mul3A_530 = vector.broadcast %mul3A_529 : i32 to vector<16xi32>
      %mul3A_531 = arith.muli %add3A_503, %mul3A_530 : vector<16xi32>
      %add3A_532 = arith.constant 1 : i32
      %add3A_533 = vector.broadcast %add3A_532 : i32 to vector<16xi32>
      %add3A_534 = arith.addi %mul3A_531, %add3A_533 : vector<16xi32>
      %add3A_535 = arith.addi %add3A_534, %select_n3A_528 : vector<16xi32>
      %gather3A_536 = tpu.vector_load_idx %arg7[%add3A_519] : memref<4095xi32, #tpu.memory_space<vmem>>[vector<16xi32>], vector<16xi32>,
      %gather3A_537 = tpu.vector_load_idx %arg8[%add3A_519] : memref<4095xf32, #tpu.memory_space<vmem>>[vector<16xi32>], vector<16xf32>,
      %gather3A_538 = tpu.vector_load_idx %arg11[%add3A_34, %gather3A_536] : memref<32x512xf32, #tpu.memory_space<vmem>>[vector<16xi32>, vector<16xi32>], vector<16xf32>,
      %gt3A_539 = arith.cmpf ogt, %gather3A_538, %gather3A_537 : vector<16xf32>
      %jit3A_540 = arith.constant 1 : i32
      %jit3A_541 = arith.constant 0 : i32
      %broadcast_in_dim3A_542 = vector.broadcast %jit3A_540 : i32 to vector<16xi32>
      %broadcast_in_dim3A_543 = vector.broadcast %jit3A_541 : i32 to vector<16xi32>
      %select_n3A_544 = arith.select %gt3A_539, %broadcast_in_dim3A_542, %broadcast_in_dim3A_543 : vector<16xi1>, vector<16xi32>
      %mul3A_545 = arith.constant 2 : i32
      %mul3A_546 = vector.broadcast %mul3A_545 : i32 to vector<16xi32>
      %mul3A_547 = arith.muli %add3A_519, %mul3A_546 : vector<16xi32>
      %add3A_548 = arith.constant 1 : i32
      %add3A_549 = vector.broadcast %add3A_548 : i32 to vector<16xi32>
      %add3A_550 = arith.addi %mul3A_547, %add3A_549 : vector<16xi32>
      %add3A_551 = arith.addi %add3A_550, %select_n3A_544 : vector<16xi32>
      %gather3A_552 = tpu.vector_load_idx %arg7[%add3A_535] : memref<4095xi32, #tpu.memory_space<vmem>>[vector<16xi32>], vector<16xi32>,
      %gather3A_553 = tpu.vector_load_idx %arg8[%add3A_535] : memref<4095xf32, #tpu.memory_space<vmem>>[vector<16xi32>], vector<16xf32>,
      %gather3A_554 = tpu.vector_load_idx %arg11[%add3A_31, %gather3A_552] : memref<32x512xf32, #tpu.memory_space<vmem>>[vector<16xi32>, vector<16xi32>], vector<16xf32>,
      %gt3A_555 = arith.cmpf ogt, %gather3A_554, %gather3A_553 : vector<16xf32>
      %jit3A_556 = arith.constant 1 : i32
      %jit3A_557 = arith.constant 0 : i32
      %broadcast_in_dim3A_558 = vector.broadcast %jit3A_556 : i32 to vector<16xi32>
      %broadcast_in_dim3A_559 = vector.broadcast %jit3A_557 : i32 to vector<16xi32>
      %select_n3A_560 = arith.select %gt3A_555, %broadcast_in_dim3A_558, %broadcast_in_dim3A_559 : vector<16xi1>, vector<16xi32>
      %mul3A_561 = arith.constant 2 : i32
      %mul3A_562 = vector.broadcast %mul3A_561 : i32 to vector<16xi32>
      %mul3A_563 = arith.muli %add3A_535, %mul3A_562 : vector<16xi32>
      %add3A_564 = arith.constant 1 : i32
      %add3A_565 = vector.broadcast %add3A_564 : i32 to vector<16xi32>
      %add3A_566 = arith.addi %mul3A_563, %add3A_565 : vector<16xi32>
      %add3A_567 = arith.addi %add3A_566, %select_n3A_560 : vector<16xi32>
      %gather3A_568 = tpu.vector_load_idx %arg7[%add3A_551] : memref<4095xi32, #tpu.memory_space<vmem>>[vector<16xi32>], vector<16xi32>,
      %gather3A_569 = tpu.vector_load_idx %arg8[%add3A_551] : memref<4095xf32, #tpu.memory_space<vmem>>[vector<16xi32>], vector<16xf32>,
      %gather3A_570 = tpu.vector_load_idx %arg11[%add3A_34, %gather3A_568] : memref<32x512xf32, #tpu.memory_space<vmem>>[vector<16xi32>, vector<16xi32>], vector<16xf32>,
      %gt3A_571 = arith.cmpf ogt, %gather3A_570, %gather3A_569 : vector<16xf32>
      %jit3A_572 = arith.constant 1 : i32
      %jit3A_573 = arith.constant 0 : i32
      %broadcast_in_dim3A_574 = vector.broadcast %jit3A_572 : i32 to vector<16xi32>
      %broadcast_in_dim3A_575 = vector.broadcast %jit3A_573 : i32 to vector<16xi32>
      %select_n3A_576 = arith.select %gt3A_571, %broadcast_in_dim3A_574, %broadcast_in_dim3A_575 : vector<16xi1>, vector<16xi32>
      %mul3A_577 = arith.constant 2 : i32
      %mul3A_578 = vector.broadcast %mul3A_577 : i32 to vector<16xi32>
      %mul3A_579 = arith.muli %add3A_551, %mul3A_578 : vector<16xi32>
      %add3A_580 = arith.constant 1 : i32
      %add3A_581 = vector.broadcast %add3A_580 : i32 to vector<16xi32>
      %add3A_582 = arith.addi %mul3A_579, %add3A_581 : vector<16xi32>
      %add3A_583 = arith.addi %add3A_582, %select_n3A_576 : vector<16xi32>
      %gather3A_584 = tpu.vector_load_idx %arg7[%add3A_567] : memref<4095xi32, #tpu.memory_space<vmem>>[vector<16xi32>], vector<16xi32>,
      %gather3A_585 = tpu.vector_load_idx %arg8[%add3A_567] : memref<4095xf32, #tpu.memory_space<vmem>>[vector<16xi32>], vector<16xf32>,
      %gather3A_586 = tpu.vector_load_idx %arg11[%add3A_31, %gather3A_584] : memref<32x512xf32, #tpu.memory_space<vmem>>[vector<16xi32>, vector<16xi32>], vector<16xf32>,
      %gt3A_587 = arith.cmpf ogt, %gather3A_586, %gather3A_585 : vector<16xf32>
      %jit3A_588 = arith.constant 1 : i32
      %jit3A_589 = arith.constant 0 : i32
      %broadcast_in_dim3A_590 = vector.broadcast %jit3A_588 : i32 to vector<16xi32>
      %broadcast_in_dim3A_591 = vector.broadcast %jit3A_589 : i32 to vector<16xi32>
      %select_n3A_592 = arith.select %gt3A_587, %broadcast_in_dim3A_590, %broadcast_in_dim3A_591 : vector<16xi1>, vector<16xi32>
      %mul3A_593 = arith.constant 2 : i32
      %mul3A_594 = vector.broadcast %mul3A_593 : i32 to vector<16xi32>
      %mul3A_595 = arith.muli %add3A_567, %mul3A_594 : vector<16xi32>
      %add3A_596 = arith.constant 1 : i32
      %add3A_597 = vector.broadcast %add3A_596 : i32 to vector<16xi32>
      %add3A_598 = arith.addi %mul3A_595, %add3A_597 : vector<16xi32>
      %add3A_599 = arith.addi %add3A_598, %select_n3A_592 : vector<16xi32>
      %gather3A_600 = tpu.vector_load_idx %arg7[%add3A_583] : memref<4095xi32, #tpu.memory_space<vmem>>[vector<16xi32>], vector<16xi32>,
      %gather3A_601 = tpu.vector_load_idx %arg8[%add3A_583] : memref<4095xf32, #tpu.memory_space<vmem>>[vector<16xi32>], vector<16xf32>,
      %gather3A_602 = tpu.vector_load_idx %arg11[%add3A_34, %gather3A_600] : memref<32x512xf32, #tpu.memory_space<vmem>>[vector<16xi32>, vector<16xi32>], vector<16xf32>,
      %gt3A_603 = arith.cmpf ogt, %gather3A_602, %gather3A_601 : vector<16xf32>
      %jit3A_604 = arith.constant 1 : i32
      %jit3A_605 = arith.constant 0 : i32
      %broadcast_in_dim3A_606 = vector.broadcast %jit3A_604 : i32 to vector<16xi32>
      %broadcast_in_dim3A_607 = vector.broadcast %jit3A_605 : i32 to vector<16xi32>
      %select_n3A_608 = arith.select %gt3A_603, %broadcast_in_dim3A_606, %broadcast_in_dim3A_607 : vector<16xi1>, vector<16xi32>
      %mul3A_609 = arith.constant 2 : i32
      %mul3A_610 = vector.broadcast %mul3A_609 : i32 to vector<16xi32>
      %mul3A_611 = arith.muli %add3A_583, %mul3A_610 : vector<16xi32>
      %add3A_612 = arith.constant 1 : i32
      %add3A_613 = vector.broadcast %add3A_612 : i32 to vector<16xi32>
      %add3A_614 = arith.addi %mul3A_611, %add3A_613 : vector<16xi32>
      %add3A_615 = arith.addi %add3A_614, %select_n3A_608 : vector<16xi32>
      %gather3A_616 = tpu.vector_load_idx %arg7[%add3A_599] : memref<4095xi32, #tpu.memory_space<vmem>>[vector<16xi32>], vector<16xi32>,
      %gather3A_617 = tpu.vector_load_idx %arg8[%add3A_599] : memref<4095xf32, #tpu.memory_space<vmem>>[vector<16xi32>], vector<16xf32>,
      %gather3A_618 = tpu.vector_load_idx %arg11[%add3A_31, %gather3A_616] : memref<32x512xf32, #tpu.memory_space<vmem>>[vector<16xi32>, vector<16xi32>], vector<16xf32>,
      %gt3A_619 = arith.cmpf ogt, %gather3A_618, %gather3A_617 : vector<16xf32>
      %jit3A_620 = arith.constant 1 : i32
      %jit3A_621 = arith.constant 0 : i32
      %broadcast_in_dim3A_622 = vector.broadcast %jit3A_620 : i32 to vector<16xi32>
      %broadcast_in_dim3A_623 = vector.broadcast %jit3A_621 : i32 to vector<16xi32>
      %select_n3A_624 = arith.select %gt3A_619, %broadcast_in_dim3A_622, %broadcast_in_dim3A_623 : vector<16xi1>, vector<16xi32>
      %mul3A_625 = arith.constant 2 : i32
      %mul3A_626 = vector.broadcast %mul3A_625 : i32 to vector<16xi32>
      %mul3A_627 = arith.muli %add3A_599, %mul3A_626 : vector<16xi32>
      %add3A_628 = arith.constant 1 : i32
      %add3A_629 = vector.broadcast %add3A_628 : i32 to vector<16xi32>
      %add3A_630 = arith.addi %mul3A_627, %add3A_629 : vector<16xi32>
      %add3A_631 = arith.addi %add3A_630, %select_n3A_624 : vector<16xi32>
      %gather3A_632 = tpu.vector_load_idx %arg7[%add3A_615] : memref<4095xi32, #tpu.memory_space<vmem>>[vector<16xi32>], vector<16xi32>,
      %gather3A_633 = tpu.vector_load_idx %arg8[%add3A_615] : memref<4095xf32, #tpu.memory_space<vmem>>[vector<16xi32>], vector<16xf32>,
      %gather3A_634 = tpu.vector_load_idx %arg11[%add3A_34, %gather3A_632] : memref<32x512xf32, #tpu.memory_space<vmem>>[vector<16xi32>, vector<16xi32>], vector<16xf32>,
      %gt3A_635 = arith.cmpf ogt, %gather3A_634, %gather3A_633 : vector<16xf32>
      %jit3A_636 = arith.constant 1 : i32
      %jit3A_637 = arith.constant 0 : i32
      %broadcast_in_dim3A_638 = vector.broadcast %jit3A_636 : i32 to vector<16xi32>
      %broadcast_in_dim3A_639 = vector.broadcast %jit3A_637 : i32 to vector<16xi32>
      %select_n3A_640 = arith.select %gt3A_635, %broadcast_in_dim3A_638, %broadcast_in_dim3A_639 : vector<16xi1>, vector<16xi32>
      %mul3A_641 = arith.constant 2 : i32
      %mul3A_642 = vector.broadcast %mul3A_641 : i32 to vector<16xi32>
      %mul3A_643 = arith.muli %add3A_615, %mul3A_642 : vector<16xi32>
      %add3A_644 = arith.constant 1 : i32
      %add3A_645 = vector.broadcast %add3A_644 : i32 to vector<16xi32>
      %add3A_646 = arith.addi %mul3A_643, %add3A_645 : vector<16xi32>
      %add3A_647 = arith.addi %add3A_646, %select_n3A_640 : vector<16xi32>
      %gather3A_648 = tpu.vector_load_idx %arg7[%add3A_631] : memref<4095xi32, #tpu.memory_space<vmem>>[vector<16xi32>], vector<16xi32>,
      %gather3A_649 = tpu.vector_load_idx %arg8[%add3A_631] : memref<4095xf32, #tpu.memory_space<vmem>>[vector<16xi32>], vector<16xf32>,
      %gather3A_650 = tpu.vector_load_idx %arg11[%add3A_31, %gather3A_648] : memref<32x512xf32, #tpu.memory_space<vmem>>[vector<16xi32>, vector<16xi32>], vector<16xf32>,
      %gt3A_651 = arith.cmpf ogt, %gather3A_650, %gather3A_649 : vector<16xf32>
      %jit3A_652 = arith.constant 1 : i32
      %jit3A_653 = arith.constant 0 : i32
      %broadcast_in_dim3A_654 = vector.broadcast %jit3A_652 : i32 to vector<16xi32>
      %broadcast_in_dim3A_655 = vector.broadcast %jit3A_653 : i32 to vector<16xi32>
      %select_n3A_656 = arith.select %gt3A_651, %broadcast_in_dim3A_654, %broadcast_in_dim3A_655 : vector<16xi1>, vector<16xi32>
      %mul3A_657 = arith.constant 2 : i32
      %mul3A_658 = vector.broadcast %mul3A_657 : i32 to vector<16xi32>
      %mul3A_659 = arith.muli %add3A_631, %mul3A_658 : vector<16xi32>
      %add3A_660 = arith.constant 1 : i32
      %add3A_661 = vector.broadcast %add3A_660 : i32 to vector<16xi32>
      %add3A_662 = arith.addi %mul3A_659, %add3A_661 : vector<16xi32>
      %add3A_663 = arith.addi %add3A_662, %select_n3A_656 : vector<16xi32>
      %gather3A_664 = tpu.vector_load_idx %arg7[%add3A_647] : memref<4095xi32, #tpu.memory_space<vmem>>[vector<16xi32>], vector<16xi32>,
      %gather3A_665 = tpu.vector_load_idx %arg8[%add3A_647] : memref<4095xf32, #tpu.memory_space<vmem>>[vector<16xi32>], vector<16xf32>,
      %gather3A_666 = tpu.vector_load_idx %arg11[%add3A_34, %gather3A_664] : memref<32x512xf32, #tpu.memory_space<vmem>>[vector<16xi32>, vector<16xi32>], vector<16xf32>,
      %gt3A_667 = arith.cmpf ogt, %gather3A_666, %gather3A_665 : vector<16xf32>
      %jit3A_668 = arith.constant 1 : i32
      %jit3A_669 = arith.constant 0 : i32
      %broadcast_in_dim3A_670 = vector.broadcast %jit3A_668 : i32 to vector<16xi32>
      %broadcast_in_dim3A_671 = vector.broadcast %jit3A_669 : i32 to vector<16xi32>
      %select_n3A_672 = arith.select %gt3A_667, %broadcast_in_dim3A_670, %broadcast_in_dim3A_671 : vector<16xi1>, vector<16xi32>
      %mul3A_673 = arith.constant 2 : i32
      %mul3A_674 = vector.broadcast %mul3A_673 : i32 to vector<16xi32>
      %mul3A_675 = arith.muli %add3A_647, %mul3A_674 : vector<16xi32>
      %add3A_676 = arith.constant 1 : i32
      %add3A_677 = vector.broadcast %add3A_676 : i32 to vector<16xi32>
      %add3A_678 = arith.addi %mul3A_675, %add3A_677 : vector<16xi32>
      %add3A_679 = arith.addi %add3A_678, %select_n3A_672 : vector<16xi32>
      %gather3A_680 = tpu.vector_load_idx %arg7[%add3A_663] : memref<4095xi32, #tpu.memory_space<vmem>>[vector<16xi32>], vector<16xi32>,
      %gather3A_681 = tpu.vector_load_idx %arg8[%add3A_663] : memref<4095xf32, #tpu.memory_space<vmem>>[vector<16xi32>], vector<16xf32>,
      %gather3A_682 = tpu.vector_load_idx %arg11[%add3A_31, %gather3A_680] : memref<32x512xf32, #tpu.memory_space<vmem>>[vector<16xi32>, vector<16xi32>], vector<16xf32>,
      %gt3A_683 = arith.cmpf ogt, %gather3A_682, %gather3A_681 : vector<16xf32>
      %jit3A_684 = arith.constant 1 : i32
      %jit3A_685 = arith.constant 0 : i32
      %broadcast_in_dim3A_686 = vector.broadcast %jit3A_684 : i32 to vector<16xi32>
      %broadcast_in_dim3A_687 = vector.broadcast %jit3A_685 : i32 to vector<16xi32>
      %select_n3A_688 = arith.select %gt3A_683, %broadcast_in_dim3A_686, %broadcast_in_dim3A_687 : vector<16xi1>, vector<16xi32>
      %mul3A_689 = arith.constant 2 : i32
      %mul3A_690 = vector.broadcast %mul3A_689 : i32 to vector<16xi32>
      %mul3A_691 = arith.muli %add3A_663, %mul3A_690 : vector<16xi32>
      %add3A_692 = arith.constant 1 : i32
      %add3A_693 = vector.broadcast %add3A_692 : i32 to vector<16xi32>
      %add3A_694 = arith.addi %mul3A_691, %add3A_693 : vector<16xi32>
      %add3A_695 = arith.addi %add3A_694, %select_n3A_688 : vector<16xi32>
      %gather3A_696 = tpu.vector_load_idx %arg7[%add3A_679] : memref<4095xi32, #tpu.memory_space<vmem>>[vector<16xi32>], vector<16xi32>,
      %gather3A_697 = tpu.vector_load_idx %arg8[%add3A_679] : memref<4095xf32, #tpu.memory_space<vmem>>[vector<16xi32>], vector<16xf32>,
      %gather3A_698 = tpu.vector_load_idx %arg11[%add3A_34, %gather3A_696] : memref<32x512xf32, #tpu.memory_space<vmem>>[vector<16xi32>, vector<16xi32>], vector<16xf32>,
      %gt3A_699 = arith.cmpf ogt, %gather3A_698, %gather3A_697 : vector<16xf32>
      %jit3A_700 = arith.constant 1 : i32
      %jit3A_701 = arith.constant 0 : i32
      %broadcast_in_dim3A_702 = vector.broadcast %jit3A_700 : i32 to vector<16xi32>
      %broadcast_in_dim3A_703 = vector.broadcast %jit3A_701 : i32 to vector<16xi32>
      %select_n3A_704 = arith.select %gt3A_699, %broadcast_in_dim3A_702, %broadcast_in_dim3A_703 : vector<16xi1>, vector<16xi32>
      %mul3A_705 = arith.constant 2 : i32
      %mul3A_706 = vector.broadcast %mul3A_705 : i32 to vector<16xi32>
      %mul3A_707 = arith.muli %add3A_679, %mul3A_706 : vector<16xi32>
      %add3A_708 = arith.constant 1 : i32
      %add3A_709 = vector.broadcast %add3A_708 : i32 to vector<16xi32>
      %add3A_710 = arith.addi %mul3A_707, %add3A_709 : vector<16xi32>
      %add3A_711 = arith.addi %add3A_710, %select_n3A_704 : vector<16xi32>
      %gather3A_712 = tpu.vector_load_idx %arg7[%add3A_695] : memref<4095xi32, #tpu.memory_space<vmem>>[vector<16xi32>], vector<16xi32>,
      %gather3A_713 = tpu.vector_load_idx %arg8[%add3A_695] : memref<4095xf32, #tpu.memory_space<vmem>>[vector<16xi32>], vector<16xf32>,
      %gather3A_714 = tpu.vector_load_idx %arg11[%add3A_31, %gather3A_712] : memref<32x512xf32, #tpu.memory_space<vmem>>[vector<16xi32>, vector<16xi32>], vector<16xf32>,
      %gt3A_715 = arith.cmpf ogt, %gather3A_714, %gather3A_713 : vector<16xf32>
      %jit3A_716 = arith.constant 1 : i32
      %jit3A_717 = arith.constant 0 : i32
      %broadcast_in_dim3A_718 = vector.broadcast %jit3A_716 : i32 to vector<16xi32>
      %broadcast_in_dim3A_719 = vector.broadcast %jit3A_717 : i32 to vector<16xi32>
      %select_n3A_720 = arith.select %gt3A_715, %broadcast_in_dim3A_718, %broadcast_in_dim3A_719 : vector<16xi1>, vector<16xi32>
      %mul3A_721 = arith.constant 2 : i32
      %mul3A_722 = vector.broadcast %mul3A_721 : i32 to vector<16xi32>
      %mul3A_723 = arith.muli %add3A_695, %mul3A_722 : vector<16xi32>
      %add3A_724 = arith.constant 1 : i32
      %add3A_725 = vector.broadcast %add3A_724 : i32 to vector<16xi32>
      %add3A_726 = arith.addi %mul3A_723, %add3A_725 : vector<16xi32>
      %add3A_727 = arith.addi %add3A_726, %select_n3A_720 : vector<16xi32>
      %gather3A_728 = tpu.vector_load_idx %arg7[%add3A_711] : memref<4095xi32, #tpu.memory_space<vmem>>[vector<16xi32>], vector<16xi32>,
      %gather3A_729 = tpu.vector_load_idx %arg8[%add3A_711] : memref<4095xf32, #tpu.memory_space<vmem>>[vector<16xi32>], vector<16xf32>,
      %gather3A_730 = tpu.vector_load_idx %arg11[%add3A_34, %gather3A_728] : memref<32x512xf32, #tpu.memory_space<vmem>>[vector<16xi32>, vector<16xi32>], vector<16xf32>,
      %gt3A_731 = arith.cmpf ogt, %gather3A_730, %gather3A_729 : vector<16xf32>
      %jit3A_732 = arith.constant 1 : i32
      %jit3A_733 = arith.constant 0 : i32
      %broadcast_in_dim3A_734 = vector.broadcast %jit3A_732 : i32 to vector<16xi32>
      %broadcast_in_dim3A_735 = vector.broadcast %jit3A_733 : i32 to vector<16xi32>
      %select_n3A_736 = arith.select %gt3A_731, %broadcast_in_dim3A_734, %broadcast_in_dim3A_735 : vector<16xi1>, vector<16xi32>
      %mul3A_737 = arith.constant 2 : i32
      %mul3A_738 = vector.broadcast %mul3A_737 : i32 to vector<16xi32>
      %mul3A_739 = arith.muli %add3A_711, %mul3A_738 : vector<16xi32>
      %add3A_740 = arith.constant 1 : i32
      %add3A_741 = vector.broadcast %add3A_740 : i32 to vector<16xi32>
      %add3A_742 = arith.addi %mul3A_739, %add3A_741 : vector<16xi32>
      %add3A_743 = arith.addi %add3A_742, %select_n3A_736 : vector<16xi32>
      %gather3A_744 = tpu.vector_load_idx %arg7[%add3A_727] : memref<4095xi32, #tpu.memory_space<vmem>>[vector<16xi32>], vector<16xi32>,
      %gather3A_745 = tpu.vector_load_idx %arg8[%add3A_727] : memref<4095xf32, #tpu.memory_space<vmem>>[vector<16xi32>], vector<16xf32>,
      %gather3A_746 = tpu.vector_load_idx %arg11[%add3A_31, %gather3A_744] : memref<32x512xf32, #tpu.memory_space<vmem>>[vector<16xi32>, vector<16xi32>], vector<16xf32>,
      %gt3A_747 = arith.cmpf ogt, %gather3A_746, %gather3A_745 : vector<16xf32>
      %jit3A_748 = arith.constant 1 : i32
      %jit3A_749 = arith.constant 0 : i32
      %broadcast_in_dim3A_750 = vector.broadcast %jit3A_748 : i32 to vector<16xi32>
      %broadcast_in_dim3A_751 = vector.broadcast %jit3A_749 : i32 to vector<16xi32>
      %select_n3A_752 = arith.select %gt3A_747, %broadcast_in_dim3A_750, %broadcast_in_dim3A_751 : vector<16xi1>, vector<16xi32>
      %mul3A_753 = arith.constant 2 : i32
      %mul3A_754 = vector.broadcast %mul3A_753 : i32 to vector<16xi32>
      %mul3A_755 = arith.muli %add3A_727, %mul3A_754 : vector<16xi32>
      %add3A_756 = arith.constant 1 : i32
      %add3A_757 = vector.broadcast %add3A_756 : i32 to vector<16xi32>
      %add3A_758 = arith.addi %mul3A_755, %add3A_757 : vector<16xi32>
      %add3A_759 = arith.addi %add3A_758, %select_n3A_752 : vector<16xi32>
      %gather3A_760 = tpu.vector_load_idx %arg7[%add3A_743] : memref<4095xi32, #tpu.memory_space<vmem>>[vector<16xi32>], vector<16xi32>,
      %gather3A_761 = tpu.vector_load_idx %arg8[%add3A_743] : memref<4095xf32, #tpu.memory_space<vmem>>[vector<16xi32>], vector<16xf32>,
      %gather3A_762 = tpu.vector_load_idx %arg11[%add3A_34, %gather3A_760] : memref<32x512xf32, #tpu.memory_space<vmem>>[vector<16xi32>, vector<16xi32>], vector<16xf32>,
      %gt3A_763 = arith.cmpf ogt, %gather3A_762, %gather3A_761 : vector<16xf32>
      %jit3A_764 = arith.constant 1 : i32
      %jit3A_765 = arith.constant 0 : i32
      %broadcast_in_dim3A_766 = vector.broadcast %jit3A_764 : i32 to vector<16xi32>
      %broadcast_in_dim3A_767 = vector.broadcast %jit3A_765 : i32 to vector<16xi32>
      %select_n3A_768 = arith.select %gt3A_763, %broadcast_in_dim3A_766, %broadcast_in_dim3A_767 : vector<16xi1>, vector<16xi32>
      %mul3A_769 = arith.constant 2 : i32
      %mul3A_770 = vector.broadcast %mul3A_769 : i32 to vector<16xi32>
      %mul3A_771 = arith.muli %add3A_743, %mul3A_770 : vector<16xi32>
      %add3A_772 = arith.constant 1 : i32
      %add3A_773 = vector.broadcast %add3A_772 : i32 to vector<16xi32>
      %add3A_774 = arith.addi %mul3A_771, %add3A_773 : vector<16xi32>
      %add3A_775 = arith.addi %add3A_774, %select_n3A_768 : vector<16xi32>
      %gather3A_776 = tpu.vector_load_idx %arg7[%add3A_759] : memref<4095xi32, #tpu.memory_space<vmem>>[vector<16xi32>], vector<16xi32>,
      %gather3A_777 = tpu.vector_load_idx %arg8[%add3A_759] : memref<4095xf32, #tpu.memory_space<vmem>>[vector<16xi32>], vector<16xf32>,
      %gather3A_778 = tpu.vector_load_idx %arg11[%add3A_31, %gather3A_776] : memref<32x512xf32, #tpu.memory_space<vmem>>[vector<16xi32>, vector<16xi32>], vector<16xf32>,
      %gt3A_779 = arith.cmpf ogt, %gather3A_778, %gather3A_777 : vector<16xf32>
      %jit3A_780 = arith.constant 1 : i32
      %jit3A_781 = arith.constant 0 : i32
      %broadcast_in_dim3A_782 = vector.broadcast %jit3A_780 : i32 to vector<16xi32>
      %broadcast_in_dim3A_783 = vector.broadcast %jit3A_781 : i32 to vector<16xi32>
      %select_n3A_784 = arith.select %gt3A_779, %broadcast_in_dim3A_782, %broadcast_in_dim3A_783 : vector<16xi1>, vector<16xi32>
      %mul3A_785 = arith.constant 2 : i32
      %mul3A_786 = vector.broadcast %mul3A_785 : i32 to vector<16xi32>
      %mul3A_787 = arith.muli %add3A_759, %mul3A_786 : vector<16xi32>
      %add3A_788 = arith.constant 1 : i32
      %add3A_789 = vector.broadcast %add3A_788 : i32 to vector<16xi32>
      %add3A_790 = arith.addi %mul3A_787, %add3A_789 : vector<16xi32>
      %add3A_791 = arith.addi %add3A_790, %select_n3A_784 : vector<16xi32>
      %gather3A_792 = tpu.vector_load_idx %arg7[%add3A_775] : memref<4095xi32, #tpu.memory_space<vmem>>[vector<16xi32>], vector<16xi32>,
      %gather3A_793 = tpu.vector_load_idx %arg8[%add3A_775] : memref<4095xf32, #tpu.memory_space<vmem>>[vector<16xi32>], vector<16xf32>,
      %gather3A_794 = tpu.vector_load_idx %arg11[%add3A_34, %gather3A_792] : memref<32x512xf32, #tpu.memory_space<vmem>>[vector<16xi32>, vector<16xi32>], vector<16xf32>,
      %gt3A_795 = arith.cmpf ogt, %gather3A_794, %gather3A_793 : vector<16xf32>
      %jit3A_796 = arith.constant 1 : i32
      %jit3A_797 = arith.constant 0 : i32
      %broadcast_in_dim3A_798 = vector.broadcast %jit3A_796 : i32 to vector<16xi32>
      %broadcast_in_dim3A_799 = vector.broadcast %jit3A_797 : i32 to vector<16xi32>
      %select_n3A_800 = arith.select %gt3A_795, %broadcast_in_dim3A_798, %broadcast_in_dim3A_799 : vector<16xi1>, vector<16xi32>
      %mul3A_801 = arith.constant 2 : i32
      %mul3A_802 = vector.broadcast %mul3A_801 : i32 to vector<16xi32>
      %mul3A_803 = arith.muli %add3A_775, %mul3A_802 : vector<16xi32>
      %add3A_804 = arith.constant 1 : i32
      %add3A_805 = vector.broadcast %add3A_804 : i32 to vector<16xi32>
      %add3A_806 = arith.addi %mul3A_803, %add3A_805 : vector<16xi32>
      %add3A_807 = arith.addi %add3A_806, %select_n3A_800 : vector<16xi32>
      %gather3A_808 = tpu.vector_load_idx %arg7[%add3A_791] : memref<4095xi32, #tpu.memory_space<vmem>>[vector<16xi32>], vector<16xi32>,
      %gather3A_809 = tpu.vector_load_idx %arg8[%add3A_791] : memref<4095xf32, #tpu.memory_space<vmem>>[vector<16xi32>], vector<16xf32>,
      %gather3A_810 = tpu.vector_load_idx %arg11[%add3A_31, %gather3A_808] : memref<32x512xf32, #tpu.memory_space<vmem>>[vector<16xi32>, vector<16xi32>], vector<16xf32>,
      %gt3A_811 = arith.cmpf ogt, %gather3A_810, %gather3A_809 : vector<16xf32>
      %jit3A_812 = arith.constant 1 : i32
      %jit3A_813 = arith.constant 0 : i32
      %broadcast_in_dim3A_814 = vector.broadcast %jit3A_812 : i32 to vector<16xi32>
      %broadcast_in_dim3A_815 = vector.broadcast %jit3A_813 : i32 to vector<16xi32>
      %select_n3A_816 = arith.select %gt3A_811, %broadcast_in_dim3A_814, %broadcast_in_dim3A_815 : vector<16xi1>, vector<16xi32>
      %mul3A_817 = arith.constant 2 : i32
      %mul3A_818 = vector.broadcast %mul3A_817 : i32 to vector<16xi32>
      %mul3A_819 = arith.muli %add3A_791, %mul3A_818 : vector<16xi32>
      %add3A_820 = arith.constant 1 : i32
      %add3A_821 = vector.broadcast %add3A_820 : i32 to vector<16xi32>
      %add3A_822 = arith.addi %mul3A_819, %add3A_821 : vector<16xi32>
      %add3A_823 = arith.addi %add3A_822, %select_n3A_816 : vector<16xi32>
      %gather3A_824 = tpu.vector_load_idx %arg7[%add3A_807] : memref<4095xi32, #tpu.memory_space<vmem>>[vector<16xi32>], vector<16xi32>,
      %gather3A_825 = tpu.vector_load_idx %arg8[%add3A_807] : memref<4095xf32, #tpu.memory_space<vmem>>[vector<16xi32>], vector<16xf32>,
      %gather3A_826 = tpu.vector_load_idx %arg11[%add3A_34, %gather3A_824] : memref<32x512xf32, #tpu.memory_space<vmem>>[vector<16xi32>, vector<16xi32>], vector<16xf32>,
      %gt3A_827 = arith.cmpf ogt, %gather3A_826, %gather3A_825 : vector<16xf32>
      %jit3A_828 = arith.constant 1 : i32
      %jit3A_829 = arith.constant 0 : i32
      %broadcast_in_dim3A_830 = vector.broadcast %jit3A_828 : i32 to vector<16xi32>
      %broadcast_in_dim3A_831 = vector.broadcast %jit3A_829 : i32 to vector<16xi32>
      %select_n3A_832 = arith.select %gt3A_827, %broadcast_in_dim3A_830, %broadcast_in_dim3A_831 : vector<16xi1>, vector<16xi32>
      %mul3A_833 = arith.constant 2 : i32
      %mul3A_834 = vector.broadcast %mul3A_833 : i32 to vector<16xi32>
      %mul3A_835 = arith.muli %add3A_807, %mul3A_834 : vector<16xi32>
      %add3A_836 = arith.constant 1 : i32
      %add3A_837 = vector.broadcast %add3A_836 : i32 to vector<16xi32>
      %add3A_838 = arith.addi %mul3A_835, %add3A_837 : vector<16xi32>
      %add3A_839 = arith.addi %add3A_838, %select_n3A_832 : vector<16xi32>
      %lt3A_840 = arith.constant 3 : i32
      %lt3A_841 = arith.cmpi slt, %scan3A_56, %lt3A_840 : i32
      %convert_element_type3A_842 = arith.extui %lt3A_841 : i1 to i32
      %cond3A_843 = arith.constant 0 : i32
      %cond3A_844 = arith.cmpi ne, %convert_element_type3A_842, %cond3A_843 : i32
      scf.if %cond3A_844 {
        %add3A_1709 = arith.constant 4 : i32
        %add3A_1710 = arith.addi %add3A_461, %add3A_1709 : i32
        %mul3A_1711 = arith.constant 32 : i32
        %mul3A_1712 = arith.muli %add3A_1710, %mul3A_1711 : i32
        %add3A_1713 = arith.addi %mul3A_2, %mul3A_1712 : i32
        %dma_start3A_1714 = arith.constant 0 : i32
        %dma_start3A_1715 = tpu.memref_slice %arg2[%add3A_1713, %dma_start3A_1714] : memref<16384x512xf32, #tpu.memory_space<hbm>> -> memref<32x512xf32, #tpu.memory_space<hbm>>
        %dma_start3A_1716 = arith.constant 0 : i32
        %dma_start3A_1717 = tpu.memref_slice %arg2[%add3A_1713, %dma_start3A_1716] : memref<16384x512xf32, #tpu.memory_space<hbm>> -> memref<32x512xf32, #tpu.memory_space<hbm>>
        tpu.enqueue_dma source(%dma_start3A_1717 : memref<32x512xf32, #tpu.memory_space<hbm>>) target(%arg11 : memref<32x512xf32, #tpu.memory_space<vmem>>) target_semaphore(%arg23 : memref<!tpu.dma_semaphore, #tpu.memory_space<semaphore_mem>>)
      } else {
      }
      %gt3A_845 = arith.constant 0 : i32
      %gt3A_846 = arith.cmpi sgt, %scan3A_56, %gt3A_845 : i32
      %convert_element_type3A_847 = arith.extui %gt3A_846 : i1 to i32
      %cond3A_848 = arith.constant 0 : i32
      %cond3A_849 = arith.cmpi ne, %convert_element_type3A_847, %cond3A_848 : i32
      scf.if %cond3A_849 {
        %dma_wait3A_1709 = arith.constant 0 : i32
        %dma_wait3A_1710 = tpu.memref_slice %arg6[%mul3A_2, %dma_wait3A_1709] : memref<16384x128xf32, #tpu.memory_space<hbm>> -> memref<32x128xf32, #tpu.memory_space<hbm>>
        %dma_wait3A_1711 = arith.constant 0 : i32
        %dma_wait3A_1712 = tpu.memref_slice %arg6[%mul3A_2, %dma_wait3A_1711] : memref<16384x128xf32, #tpu.memory_space<hbm>> -> memref<32x128xf32, #tpu.memory_space<hbm>>
        tpu.wait_dma2 semaphore(%arg31 : memref<!tpu.dma_semaphore, #tpu.memory_space<semaphore_mem>>) src(%arg19 : memref<32x128xf32, #tpu.memory_space<vmem>>) dst(%dma_wait3A_1712 : memref<32x128xf32, #tpu.memory_space<hbm>>)
      } else {
      }
      %sub3A_850 = arith.constant 4095 : i32
      %sub3A_851 = vector.broadcast %sub3A_850 : i32 to vector<16xi32>
      %sub3A_852 = arith.subi %add3A_823, %sub3A_851 : vector<16xi32>
      %swap3A_853 = arith.constant 0 : index
      %swap3A_854 = tpu.vector_load %arg15[%swap3A_853] {strides = array<i32>} : memref<32xi32, #tpu.memory_space<vmem>>, vector<16xi32>,
      tpu.vector_store %arg15[%swap3A_853], %sub3A_852 {strides = array<i32>} : memref<32xi32, #tpu.memory_space<vmem>>, vector<16xi32>,
      %sub3A_855 = arith.constant 4095 : i32
      %sub3A_856 = vector.broadcast %sub3A_855 : i32 to vector<16xi32>
      %sub3A_857 = arith.subi %add3A_839, %sub3A_856 : vector<16xi32>
      %swap3A_858 = arith.constant 16 : index
      %swap3A_859 = tpu.vector_load %arg15[%swap3A_858] {strides = array<i32>} : memref<32xi32, #tpu.memory_space<vmem>>, vector<16xi32>,
      tpu.vector_store %arg15[%swap3A_858], %sub3A_857 {strides = array<i32>} : memref<32xi32, #tpu.memory_space<vmem>>, vector<16xi32>,
      %dma_start3A_860 = arith.constant 0 : i32
      %dma_start3A_861 = arith.constant 0 : i32
      %dma_start3A_862 = tpu.memref_slice %arg9[%dma_start3A_860, %dma_start3A_861] : memref<4096x128xf32, #tpu.memory_space<vmem_shared>> -> memref<4096x128xf32, #tpu.memory_space<vmem_shared>>
      tpu.enqueue_indirect_dma source(%dma_start3A_862 : memref<4096x128xf32, #tpu.memory_space<vmem_shared>>) target(%arg19 : memref<32x128xf32, #tpu.memory_space<vmem>>) offsets(%arg15 : memref<32xi32, #tpu.memory_space<vmem>>) semaphore(%arg27 : memref<!tpu.dma_semaphore, #tpu.memory_space<semaphore_mem>>)
      %dma_wait3A_863 = arith.constant 0 : i32
      %dma_wait3A_864 = arith.constant 0 : i32
      %dma_wait3A_865 = tpu.memref_slice %arg9[%dma_wait3A_863, %dma_wait3A_864] : memref<4096x128xf32, #tpu.memory_space<vmem_shared>> -> memref<4096x128xf32, #tpu.memory_space<vmem_shared>>
      tpu.wait_indirect_dma semaphore(%arg26 : memref<!tpu.dma_semaphore, #tpu.memory_space<semaphore_mem>>) src(%dma_wait3A_865 : memref<4096x128xf32, #tpu.memory_space<vmem_shared>>) dst(%arg18 : memref<32x128xf32, #tpu.memory_space<vmem>>)
      %sub3A_866 = arith.constant 1 : i32
      %sub3A_867 = arith.subi %add3A_461, %sub3A_866 : i32
      %mul3A_868 = arith.constant 32 : i32
      %mul3A_869 = arith.muli %sub3A_867, %mul3A_868 : i32
      %add3A_870 = arith.addi %mul3A_2, %mul3A_869 : i32
      %dma_start3A_871 = arith.constant 0 : i32
      %dma_start3A_872 = tpu.memref_slice %arg6[%add3A_870, %dma_start3A_871] : memref<16384x128xf32, #tpu.memory_space<hbm>> -> memref<32x128xf32, #tpu.memory_space<hbm>>
      %dma_start3A_873 = arith.constant 0 : i32
      %dma_start3A_874 = tpu.memref_slice %arg6[%add3A_870, %dma_start3A_873] : memref<16384x128xf32, #tpu.memory_space<hbm>> -> memref<32x128xf32, #tpu.memory_space<hbm>>
      tpu.enqueue_dma source(%arg18 : memref<32x128xf32, #tpu.memory_space<vmem>>) target(%dma_start3A_874 : memref<32x128xf32, #tpu.memory_space<hbm>>) target_semaphore(%arg30 : memref<!tpu.dma_semaphore, #tpu.memory_space<semaphore_mem>>)
      %mul3A_875 = arith.constant 4 : i32
      %mul3A_876 = arith.muli %scan3A_56, %mul3A_875 : i32
      %add3A_877 = arith.constant 2 : i32
      %add3A_878 = arith.addi %mul3A_876, %add3A_877 : i32
      %dma_wait3A_879 = arith.constant 0 : i32
      %dma_wait3A_880 = tpu.memref_slice %arg2[%mul3A_2, %dma_wait3A_879] : memref<16384x512xf32, #tpu.memory_space<hbm>> -> memref<32x512xf32, #tpu.memory_space<hbm>>
      %dma_wait3A_881 = arith.constant 0 : i32
      %dma_wait3A_882 = tpu.memref_slice %arg2[%mul3A_2, %dma_wait3A_881] : memref<16384x512xf32, #tpu.memory_space<hbm>> -> memref<32x512xf32, #tpu.memory_space<hbm>>
      tpu.wait_dma2 semaphore(%arg24 : memref<!tpu.dma_semaphore, #tpu.memory_space<semaphore_mem>>) src(%dma_wait3A_882 : memref<32x512xf32, #tpu.memory_space<hbm>>) dst(%arg12 : memref<32x512xf32, #tpu.memory_space<vmem>>)
      %gather3A_883 = tpu.vector_load_idx %arg7[%broadcast_in_dim3A_28] : memref<4095xi32, #tpu.memory_space<vmem>>[vector<16xi32>], vector<16xi32>,
      %gather3A_884 = tpu.vector_load_idx %arg8[%broadcast_in_dim3A_28] : memref<4095xf32, #tpu.memory_space<vmem>>[vector<16xi32>], vector<16xf32>,
      %gather3A_885 = tpu.vector_load_idx %arg12[%add3A_31, %gather3A_883] : memref<32x512xf32, #tpu.memory_space<vmem>>[vector<16xi32>, vector<16xi32>], vector<16xf32>,
      %gt3A_886 = arith.cmpf ogt, %gather3A_885, %gather3A_884 : vector<16xf32>
      %jit3A_887 = arith.constant 1 : i32
      %jit3A_888 = arith.constant 0 : i32
      %broadcast_in_dim3A_889 = vector.broadcast %jit3A_887 : i32 to vector<16xi32>
      %broadcast_in_dim3A_890 = vector.broadcast %jit3A_888 : i32 to vector<16xi32>
      %select_n3A_891 = arith.select %gt3A_886, %broadcast_in_dim3A_889, %broadcast_in_dim3A_890 : vector<16xi1>, vector<16xi32>
      %add3A_892 = arith.constant 1 : i32
      %add3A_893 = vector.broadcast %add3A_892 : i32 to vector<16xi32>
      %add3A_894 = arith.addi %add3A_893, %select_n3A_891 : vector<16xi32>
      %gather3A_895 = tpu.vector_load_idx %arg12[%add3A_34, %gather3A_883] : memref<32x512xf32, #tpu.memory_space<vmem>>[vector<16xi32>, vector<16xi32>], vector<16xf32>,
      %gt3A_896 = arith.cmpf ogt, %gather3A_895, %gather3A_884 : vector<16xf32>
      %jit3A_897 = arith.constant 1 : i32
      %jit3A_898 = arith.constant 0 : i32
      %broadcast_in_dim3A_899 = vector.broadcast %jit3A_897 : i32 to vector<16xi32>
      %broadcast_in_dim3A_900 = vector.broadcast %jit3A_898 : i32 to vector<16xi32>
      %select_n3A_901 = arith.select %gt3A_896, %broadcast_in_dim3A_899, %broadcast_in_dim3A_900 : vector<16xi1>, vector<16xi32>
      %add3A_902 = arith.constant 1 : i32
      %add3A_903 = vector.broadcast %add3A_902 : i32 to vector<16xi32>
      %add3A_904 = arith.addi %add3A_903, %select_n3A_901 : vector<16xi32>
      %gather3A_905 = tpu.vector_load_idx %arg7[%add3A_894] : memref<4095xi32, #tpu.memory_space<vmem>>[vector<16xi32>], vector<16xi32>,
      %gather3A_906 = tpu.vector_load_idx %arg8[%add3A_894] : memref<4095xf32, #tpu.memory_space<vmem>>[vector<16xi32>], vector<16xf32>,
      %gather3A_907 = tpu.vector_load_idx %arg12[%add3A_31, %gather3A_905] : memref<32x512xf32, #tpu.memory_space<vmem>>[vector<16xi32>, vector<16xi32>], vector<16xf32>,
      %gt3A_908 = arith.cmpf ogt, %gather3A_907, %gather3A_906 : vector<16xf32>
      %jit3A_909 = arith.constant 1 : i32
      %jit3A_910 = arith.constant 0 : i32
      %broadcast_in_dim3A_911 = vector.broadcast %jit3A_909 : i32 to vector<16xi32>
      %broadcast_in_dim3A_912 = vector.broadcast %jit3A_910 : i32 to vector<16xi32>
      %select_n3A_913 = arith.select %gt3A_908, %broadcast_in_dim3A_911, %broadcast_in_dim3A_912 : vector<16xi1>, vector<16xi32>
      %mul3A_914 = arith.constant 2 : i32
      %mul3A_915 = vector.broadcast %mul3A_914 : i32 to vector<16xi32>
      %mul3A_916 = arith.muli %add3A_894, %mul3A_915 : vector<16xi32>
      %add3A_917 = arith.constant 1 : i32
      %add3A_918 = vector.broadcast %add3A_917 : i32 to vector<16xi32>
      %add3A_919 = arith.addi %mul3A_916, %add3A_918 : vector<16xi32>
      %add3A_920 = arith.addi %add3A_919, %select_n3A_913 : vector<16xi32>
      %gather3A_921 = tpu.vector_load_idx %arg7[%add3A_904] : memref<4095xi32, #tpu.memory_space<vmem>>[vector<16xi32>], vector<16xi32>,
      %gather3A_922 = tpu.vector_load_idx %arg8[%add3A_904] : memref<4095xf32, #tpu.memory_space<vmem>>[vector<16xi32>], vector<16xf32>,
      %gather3A_923 = tpu.vector_load_idx %arg12[%add3A_34, %gather3A_921] : memref<32x512xf32, #tpu.memory_space<vmem>>[vector<16xi32>, vector<16xi32>], vector<16xf32>,
      %gt3A_924 = arith.cmpf ogt, %gather3A_923, %gather3A_922 : vector<16xf32>
      %jit3A_925 = arith.constant 1 : i32
      %jit3A_926 = arith.constant 0 : i32
      %broadcast_in_dim3A_927 = vector.broadcast %jit3A_925 : i32 to vector<16xi32>
      %broadcast_in_dim3A_928 = vector.broadcast %jit3A_926 : i32 to vector<16xi32>
      %select_n3A_929 = arith.select %gt3A_924, %broadcast_in_dim3A_927, %broadcast_in_dim3A_928 : vector<16xi1>, vector<16xi32>
      %mul3A_930 = arith.constant 2 : i32
      %mul3A_931 = vector.broadcast %mul3A_930 : i32 to vector<16xi32>
      %mul3A_932 = arith.muli %add3A_904, %mul3A_931 : vector<16xi32>
      %add3A_933 = arith.constant 1 : i32
      %add3A_934 = vector.broadcast %add3A_933 : i32 to vector<16xi32>
      %add3A_935 = arith.addi %mul3A_932, %add3A_934 : vector<16xi32>
      %add3A_936 = arith.addi %add3A_935, %select_n3A_929 : vector<16xi32>
      %gather3A_937 = tpu.vector_load_idx %arg7[%add3A_920] : memref<4095xi32, #tpu.memory_space<vmem>>[vector<16xi32>], vector<16xi32>,
      %gather3A_938 = tpu.vector_load_idx %arg8[%add3A_920] : memref<4095xf32, #tpu.memory_space<vmem>>[vector<16xi32>], vector<16xf32>,
      %gather3A_939 = tpu.vector_load_idx %arg12[%add3A_31, %gather3A_937] : memref<32x512xf32, #tpu.memory_space<vmem>>[vector<16xi32>, vector<16xi32>], vector<16xf32>,
      %gt3A_940 = arith.cmpf ogt, %gather3A_939, %gather3A_938 : vector<16xf32>
      %jit3A_941 = arith.constant 1 : i32
      %jit3A_942 = arith.constant 0 : i32
      %broadcast_in_dim3A_943 = vector.broadcast %jit3A_941 : i32 to vector<16xi32>
      %broadcast_in_dim3A_944 = vector.broadcast %jit3A_942 : i32 to vector<16xi32>
      %select_n3A_945 = arith.select %gt3A_940, %broadcast_in_dim3A_943, %broadcast_in_dim3A_944 : vector<16xi1>, vector<16xi32>
      %mul3A_946 = arith.constant 2 : i32
      %mul3A_947 = vector.broadcast %mul3A_946 : i32 to vector<16xi32>
      %mul3A_948 = arith.muli %add3A_920, %mul3A_947 : vector<16xi32>
      %add3A_949 = arith.constant 1 : i32
      %add3A_950 = vector.broadcast %add3A_949 : i32 to vector<16xi32>
      %add3A_951 = arith.addi %mul3A_948, %add3A_950 : vector<16xi32>
      %add3A_952 = arith.addi %add3A_951, %select_n3A_945 : vector<16xi32>
      %gather3A_953 = tpu.vector_load_idx %arg7[%add3A_936] : memref<4095xi32, #tpu.memory_space<vmem>>[vector<16xi32>], vector<16xi32>,
      %gather3A_954 = tpu.vector_load_idx %arg8[%add3A_936] : memref<4095xf32, #tpu.memory_space<vmem>>[vector<16xi32>], vector<16xf32>,
      %gather3A_955 = tpu.vector_load_idx %arg12[%add3A_34, %gather3A_953] : memref<32x512xf32, #tpu.memory_space<vmem>>[vector<16xi32>, vector<16xi32>], vector<16xf32>,
      %gt3A_956 = arith.cmpf ogt, %gather3A_955, %gather3A_954 : vector<16xf32>
      %jit3A_957 = arith.constant 1 : i32
      %jit3A_958 = arith.constant 0 : i32
      %broadcast_in_dim3A_959 = vector.broadcast %jit3A_957 : i32 to vector<16xi32>
      %broadcast_in_dim3A_960 = vector.broadcast %jit3A_958 : i32 to vector<16xi32>
      %select_n3A_961 = arith.select %gt3A_956, %broadcast_in_dim3A_959, %broadcast_in_dim3A_960 : vector<16xi1>, vector<16xi32>
      %mul3A_962 = arith.constant 2 : i32
      %mul3A_963 = vector.broadcast %mul3A_962 : i32 to vector<16xi32>
      %mul3A_964 = arith.muli %add3A_936, %mul3A_963 : vector<16xi32>
      %add3A_965 = arith.constant 1 : i32
      %add3A_966 = vector.broadcast %add3A_965 : i32 to vector<16xi32>
      %add3A_967 = arith.addi %mul3A_964, %add3A_966 : vector<16xi32>
      %add3A_968 = arith.addi %add3A_967, %select_n3A_961 : vector<16xi32>
      %gather3A_969 = tpu.vector_load_idx %arg7[%add3A_952] : memref<4095xi32, #tpu.memory_space<vmem>>[vector<16xi32>], vector<16xi32>,
      %gather3A_970 = tpu.vector_load_idx %arg8[%add3A_952] : memref<4095xf32, #tpu.memory_space<vmem>>[vector<16xi32>], vector<16xf32>,
      %gather3A_971 = tpu.vector_load_idx %arg12[%add3A_31, %gather3A_969] : memref<32x512xf32, #tpu.memory_space<vmem>>[vector<16xi32>, vector<16xi32>], vector<16xf32>,
      %gt3A_972 = arith.cmpf ogt, %gather3A_971, %gather3A_970 : vector<16xf32>
      %jit3A_973 = arith.constant 1 : i32
      %jit3A_974 = arith.constant 0 : i32
      %broadcast_in_dim3A_975 = vector.broadcast %jit3A_973 : i32 to vector<16xi32>
      %broadcast_in_dim3A_976 = vector.broadcast %jit3A_974 : i32 to vector<16xi32>
      %select_n3A_977 = arith.select %gt3A_972, %broadcast_in_dim3A_975, %broadcast_in_dim3A_976 : vector<16xi1>, vector<16xi32>
      %mul3A_978 = arith.constant 2 : i32
      %mul3A_979 = vector.broadcast %mul3A_978 : i32 to vector<16xi32>
      %mul3A_980 = arith.muli %add3A_952, %mul3A_979 : vector<16xi32>
      %add3A_981 = arith.constant 1 : i32
      %add3A_982 = vector.broadcast %add3A_981 : i32 to vector<16xi32>
      %add3A_983 = arith.addi %mul3A_980, %add3A_982 : vector<16xi32>
      %add3A_984 = arith.addi %add3A_983, %select_n3A_977 : vector<16xi32>
      %gather3A_985 = tpu.vector_load_idx %arg7[%add3A_968] : memref<4095xi32, #tpu.memory_space<vmem>>[vector<16xi32>], vector<16xi32>,
      %gather3A_986 = tpu.vector_load_idx %arg8[%add3A_968] : memref<4095xf32, #tpu.memory_space<vmem>>[vector<16xi32>], vector<16xf32>,
      %gather3A_987 = tpu.vector_load_idx %arg12[%add3A_34, %gather3A_985] : memref<32x512xf32, #tpu.memory_space<vmem>>[vector<16xi32>, vector<16xi32>], vector<16xf32>,
      %gt3A_988 = arith.cmpf ogt, %gather3A_987, %gather3A_986 : vector<16xf32>
      %jit3A_989 = arith.constant 1 : i32
      %jit3A_990 = arith.constant 0 : i32
      %broadcast_in_dim3A_991 = vector.broadcast %jit3A_989 : i32 to vector<16xi32>
      %broadcast_in_dim3A_992 = vector.broadcast %jit3A_990 : i32 to vector<16xi32>
      %select_n3A_993 = arith.select %gt3A_988, %broadcast_in_dim3A_991, %broadcast_in_dim3A_992 : vector<16xi1>, vector<16xi32>
      %mul3A_994 = arith.constant 2 : i32
      %mul3A_995 = vector.broadcast %mul3A_994 : i32 to vector<16xi32>
      %mul3A_996 = arith.muli %add3A_968, %mul3A_995 : vector<16xi32>
      %add3A_997 = arith.constant 1 : i32
      %add3A_998 = vector.broadcast %add3A_997 : i32 to vector<16xi32>
      %add3A_999 = arith.addi %mul3A_996, %add3A_998 : vector<16xi32>
      %add3A_1000 = arith.addi %add3A_999, %select_n3A_993 : vector<16xi32>
      %gather3A_1001 = tpu.vector_load_idx %arg7[%add3A_984] : memref<4095xi32, #tpu.memory_space<vmem>>[vector<16xi32>], vector<16xi32>,
      %gather3A_1002 = tpu.vector_load_idx %arg8[%add3A_984] : memref<4095xf32, #tpu.memory_space<vmem>>[vector<16xi32>], vector<16xf32>,
      %gather3A_1003 = tpu.vector_load_idx %arg12[%add3A_31, %gather3A_1001] : memref<32x512xf32, #tpu.memory_space<vmem>>[vector<16xi32>, vector<16xi32>], vector<16xf32>,
      %gt3A_1004 = arith.cmpf ogt, %gather3A_1003, %gather3A_1002 : vector<16xf32>
      %jit3A_1005 = arith.constant 1 : i32
      %jit3A_1006 = arith.constant 0 : i32
      %broadcast_in_dim3A_1007 = vector.broadcast %jit3A_1005 : i32 to vector<16xi32>
      %broadcast_in_dim3A_1008 = vector.broadcast %jit3A_1006 : i32 to vector<16xi32>
      %select_n3A_1009 = arith.select %gt3A_1004, %broadcast_in_dim3A_1007, %broadcast_in_dim3A_1008 : vector<16xi1>, vector<16xi32>
      %mul3A_1010 = arith.constant 2 : i32
      %mul3A_1011 = vector.broadcast %mul3A_1010 : i32 to vector<16xi32>
      %mul3A_1012 = arith.muli %add3A_984, %mul3A_1011 : vector<16xi32>
      %add3A_1013 = arith.constant 1 : i32
      %add3A_1014 = vector.broadcast %add3A_1013 : i32 to vector<16xi32>
      %add3A_1015 = arith.addi %mul3A_1012, %add3A_1014 : vector<16xi32>
      %add3A_1016 = arith.addi %add3A_1015, %select_n3A_1009 : vector<16xi32>
      %gather3A_1017 = tpu.vector_load_idx %arg7[%add3A_1000] : memref<4095xi32, #tpu.memory_space<vmem>>[vector<16xi32>], vector<16xi32>,
      %gather3A_1018 = tpu.vector_load_idx %arg8[%add3A_1000] : memref<4095xf32, #tpu.memory_space<vmem>>[vector<16xi32>], vector<16xf32>,
      %gather3A_1019 = tpu.vector_load_idx %arg12[%add3A_34, %gather3A_1017] : memref<32x512xf32, #tpu.memory_space<vmem>>[vector<16xi32>, vector<16xi32>], vector<16xf32>,
      %gt3A_1020 = arith.cmpf ogt, %gather3A_1019, %gather3A_1018 : vector<16xf32>
      %jit3A_1021 = arith.constant 1 : i32
      %jit3A_1022 = arith.constant 0 : i32
      %broadcast_in_dim3A_1023 = vector.broadcast %jit3A_1021 : i32 to vector<16xi32>
      %broadcast_in_dim3A_1024 = vector.broadcast %jit3A_1022 : i32 to vector<16xi32>
      %select_n3A_1025 = arith.select %gt3A_1020, %broadcast_in_dim3A_1023, %broadcast_in_dim3A_1024 : vector<16xi1>, vector<16xi32>
      %mul3A_1026 = arith.constant 2 : i32
      %mul3A_1027 = vector.broadcast %mul3A_1026 : i32 to vector<16xi32>
      %mul3A_1028 = arith.muli %add3A_1000, %mul3A_1027 : vector<16xi32>
      %add3A_1029 = arith.constant 1 : i32
      %add3A_1030 = vector.broadcast %add3A_1029 : i32 to vector<16xi32>
      %add3A_1031 = arith.addi %mul3A_1028, %add3A_1030 : vector<16xi32>
      %add3A_1032 = arith.addi %add3A_1031, %select_n3A_1025 : vector<16xi32>
      %gather3A_1033 = tpu.vector_load_idx %arg7[%add3A_1016] : memref<4095xi32, #tpu.memory_space<vmem>>[vector<16xi32>], vector<16xi32>,
      %gather3A_1034 = tpu.vector_load_idx %arg8[%add3A_1016] : memref<4095xf32, #tpu.memory_space<vmem>>[vector<16xi32>], vector<16xf32>,
      %gather3A_1035 = tpu.vector_load_idx %arg12[%add3A_31, %gather3A_1033] : memref<32x512xf32, #tpu.memory_space<vmem>>[vector<16xi32>, vector<16xi32>], vector<16xf32>,
      %gt3A_1036 = arith.cmpf ogt, %gather3A_1035, %gather3A_1034 : vector<16xf32>
      %jit3A_1037 = arith.constant 1 : i32
      %jit3A_1038 = arith.constant 0 : i32
      %broadcast_in_dim3A_1039 = vector.broadcast %jit3A_1037 : i32 to vector<16xi32>
      %broadcast_in_dim3A_1040 = vector.broadcast %jit3A_1038 : i32 to vector<16xi32>
      %select_n3A_1041 = arith.select %gt3A_1036, %broadcast_in_dim3A_1039, %broadcast_in_dim3A_1040 : vector<16xi1>, vector<16xi32>
      %mul3A_1042 = arith.constant 2 : i32
      %mul3A_1043 = vector.broadcast %mul3A_1042 : i32 to vector<16xi32>
      %mul3A_1044 = arith.muli %add3A_1016, %mul3A_1043 : vector<16xi32>
      %add3A_1045 = arith.constant 1 : i32
      %add3A_1046 = vector.broadcast %add3A_1045 : i32 to vector<16xi32>
      %add3A_1047 = arith.addi %mul3A_1044, %add3A_1046 : vector<16xi32>
      %add3A_1048 = arith.addi %add3A_1047, %select_n3A_1041 : vector<16xi32>
      %gather3A_1049 = tpu.vector_load_idx %arg7[%add3A_1032] : memref<4095xi32, #tpu.memory_space<vmem>>[vector<16xi32>], vector<16xi32>,
      %gather3A_1050 = tpu.vector_load_idx %arg8[%add3A_1032] : memref<4095xf32, #tpu.memory_space<vmem>>[vector<16xi32>], vector<16xf32>,
      %gather3A_1051 = tpu.vector_load_idx %arg12[%add3A_34, %gather3A_1049] : memref<32x512xf32, #tpu.memory_space<vmem>>[vector<16xi32>, vector<16xi32>], vector<16xf32>,
      %gt3A_1052 = arith.cmpf ogt, %gather3A_1051, %gather3A_1050 : vector<16xf32>
      %jit3A_1053 = arith.constant 1 : i32
      %jit3A_1054 = arith.constant 0 : i32
      %broadcast_in_dim3A_1055 = vector.broadcast %jit3A_1053 : i32 to vector<16xi32>
      %broadcast_in_dim3A_1056 = vector.broadcast %jit3A_1054 : i32 to vector<16xi32>
      %select_n3A_1057 = arith.select %gt3A_1052, %broadcast_in_dim3A_1055, %broadcast_in_dim3A_1056 : vector<16xi1>, vector<16xi32>
      %mul3A_1058 = arith.constant 2 : i32
      %mul3A_1059 = vector.broadcast %mul3A_1058 : i32 to vector<16xi32>
      %mul3A_1060 = arith.muli %add3A_1032, %mul3A_1059 : vector<16xi32>
      %add3A_1061 = arith.constant 1 : i32
      %add3A_1062 = vector.broadcast %add3A_1061 : i32 to vector<16xi32>
      %add3A_1063 = arith.addi %mul3A_1060, %add3A_1062 : vector<16xi32>
      %add3A_1064 = arith.addi %add3A_1063, %select_n3A_1057 : vector<16xi32>
      %gather3A_1065 = tpu.vector_load_idx %arg7[%add3A_1048] : memref<4095xi32, #tpu.memory_space<vmem>>[vector<16xi32>], vector<16xi32>,
      %gather3A_1066 = tpu.vector_load_idx %arg8[%add3A_1048] : memref<4095xf32, #tpu.memory_space<vmem>>[vector<16xi32>], vector<16xf32>,
      %gather3A_1067 = tpu.vector_load_idx %arg12[%add3A_31, %gather3A_1065] : memref<32x512xf32, #tpu.memory_space<vmem>>[vector<16xi32>, vector<16xi32>], vector<16xf32>,
      %gt3A_1068 = arith.cmpf ogt, %gather3A_1067, %gather3A_1066 : vector<16xf32>
      %jit3A_1069 = arith.constant 1 : i32
      %jit3A_1070 = arith.constant 0 : i32
      %broadcast_in_dim3A_1071 = vector.broadcast %jit3A_1069 : i32 to vector<16xi32>
      %broadcast_in_dim3A_1072 = vector.broadcast %jit3A_1070 : i32 to vector<16xi32>
      %select_n3A_1073 = arith.select %gt3A_1068, %broadcast_in_dim3A_1071, %broadcast_in_dim3A_1072 : vector<16xi1>, vector<16xi32>
      %mul3A_1074 = arith.constant 2 : i32
      %mul3A_1075 = vector.broadcast %mul3A_1074 : i32 to vector<16xi32>
      %mul3A_1076 = arith.muli %add3A_1048, %mul3A_1075 : vector<16xi32>
      %add3A_1077 = arith.constant 1 : i32
      %add3A_1078 = vector.broadcast %add3A_1077 : i32 to vector<16xi32>
      %add3A_1079 = arith.addi %mul3A_1076, %add3A_1078 : vector<16xi32>
      %add3A_1080 = arith.addi %add3A_1079, %select_n3A_1073 : vector<16xi32>
      %gather3A_1081 = tpu.vector_load_idx %arg7[%add3A_1064] : memref<4095xi32, #tpu.memory_space<vmem>>[vector<16xi32>], vector<16xi32>,
      %gather3A_1082 = tpu.vector_load_idx %arg8[%add3A_1064] : memref<4095xf32, #tpu.memory_space<vmem>>[vector<16xi32>], vector<16xf32>,
      %gather3A_1083 = tpu.vector_load_idx %arg12[%add3A_34, %gather3A_1081] : memref<32x512xf32, #tpu.memory_space<vmem>>[vector<16xi32>, vector<16xi32>], vector<16xf32>,
      %gt3A_1084 = arith.cmpf ogt, %gather3A_1083, %gather3A_1082 : vector<16xf32>
      %jit3A_1085 = arith.constant 1 : i32
      %jit3A_1086 = arith.constant 0 : i32
      %broadcast_in_dim3A_1087 = vector.broadcast %jit3A_1085 : i32 to vector<16xi32>
      %broadcast_in_dim3A_1088 = vector.broadcast %jit3A_1086 : i32 to vector<16xi32>
      %select_n3A_1089 = arith.select %gt3A_1084, %broadcast_in_dim3A_1087, %broadcast_in_dim3A_1088 : vector<16xi1>, vector<16xi32>
      %mul3A_1090 = arith.constant 2 : i32
      %mul3A_1091 = vector.broadcast %mul3A_1090 : i32 to vector<16xi32>
      %mul3A_1092 = arith.muli %add3A_1064, %mul3A_1091 : vector<16xi32>
      %add3A_1093 = arith.constant 1 : i32
      %add3A_1094 = vector.broadcast %add3A_1093 : i32 to vector<16xi32>
      %add3A_1095 = arith.addi %mul3A_1092, %add3A_1094 : vector<16xi32>
      %add3A_1096 = arith.addi %add3A_1095, %select_n3A_1089 : vector<16xi32>
      %gather3A_1097 = tpu.vector_load_idx %arg7[%add3A_1080] : memref<4095xi32, #tpu.memory_space<vmem>>[vector<16xi32>], vector<16xi32>,
      %gather3A_1098 = tpu.vector_load_idx %arg8[%add3A_1080] : memref<4095xf32, #tpu.memory_space<vmem>>[vector<16xi32>], vector<16xf32>,
      %gather3A_1099 = tpu.vector_load_idx %arg12[%add3A_31, %gather3A_1097] : memref<32x512xf32, #tpu.memory_space<vmem>>[vector<16xi32>, vector<16xi32>], vector<16xf32>,
      %gt3A_1100 = arith.cmpf ogt, %gather3A_1099, %gather3A_1098 : vector<16xf32>
      %jit3A_1101 = arith.constant 1 : i32
      %jit3A_1102 = arith.constant 0 : i32
      %broadcast_in_dim3A_1103 = vector.broadcast %jit3A_1101 : i32 to vector<16xi32>
      %broadcast_in_dim3A_1104 = vector.broadcast %jit3A_1102 : i32 to vector<16xi32>
      %select_n3A_1105 = arith.select %gt3A_1100, %broadcast_in_dim3A_1103, %broadcast_in_dim3A_1104 : vector<16xi1>, vector<16xi32>
      %mul3A_1106 = arith.constant 2 : i32
      %mul3A_1107 = vector.broadcast %mul3A_1106 : i32 to vector<16xi32>
      %mul3A_1108 = arith.muli %add3A_1080, %mul3A_1107 : vector<16xi32>
      %add3A_1109 = arith.constant 1 : i32
      %add3A_1110 = vector.broadcast %add3A_1109 : i32 to vector<16xi32>
      %add3A_1111 = arith.addi %mul3A_1108, %add3A_1110 : vector<16xi32>
      %add3A_1112 = arith.addi %add3A_1111, %select_n3A_1105 : vector<16xi32>
      %gather3A_1113 = tpu.vector_load_idx %arg7[%add3A_1096] : memref<4095xi32, #tpu.memory_space<vmem>>[vector<16xi32>], vector<16xi32>,
      %gather3A_1114 = tpu.vector_load_idx %arg8[%add3A_1096] : memref<4095xf32, #tpu.memory_space<vmem>>[vector<16xi32>], vector<16xf32>,
      %gather3A_1115 = tpu.vector_load_idx %arg12[%add3A_34, %gather3A_1113] : memref<32x512xf32, #tpu.memory_space<vmem>>[vector<16xi32>, vector<16xi32>], vector<16xf32>,
      %gt3A_1116 = arith.cmpf ogt, %gather3A_1115, %gather3A_1114 : vector<16xf32>
      %jit3A_1117 = arith.constant 1 : i32
      %jit3A_1118 = arith.constant 0 : i32
      %broadcast_in_dim3A_1119 = vector.broadcast %jit3A_1117 : i32 to vector<16xi32>
      %broadcast_in_dim3A_1120 = vector.broadcast %jit3A_1118 : i32 to vector<16xi32>
      %select_n3A_1121 = arith.select %gt3A_1116, %broadcast_in_dim3A_1119, %broadcast_in_dim3A_1120 : vector<16xi1>, vector<16xi32>
      %mul3A_1122 = arith.constant 2 : i32
      %mul3A_1123 = vector.broadcast %mul3A_1122 : i32 to vector<16xi32>
      %mul3A_1124 = arith.muli %add3A_1096, %mul3A_1123 : vector<16xi32>
      %add3A_1125 = arith.constant 1 : i32
      %add3A_1126 = vector.broadcast %add3A_1125 : i32 to vector<16xi32>
      %add3A_1127 = arith.addi %mul3A_1124, %add3A_1126 : vector<16xi32>
      %add3A_1128 = arith.addi %add3A_1127, %select_n3A_1121 : vector<16xi32>
      %gather3A_1129 = tpu.vector_load_idx %arg7[%add3A_1112] : memref<4095xi32, #tpu.memory_space<vmem>>[vector<16xi32>], vector<16xi32>,
      %gather3A_1130 = tpu.vector_load_idx %arg8[%add3A_1112] : memref<4095xf32, #tpu.memory_space<vmem>>[vector<16xi32>], vector<16xf32>,
      %gather3A_1131 = tpu.vector_load_idx %arg12[%add3A_31, %gather3A_1129] : memref<32x512xf32, #tpu.memory_space<vmem>>[vector<16xi32>, vector<16xi32>], vector<16xf32>,
      %gt3A_1132 = arith.cmpf ogt, %gather3A_1131, %gather3A_1130 : vector<16xf32>
      %jit3A_1133 = arith.constant 1 : i32
      %jit3A_1134 = arith.constant 0 : i32
      %broadcast_in_dim3A_1135 = vector.broadcast %jit3A_1133 : i32 to vector<16xi32>
      %broadcast_in_dim3A_1136 = vector.broadcast %jit3A_1134 : i32 to vector<16xi32>
      %select_n3A_1137 = arith.select %gt3A_1132, %broadcast_in_dim3A_1135, %broadcast_in_dim3A_1136 : vector<16xi1>, vector<16xi32>
      %mul3A_1138 = arith.constant 2 : i32
      %mul3A_1139 = vector.broadcast %mul3A_1138 : i32 to vector<16xi32>
      %mul3A_1140 = arith.muli %add3A_1112, %mul3A_1139 : vector<16xi32>
      %add3A_1141 = arith.constant 1 : i32
      %add3A_1142 = vector.broadcast %add3A_1141 : i32 to vector<16xi32>
      %add3A_1143 = arith.addi %mul3A_1140, %add3A_1142 : vector<16xi32>
      %add3A_1144 = arith.addi %add3A_1143, %select_n3A_1137 : vector<16xi32>
      %gather3A_1145 = tpu.vector_load_idx %arg7[%add3A_1128] : memref<4095xi32, #tpu.memory_space<vmem>>[vector<16xi32>], vector<16xi32>,
      %gather3A_1146 = tpu.vector_load_idx %arg8[%add3A_1128] : memref<4095xf32, #tpu.memory_space<vmem>>[vector<16xi32>], vector<16xf32>,
      %gather3A_1147 = tpu.vector_load_idx %arg12[%add3A_34, %gather3A_1145] : memref<32x512xf32, #tpu.memory_space<vmem>>[vector<16xi32>, vector<16xi32>], vector<16xf32>,
      %gt3A_1148 = arith.cmpf ogt, %gather3A_1147, %gather3A_1146 : vector<16xf32>
      %jit3A_1149 = arith.constant 1 : i32
      %jit3A_1150 = arith.constant 0 : i32
      %broadcast_in_dim3A_1151 = vector.broadcast %jit3A_1149 : i32 to vector<16xi32>
      %broadcast_in_dim3A_1152 = vector.broadcast %jit3A_1150 : i32 to vector<16xi32>
      %select_n3A_1153 = arith.select %gt3A_1148, %broadcast_in_dim3A_1151, %broadcast_in_dim3A_1152 : vector<16xi1>, vector<16xi32>
      %mul3A_1154 = arith.constant 2 : i32
      %mul3A_1155 = vector.broadcast %mul3A_1154 : i32 to vector<16xi32>
      %mul3A_1156 = arith.muli %add3A_1128, %mul3A_1155 : vector<16xi32>
      %add3A_1157 = arith.constant 1 : i32
      %add3A_1158 = vector.broadcast %add3A_1157 : i32 to vector<16xi32>
      %add3A_1159 = arith.addi %mul3A_1156, %add3A_1158 : vector<16xi32>
      %add3A_1160 = arith.addi %add3A_1159, %select_n3A_1153 : vector<16xi32>
      %gather3A_1161 = tpu.vector_load_idx %arg7[%add3A_1144] : memref<4095xi32, #tpu.memory_space<vmem>>[vector<16xi32>], vector<16xi32>,
      %gather3A_1162 = tpu.vector_load_idx %arg8[%add3A_1144] : memref<4095xf32, #tpu.memory_space<vmem>>[vector<16xi32>], vector<16xf32>,
      %gather3A_1163 = tpu.vector_load_idx %arg12[%add3A_31, %gather3A_1161] : memref<32x512xf32, #tpu.memory_space<vmem>>[vector<16xi32>, vector<16xi32>], vector<16xf32>,
      %gt3A_1164 = arith.cmpf ogt, %gather3A_1163, %gather3A_1162 : vector<16xf32>
      %jit3A_1165 = arith.constant 1 : i32
      %jit3A_1166 = arith.constant 0 : i32
      %broadcast_in_dim3A_1167 = vector.broadcast %jit3A_1165 : i32 to vector<16xi32>
      %broadcast_in_dim3A_1168 = vector.broadcast %jit3A_1166 : i32 to vector<16xi32>
      %select_n3A_1169 = arith.select %gt3A_1164, %broadcast_in_dim3A_1167, %broadcast_in_dim3A_1168 : vector<16xi1>, vector<16xi32>
      %mul3A_1170 = arith.constant 2 : i32
      %mul3A_1171 = vector.broadcast %mul3A_1170 : i32 to vector<16xi32>
      %mul3A_1172 = arith.muli %add3A_1144, %mul3A_1171 : vector<16xi32>
      %add3A_1173 = arith.constant 1 : i32
      %add3A_1174 = vector.broadcast %add3A_1173 : i32 to vector<16xi32>
      %add3A_1175 = arith.addi %mul3A_1172, %add3A_1174 : vector<16xi32>
      %add3A_1176 = arith.addi %add3A_1175, %select_n3A_1169 : vector<16xi32>
      %gather3A_1177 = tpu.vector_load_idx %arg7[%add3A_1160] : memref<4095xi32, #tpu.memory_space<vmem>>[vector<16xi32>], vector<16xi32>,
      %gather3A_1178 = tpu.vector_load_idx %arg8[%add3A_1160] : memref<4095xf32, #tpu.memory_space<vmem>>[vector<16xi32>], vector<16xf32>,
      %gather3A_1179 = tpu.vector_load_idx %arg12[%add3A_34, %gather3A_1177] : memref<32x512xf32, #tpu.memory_space<vmem>>[vector<16xi32>, vector<16xi32>], vector<16xf32>,
      %gt3A_1180 = arith.cmpf ogt, %gather3A_1179, %gather3A_1178 : vector<16xf32>
      %jit3A_1181 = arith.constant 1 : i32
      %jit3A_1182 = arith.constant 0 : i32
      %broadcast_in_dim3A_1183 = vector.broadcast %jit3A_1181 : i32 to vector<16xi32>
      %broadcast_in_dim3A_1184 = vector.broadcast %jit3A_1182 : i32 to vector<16xi32>
      %select_n3A_1185 = arith.select %gt3A_1180, %broadcast_in_dim3A_1183, %broadcast_in_dim3A_1184 : vector<16xi1>, vector<16xi32>
      %mul3A_1186 = arith.constant 2 : i32
      %mul3A_1187 = vector.broadcast %mul3A_1186 : i32 to vector<16xi32>
      %mul3A_1188 = arith.muli %add3A_1160, %mul3A_1187 : vector<16xi32>
      %add3A_1189 = arith.constant 1 : i32
      %add3A_1190 = vector.broadcast %add3A_1189 : i32 to vector<16xi32>
      %add3A_1191 = arith.addi %mul3A_1188, %add3A_1190 : vector<16xi32>
      %add3A_1192 = arith.addi %add3A_1191, %select_n3A_1185 : vector<16xi32>
      %gather3A_1193 = tpu.vector_load_idx %arg7[%add3A_1176] : memref<4095xi32, #tpu.memory_space<vmem>>[vector<16xi32>], vector<16xi32>,
      %gather3A_1194 = tpu.vector_load_idx %arg8[%add3A_1176] : memref<4095xf32, #tpu.memory_space<vmem>>[vector<16xi32>], vector<16xf32>,
      %gather3A_1195 = tpu.vector_load_idx %arg12[%add3A_31, %gather3A_1193] : memref<32x512xf32, #tpu.memory_space<vmem>>[vector<16xi32>, vector<16xi32>], vector<16xf32>,
      %gt3A_1196 = arith.cmpf ogt, %gather3A_1195, %gather3A_1194 : vector<16xf32>
      %jit3A_1197 = arith.constant 1 : i32
      %jit3A_1198 = arith.constant 0 : i32
      %broadcast_in_dim3A_1199 = vector.broadcast %jit3A_1197 : i32 to vector<16xi32>
      %broadcast_in_dim3A_1200 = vector.broadcast %jit3A_1198 : i32 to vector<16xi32>
      %select_n3A_1201 = arith.select %gt3A_1196, %broadcast_in_dim3A_1199, %broadcast_in_dim3A_1200 : vector<16xi1>, vector<16xi32>
      %mul3A_1202 = arith.constant 2 : i32
      %mul3A_1203 = vector.broadcast %mul3A_1202 : i32 to vector<16xi32>
      %mul3A_1204 = arith.muli %add3A_1176, %mul3A_1203 : vector<16xi32>
      %add3A_1205 = arith.constant 1 : i32
      %add3A_1206 = vector.broadcast %add3A_1205 : i32 to vector<16xi32>
      %add3A_1207 = arith.addi %mul3A_1204, %add3A_1206 : vector<16xi32>
      %add3A_1208 = arith.addi %add3A_1207, %select_n3A_1201 : vector<16xi32>
      %gather3A_1209 = tpu.vector_load_idx %arg7[%add3A_1192] : memref<4095xi32, #tpu.memory_space<vmem>>[vector<16xi32>], vector<16xi32>,
      %gather3A_1210 = tpu.vector_load_idx %arg8[%add3A_1192] : memref<4095xf32, #tpu.memory_space<vmem>>[vector<16xi32>], vector<16xf32>,
      %gather3A_1211 = tpu.vector_load_idx %arg12[%add3A_34, %gather3A_1209] : memref<32x512xf32, #tpu.memory_space<vmem>>[vector<16xi32>, vector<16xi32>], vector<16xf32>,
      %gt3A_1212 = arith.cmpf ogt, %gather3A_1211, %gather3A_1210 : vector<16xf32>
      %jit3A_1213 = arith.constant 1 : i32
      %jit3A_1214 = arith.constant 0 : i32
      %broadcast_in_dim3A_1215 = vector.broadcast %jit3A_1213 : i32 to vector<16xi32>
      %broadcast_in_dim3A_1216 = vector.broadcast %jit3A_1214 : i32 to vector<16xi32>
      %select_n3A_1217 = arith.select %gt3A_1212, %broadcast_in_dim3A_1215, %broadcast_in_dim3A_1216 : vector<16xi1>, vector<16xi32>
      %mul3A_1218 = arith.constant 2 : i32
      %mul3A_1219 = vector.broadcast %mul3A_1218 : i32 to vector<16xi32>
      %mul3A_1220 = arith.muli %add3A_1192, %mul3A_1219 : vector<16xi32>
      %add3A_1221 = arith.constant 1 : i32
      %add3A_1222 = vector.broadcast %add3A_1221 : i32 to vector<16xi32>
      %add3A_1223 = arith.addi %mul3A_1220, %add3A_1222 : vector<16xi32>
      %add3A_1224 = arith.addi %add3A_1223, %select_n3A_1217 : vector<16xi32>
      %gather3A_1225 = tpu.vector_load_idx %arg7[%add3A_1208] : memref<4095xi32, #tpu.memory_space<vmem>>[vector<16xi32>], vector<16xi32>,
      %gather3A_1226 = tpu.vector_load_idx %arg8[%add3A_1208] : memref<4095xf32, #tpu.memory_space<vmem>>[vector<16xi32>], vector<16xf32>,
      %gather3A_1227 = tpu.vector_load_idx %arg12[%add3A_31, %gather3A_1225] : memref<32x512xf32, #tpu.memory_space<vmem>>[vector<16xi32>, vector<16xi32>], vector<16xf32>,
      %gt3A_1228 = arith.cmpf ogt, %gather3A_1227, %gather3A_1226 : vector<16xf32>
      %jit3A_1229 = arith.constant 1 : i32
      %jit3A_1230 = arith.constant 0 : i32
      %broadcast_in_dim3A_1231 = vector.broadcast %jit3A_1229 : i32 to vector<16xi32>
      %broadcast_in_dim3A_1232 = vector.broadcast %jit3A_1230 : i32 to vector<16xi32>
      %select_n3A_1233 = arith.select %gt3A_1228, %broadcast_in_dim3A_1231, %broadcast_in_dim3A_1232 : vector<16xi1>, vector<16xi32>
      %mul3A_1234 = arith.constant 2 : i32
      %mul3A_1235 = vector.broadcast %mul3A_1234 : i32 to vector<16xi32>
      %mul3A_1236 = arith.muli %add3A_1208, %mul3A_1235 : vector<16xi32>
      %add3A_1237 = arith.constant 1 : i32
      %add3A_1238 = vector.broadcast %add3A_1237 : i32 to vector<16xi32>
      %add3A_1239 = arith.addi %mul3A_1236, %add3A_1238 : vector<16xi32>
      %add3A_1240 = arith.addi %add3A_1239, %select_n3A_1233 : vector<16xi32>
      %gather3A_1241 = tpu.vector_load_idx %arg7[%add3A_1224] : memref<4095xi32, #tpu.memory_space<vmem>>[vector<16xi32>], vector<16xi32>,
      %gather3A_1242 = tpu.vector_load_idx %arg8[%add3A_1224] : memref<4095xf32, #tpu.memory_space<vmem>>[vector<16xi32>], vector<16xf32>,
      %gather3A_1243 = tpu.vector_load_idx %arg12[%add3A_34, %gather3A_1241] : memref<32x512xf32, #tpu.memory_space<vmem>>[vector<16xi32>, vector<16xi32>], vector<16xf32>,
      %gt3A_1244 = arith.cmpf ogt, %gather3A_1243, %gather3A_1242 : vector<16xf32>
      %jit3A_1245 = arith.constant 1 : i32
      %jit3A_1246 = arith.constant 0 : i32
      %broadcast_in_dim3A_1247 = vector.broadcast %jit3A_1245 : i32 to vector<16xi32>
      %broadcast_in_dim3A_1248 = vector.broadcast %jit3A_1246 : i32 to vector<16xi32>
      %select_n3A_1249 = arith.select %gt3A_1244, %broadcast_in_dim3A_1247, %broadcast_in_dim3A_1248 : vector<16xi1>, vector<16xi32>
      %mul3A_1250 = arith.constant 2 : i32
      %mul3A_1251 = vector.broadcast %mul3A_1250 : i32 to vector<16xi32>
      %mul3A_1252 = arith.muli %add3A_1224, %mul3A_1251 : vector<16xi32>
      %add3A_1253 = arith.constant 1 : i32
      %add3A_1254 = vector.broadcast %add3A_1253 : i32 to vector<16xi32>
      %add3A_1255 = arith.addi %mul3A_1252, %add3A_1254 : vector<16xi32>
      %add3A_1256 = arith.addi %add3A_1255, %select_n3A_1249 : vector<16xi32>
      %lt3A_1257 = arith.constant 3 : i32
      %lt3A_1258 = arith.cmpi slt, %scan3A_56, %lt3A_1257 : i32
      %convert_element_type3A_1259 = arith.extui %lt3A_1258 : i1 to i32
      %cond3A_1260 = arith.constant 0 : i32
      %cond3A_1261 = arith.cmpi ne, %convert_element_type3A_1259, %cond3A_1260 : i32
      scf.if %cond3A_1261 {
        %add3A_1709 = arith.constant 4 : i32
        %add3A_1710 = arith.addi %add3A_878, %add3A_1709 : i32
        %mul3A_1711 = arith.constant 32 : i32
        %mul3A_1712 = arith.muli %add3A_1710, %mul3A_1711 : i32
        %add3A_1713 = arith.addi %mul3A_2, %mul3A_1712 : i32
        %dma_start3A_1714 = arith.constant 0 : i32
        %dma_start3A_1715 = tpu.memref_slice %arg2[%add3A_1713, %dma_start3A_1714] : memref<16384x512xf32, #tpu.memory_space<hbm>> -> memref<32x512xf32, #tpu.memory_space<hbm>>
        %dma_start3A_1716 = arith.constant 0 : i32
        %dma_start3A_1717 = tpu.memref_slice %arg2[%add3A_1713, %dma_start3A_1716] : memref<16384x512xf32, #tpu.memory_space<hbm>> -> memref<32x512xf32, #tpu.memory_space<hbm>>
        tpu.enqueue_dma source(%dma_start3A_1717 : memref<32x512xf32, #tpu.memory_space<hbm>>) target(%arg12 : memref<32x512xf32, #tpu.memory_space<vmem>>) target_semaphore(%arg24 : memref<!tpu.dma_semaphore, #tpu.memory_space<semaphore_mem>>)
      } else {
      }
      %gt3A_1262 = arith.constant 0 : i32
      %gt3A_1263 = arith.cmpi sgt, %scan3A_56, %gt3A_1262 : i32
      %convert_element_type3A_1264 = arith.extui %gt3A_1263 : i1 to i32
      %cond3A_1265 = arith.constant 0 : i32
      %cond3A_1266 = arith.cmpi ne, %convert_element_type3A_1264, %cond3A_1265 : i32
      scf.if %cond3A_1266 {
        %dma_wait3A_1709 = arith.constant 0 : i32
        %dma_wait3A_1710 = tpu.memref_slice %arg6[%mul3A_2, %dma_wait3A_1709] : memref<16384x128xf32, #tpu.memory_space<hbm>> -> memref<32x128xf32, #tpu.memory_space<hbm>>
        %dma_wait3A_1711 = arith.constant 0 : i32
        %dma_wait3A_1712 = tpu.memref_slice %arg6[%mul3A_2, %dma_wait3A_1711] : memref<16384x128xf32, #tpu.memory_space<hbm>> -> memref<32x128xf32, #tpu.memory_space<hbm>>
        tpu.wait_dma2 semaphore(%arg32 : memref<!tpu.dma_semaphore, #tpu.memory_space<semaphore_mem>>) src(%arg20 : memref<32x128xf32, #tpu.memory_space<vmem>>) dst(%dma_wait3A_1712 : memref<32x128xf32, #tpu.memory_space<hbm>>)
      } else {
      }
      %sub3A_1267 = arith.constant 4095 : i32
      %sub3A_1268 = vector.broadcast %sub3A_1267 : i32 to vector<16xi32>
      %sub3A_1269 = arith.subi %add3A_1240, %sub3A_1268 : vector<16xi32>
      %swap3A_1270 = arith.constant 0 : index
      %swap3A_1271 = tpu.vector_load %arg16[%swap3A_1270] {strides = array<i32>} : memref<32xi32, #tpu.memory_space<vmem>>, vector<16xi32>,
      tpu.vector_store %arg16[%swap3A_1270], %sub3A_1269 {strides = array<i32>} : memref<32xi32, #tpu.memory_space<vmem>>, vector<16xi32>,
      %sub3A_1272 = arith.constant 4095 : i32
      %sub3A_1273 = vector.broadcast %sub3A_1272 : i32 to vector<16xi32>
      %sub3A_1274 = arith.subi %add3A_1256, %sub3A_1273 : vector<16xi32>
      %swap3A_1275 = arith.constant 16 : index
      %swap3A_1276 = tpu.vector_load %arg16[%swap3A_1275] {strides = array<i32>} : memref<32xi32, #tpu.memory_space<vmem>>, vector<16xi32>,
      tpu.vector_store %arg16[%swap3A_1275], %sub3A_1274 {strides = array<i32>} : memref<32xi32, #tpu.memory_space<vmem>>, vector<16xi32>,
      %dma_start3A_1277 = arith.constant 0 : i32
      %dma_start3A_1278 = arith.constant 0 : i32
      %dma_start3A_1279 = tpu.memref_slice %arg9[%dma_start3A_1277, %dma_start3A_1278] : memref<4096x128xf32, #tpu.memory_space<vmem_shared>> -> memref<4096x128xf32, #tpu.memory_space<vmem_shared>>
      tpu.enqueue_indirect_dma source(%dma_start3A_1279 : memref<4096x128xf32, #tpu.memory_space<vmem_shared>>) target(%arg20 : memref<32x128xf32, #tpu.memory_space<vmem>>) offsets(%arg16 : memref<32xi32, #tpu.memory_space<vmem>>) semaphore(%arg28 : memref<!tpu.dma_semaphore, #tpu.memory_space<semaphore_mem>>)
      %dma_wait3A_1280 = arith.constant 0 : i32
      %dma_wait3A_1281 = arith.constant 0 : i32
      %dma_wait3A_1282 = tpu.memref_slice %arg9[%dma_wait3A_1280, %dma_wait3A_1281] : memref<4096x128xf32, #tpu.memory_space<vmem_shared>> -> memref<4096x128xf32, #tpu.memory_space<vmem_shared>>
      tpu.wait_indirect_dma semaphore(%arg27 : memref<!tpu.dma_semaphore, #tpu.memory_space<semaphore_mem>>) src(%dma_wait3A_1282 : memref<4096x128xf32, #tpu.memory_space<vmem_shared>>) dst(%arg19 : memref<32x128xf32, #tpu.memory_space<vmem>>)
      %sub3A_1283 = arith.constant 1 : i32
      %sub3A_1284 = arith.subi %add3A_878, %sub3A_1283 : i32
      %mul3A_1285 = arith.constant 32 : i32
      %mul3A_1286 = arith.muli %sub3A_1284, %mul3A_1285 : i32
      %add3A_1287 = arith.addi %mul3A_2, %mul3A_1286 : i32
      %dma_start3A_1288 = arith.constant 0 : i32
      %dma_start3A_1289 = tpu.memref_slice %arg6[%add3A_1287, %dma_start3A_1288] : memref<16384x128xf32, #tpu.memory_space<hbm>> -> memref<32x128xf32, #tpu.memory_space<hbm>>
      %dma_start3A_1290 = arith.constant 0 : i32
      %dma_start3A_1291 = tpu.memref_slice %arg6[%add3A_1287, %dma_start3A_1290] : memref<16384x128xf32, #tpu.memory_space<hbm>> -> memref<32x128xf32, #tpu.memory_space<hbm>>
      tpu.enqueue_dma source(%arg19 : memref<32x128xf32, #tpu.memory_space<vmem>>) target(%dma_start3A_1291 : memref<32x128xf32, #tpu.memory_space<hbm>>) target_semaphore(%arg31 : memref<!tpu.dma_semaphore, #tpu.memory_space<semaphore_mem>>)
      %mul3A_1292 = arith.constant 4 : i32
      %mul3A_1293 = arith.muli %scan3A_56, %mul3A_1292 : i32
      %add3A_1294 = arith.constant 3 : i32
      %add3A_1295 = arith.addi %mul3A_1293, %add3A_1294 : i32
      %dma_wait3A_1296 = arith.constant 0 : i32
      %dma_wait3A_1297 = tpu.memref_slice %arg2[%mul3A_2, %dma_wait3A_1296] : memref<16384x512xf32, #tpu.memory_space<hbm>> -> memref<32x512xf32, #tpu.memory_space<hbm>>
      %dma_wait3A_1298 = arith.constant 0 : i32
      %dma_wait3A_1299 = tpu.memref_slice %arg2[%mul3A_2, %dma_wait3A_1298] : memref<16384x512xf32, #tpu.memory_space<hbm>> -> memref<32x512xf32, #tpu.memory_space<hbm>>
      tpu.wait_dma2 semaphore(%arg25 : memref<!tpu.dma_semaphore, #tpu.memory_space<semaphore_mem>>) src(%dma_wait3A_1299 : memref<32x512xf32, #tpu.memory_space<hbm>>) dst(%arg13 : memref<32x512xf32, #tpu.memory_space<vmem>>)
      %gather3A_1300 = tpu.vector_load_idx %arg7[%broadcast_in_dim3A_28] : memref<4095xi32, #tpu.memory_space<vmem>>[vector<16xi32>], vector<16xi32>,
      %gather3A_1301 = tpu.vector_load_idx %arg8[%broadcast_in_dim3A_28] : memref<4095xf32, #tpu.memory_space<vmem>>[vector<16xi32>], vector<16xf32>,
      %gather3A_1302 = tpu.vector_load_idx %arg13[%add3A_31, %gather3A_1300] : memref<32x512xf32, #tpu.memory_space<vmem>>[vector<16xi32>, vector<16xi32>], vector<16xf32>,
      %gt3A_1303 = arith.cmpf ogt, %gather3A_1302, %gather3A_1301 : vector<16xf32>
      %jit3A_1304 = arith.constant 1 : i32
      %jit3A_1305 = arith.constant 0 : i32
      %broadcast_in_dim3A_1306 = vector.broadcast %jit3A_1304 : i32 to vector<16xi32>
      %broadcast_in_dim3A_1307 = vector.broadcast %jit3A_1305 : i32 to vector<16xi32>
      %select_n3A_1308 = arith.select %gt3A_1303, %broadcast_in_dim3A_1306, %broadcast_in_dim3A_1307 : vector<16xi1>, vector<16xi32>
      %add3A_1309 = arith.constant 1 : i32
      %add3A_1310 = vector.broadcast %add3A_1309 : i32 to vector<16xi32>
      %add3A_1311 = arith.addi %add3A_1310, %select_n3A_1308 : vector<16xi32>
      %gather3A_1312 = tpu.vector_load_idx %arg13[%add3A_34, %gather3A_1300] : memref<32x512xf32, #tpu.memory_space<vmem>>[vector<16xi32>, vector<16xi32>], vector<16xf32>,
      %gt3A_1313 = arith.cmpf ogt, %gather3A_1312, %gather3A_1301 : vector<16xf32>
      %jit3A_1314 = arith.constant 1 : i32
      %jit3A_1315 = arith.constant 0 : i32
      %broadcast_in_dim3A_1316 = vector.broadcast %jit3A_1314 : i32 to vector<16xi32>
      %broadcast_in_dim3A_1317 = vector.broadcast %jit3A_1315 : i32 to vector<16xi32>
      %select_n3A_1318 = arith.select %gt3A_1313, %broadcast_in_dim3A_1316, %broadcast_in_dim3A_1317 : vector<16xi1>, vector<16xi32>
      %add3A_1319 = arith.constant 1 : i32
      %add3A_1320 = vector.broadcast %add3A_1319 : i32 to vector<16xi32>
      %add3A_1321 = arith.addi %add3A_1320, %select_n3A_1318 : vector<16xi32>
      %gather3A_1322 = tpu.vector_load_idx %arg7[%add3A_1311] : memref<4095xi32, #tpu.memory_space<vmem>>[vector<16xi32>], vector<16xi32>,
      %gather3A_1323 = tpu.vector_load_idx %arg8[%add3A_1311] : memref<4095xf32, #tpu.memory_space<vmem>>[vector<16xi32>], vector<16xf32>,
      %gather3A_1324 = tpu.vector_load_idx %arg13[%add3A_31, %gather3A_1322] : memref<32x512xf32, #tpu.memory_space<vmem>>[vector<16xi32>, vector<16xi32>], vector<16xf32>,
      %gt3A_1325 = arith.cmpf ogt, %gather3A_1324, %gather3A_1323 : vector<16xf32>
      %jit3A_1326 = arith.constant 1 : i32
      %jit3A_1327 = arith.constant 0 : i32
      %broadcast_in_dim3A_1328 = vector.broadcast %jit3A_1326 : i32 to vector<16xi32>
      %broadcast_in_dim3A_1329 = vector.broadcast %jit3A_1327 : i32 to vector<16xi32>
      %select_n3A_1330 = arith.select %gt3A_1325, %broadcast_in_dim3A_1328, %broadcast_in_dim3A_1329 : vector<16xi1>, vector<16xi32>
      %mul3A_1331 = arith.constant 2 : i32
      %mul3A_1332 = vector.broadcast %mul3A_1331 : i32 to vector<16xi32>
      %mul3A_1333 = arith.muli %add3A_1311, %mul3A_1332 : vector<16xi32>
      %add3A_1334 = arith.constant 1 : i32
      %add3A_1335 = vector.broadcast %add3A_1334 : i32 to vector<16xi32>
      %add3A_1336 = arith.addi %mul3A_1333, %add3A_1335 : vector<16xi32>
      %add3A_1337 = arith.addi %add3A_1336, %select_n3A_1330 : vector<16xi32>
      %gather3A_1338 = tpu.vector_load_idx %arg7[%add3A_1321] : memref<4095xi32, #tpu.memory_space<vmem>>[vector<16xi32>], vector<16xi32>,
      %gather3A_1339 = tpu.vector_load_idx %arg8[%add3A_1321] : memref<4095xf32, #tpu.memory_space<vmem>>[vector<16xi32>], vector<16xf32>,
      %gather3A_1340 = tpu.vector_load_idx %arg13[%add3A_34, %gather3A_1338] : memref<32x512xf32, #tpu.memory_space<vmem>>[vector<16xi32>, vector<16xi32>], vector<16xf32>,
      %gt3A_1341 = arith.cmpf ogt, %gather3A_1340, %gather3A_1339 : vector<16xf32>
      %jit3A_1342 = arith.constant 1 : i32
      %jit3A_1343 = arith.constant 0 : i32
      %broadcast_in_dim3A_1344 = vector.broadcast %jit3A_1342 : i32 to vector<16xi32>
      %broadcast_in_dim3A_1345 = vector.broadcast %jit3A_1343 : i32 to vector<16xi32>
      %select_n3A_1346 = arith.select %gt3A_1341, %broadcast_in_dim3A_1344, %broadcast_in_dim3A_1345 : vector<16xi1>, vector<16xi32>
      %mul3A_1347 = arith.constant 2 : i32
      %mul3A_1348 = vector.broadcast %mul3A_1347 : i32 to vector<16xi32>
      %mul3A_1349 = arith.muli %add3A_1321, %mul3A_1348 : vector<16xi32>
      %add3A_1350 = arith.constant 1 : i32
      %add3A_1351 = vector.broadcast %add3A_1350 : i32 to vector<16xi32>
      %add3A_1352 = arith.addi %mul3A_1349, %add3A_1351 : vector<16xi32>
      %add3A_1353 = arith.addi %add3A_1352, %select_n3A_1346 : vector<16xi32>
      %gather3A_1354 = tpu.vector_load_idx %arg7[%add3A_1337] : memref<4095xi32, #tpu.memory_space<vmem>>[vector<16xi32>], vector<16xi32>,
      %gather3A_1355 = tpu.vector_load_idx %arg8[%add3A_1337] : memref<4095xf32, #tpu.memory_space<vmem>>[vector<16xi32>], vector<16xf32>,
      %gather3A_1356 = tpu.vector_load_idx %arg13[%add3A_31, %gather3A_1354] : memref<32x512xf32, #tpu.memory_space<vmem>>[vector<16xi32>, vector<16xi32>], vector<16xf32>,
      %gt3A_1357 = arith.cmpf ogt, %gather3A_1356, %gather3A_1355 : vector<16xf32>
      %jit3A_1358 = arith.constant 1 : i32
      %jit3A_1359 = arith.constant 0 : i32
      %broadcast_in_dim3A_1360 = vector.broadcast %jit3A_1358 : i32 to vector<16xi32>
      %broadcast_in_dim3A_1361 = vector.broadcast %jit3A_1359 : i32 to vector<16xi32>
      %select_n3A_1362 = arith.select %gt3A_1357, %broadcast_in_dim3A_1360, %broadcast_in_dim3A_1361 : vector<16xi1>, vector<16xi32>
      %mul3A_1363 = arith.constant 2 : i32
      %mul3A_1364 = vector.broadcast %mul3A_1363 : i32 to vector<16xi32>
      %mul3A_1365 = arith.muli %add3A_1337, %mul3A_1364 : vector<16xi32>
      %add3A_1366 = arith.constant 1 : i32
      %add3A_1367 = vector.broadcast %add3A_1366 : i32 to vector<16xi32>
      %add3A_1368 = arith.addi %mul3A_1365, %add3A_1367 : vector<16xi32>
      %add3A_1369 = arith.addi %add3A_1368, %select_n3A_1362 : vector<16xi32>
      %gather3A_1370 = tpu.vector_load_idx %arg7[%add3A_1353] : memref<4095xi32, #tpu.memory_space<vmem>>[vector<16xi32>], vector<16xi32>,
      %gather3A_1371 = tpu.vector_load_idx %arg8[%add3A_1353] : memref<4095xf32, #tpu.memory_space<vmem>>[vector<16xi32>], vector<16xf32>,
      %gather3A_1372 = tpu.vector_load_idx %arg13[%add3A_34, %gather3A_1370] : memref<32x512xf32, #tpu.memory_space<vmem>>[vector<16xi32>, vector<16xi32>], vector<16xf32>,
      %gt3A_1373 = arith.cmpf ogt, %gather3A_1372, %gather3A_1371 : vector<16xf32>
      %jit3A_1374 = arith.constant 1 : i32
      %jit3A_1375 = arith.constant 0 : i32
      %broadcast_in_dim3A_1376 = vector.broadcast %jit3A_1374 : i32 to vector<16xi32>
      %broadcast_in_dim3A_1377 = vector.broadcast %jit3A_1375 : i32 to vector<16xi32>
      %select_n3A_1378 = arith.select %gt3A_1373, %broadcast_in_dim3A_1376, %broadcast_in_dim3A_1377 : vector<16xi1>, vector<16xi32>
      %mul3A_1379 = arith.constant 2 : i32
      %mul3A_1380 = vector.broadcast %mul3A_1379 : i32 to vector<16xi32>
      %mul3A_1381 = arith.muli %add3A_1353, %mul3A_1380 : vector<16xi32>
      %add3A_1382 = arith.constant 1 : i32
      %add3A_1383 = vector.broadcast %add3A_1382 : i32 to vector<16xi32>
      %add3A_1384 = arith.addi %mul3A_1381, %add3A_1383 : vector<16xi32>
      %add3A_1385 = arith.addi %add3A_1384, %select_n3A_1378 : vector<16xi32>
      %gather3A_1386 = tpu.vector_load_idx %arg7[%add3A_1369] : memref<4095xi32, #tpu.memory_space<vmem>>[vector<16xi32>], vector<16xi32>,
      %gather3A_1387 = tpu.vector_load_idx %arg8[%add3A_1369] : memref<4095xf32, #tpu.memory_space<vmem>>[vector<16xi32>], vector<16xf32>,
      %gather3A_1388 = tpu.vector_load_idx %arg13[%add3A_31, %gather3A_1386] : memref<32x512xf32, #tpu.memory_space<vmem>>[vector<16xi32>, vector<16xi32>], vector<16xf32>,
      %gt3A_1389 = arith.cmpf ogt, %gather3A_1388, %gather3A_1387 : vector<16xf32>
      %jit3A_1390 = arith.constant 1 : i32
      %jit3A_1391 = arith.constant 0 : i32
      %broadcast_in_dim3A_1392 = vector.broadcast %jit3A_1390 : i32 to vector<16xi32>
      %broadcast_in_dim3A_1393 = vector.broadcast %jit3A_1391 : i32 to vector<16xi32>
      %select_n3A_1394 = arith.select %gt3A_1389, %broadcast_in_dim3A_1392, %broadcast_in_dim3A_1393 : vector<16xi1>, vector<16xi32>
      %mul3A_1395 = arith.constant 2 : i32
      %mul3A_1396 = vector.broadcast %mul3A_1395 : i32 to vector<16xi32>
      %mul3A_1397 = arith.muli %add3A_1369, %mul3A_1396 : vector<16xi32>
      %add3A_1398 = arith.constant 1 : i32
      %add3A_1399 = vector.broadcast %add3A_1398 : i32 to vector<16xi32>
      %add3A_1400 = arith.addi %mul3A_1397, %add3A_1399 : vector<16xi32>
      %add3A_1401 = arith.addi %add3A_1400, %select_n3A_1394 : vector<16xi32>
      %gather3A_1402 = tpu.vector_load_idx %arg7[%add3A_1385] : memref<4095xi32, #tpu.memory_space<vmem>>[vector<16xi32>], vector<16xi32>,
      %gather3A_1403 = tpu.vector_load_idx %arg8[%add3A_1385] : memref<4095xf32, #tpu.memory_space<vmem>>[vector<16xi32>], vector<16xf32>,
      %gather3A_1404 = tpu.vector_load_idx %arg13[%add3A_34, %gather3A_1402] : memref<32x512xf32, #tpu.memory_space<vmem>>[vector<16xi32>, vector<16xi32>], vector<16xf32>,
      %gt3A_1405 = arith.cmpf ogt, %gather3A_1404, %gather3A_1403 : vector<16xf32>
      %jit3A_1406 = arith.constant 1 : i32
      %jit3A_1407 = arith.constant 0 : i32
      %broadcast_in_dim3A_1408 = vector.broadcast %jit3A_1406 : i32 to vector<16xi32>
      %broadcast_in_dim3A_1409 = vector.broadcast %jit3A_1407 : i32 to vector<16xi32>
      %select_n3A_1410 = arith.select %gt3A_1405, %broadcast_in_dim3A_1408, %broadcast_in_dim3A_1409 : vector<16xi1>, vector<16xi32>
      %mul3A_1411 = arith.constant 2 : i32
      %mul3A_1412 = vector.broadcast %mul3A_1411 : i32 to vector<16xi32>
      %mul3A_1413 = arith.muli %add3A_1385, %mul3A_1412 : vector<16xi32>
      %add3A_1414 = arith.constant 1 : i32
      %add3A_1415 = vector.broadcast %add3A_1414 : i32 to vector<16xi32>
      %add3A_1416 = arith.addi %mul3A_1413, %add3A_1415 : vector<16xi32>
      %add3A_1417 = arith.addi %add3A_1416, %select_n3A_1410 : vector<16xi32>
      %gather3A_1418 = tpu.vector_load_idx %arg7[%add3A_1401] : memref<4095xi32, #tpu.memory_space<vmem>>[vector<16xi32>], vector<16xi32>,
      %gather3A_1419 = tpu.vector_load_idx %arg8[%add3A_1401] : memref<4095xf32, #tpu.memory_space<vmem>>[vector<16xi32>], vector<16xf32>,
      %gather3A_1420 = tpu.vector_load_idx %arg13[%add3A_31, %gather3A_1418] : memref<32x512xf32, #tpu.memory_space<vmem>>[vector<16xi32>, vector<16xi32>], vector<16xf32>,
      %gt3A_1421 = arith.cmpf ogt, %gather3A_1420, %gather3A_1419 : vector<16xf32>
      %jit3A_1422 = arith.constant 1 : i32
      %jit3A_1423 = arith.constant 0 : i32
      %broadcast_in_dim3A_1424 = vector.broadcast %jit3A_1422 : i32 to vector<16xi32>
      %broadcast_in_dim3A_1425 = vector.broadcast %jit3A_1423 : i32 to vector<16xi32>
      %select_n3A_1426 = arith.select %gt3A_1421, %broadcast_in_dim3A_1424, %broadcast_in_dim3A_1425 : vector<16xi1>, vector<16xi32>
      %mul3A_1427 = arith.constant 2 : i32
      %mul3A_1428 = vector.broadcast %mul3A_1427 : i32 to vector<16xi32>
      %mul3A_1429 = arith.muli %add3A_1401, %mul3A_1428 : vector<16xi32>
      %add3A_1430 = arith.constant 1 : i32
      %add3A_1431 = vector.broadcast %add3A_1430 : i32 to vector<16xi32>
      %add3A_1432 = arith.addi %mul3A_1429, %add3A_1431 : vector<16xi32>
      %add3A_1433 = arith.addi %add3A_1432, %select_n3A_1426 : vector<16xi32>
      %gather3A_1434 = tpu.vector_load_idx %arg7[%add3A_1417] : memref<4095xi32, #tpu.memory_space<vmem>>[vector<16xi32>], vector<16xi32>,
      %gather3A_1435 = tpu.vector_load_idx %arg8[%add3A_1417] : memref<4095xf32, #tpu.memory_space<vmem>>[vector<16xi32>], vector<16xf32>,
      %gather3A_1436 = tpu.vector_load_idx %arg13[%add3A_34, %gather3A_1434] : memref<32x512xf32, #tpu.memory_space<vmem>>[vector<16xi32>, vector<16xi32>], vector<16xf32>,
      %gt3A_1437 = arith.cmpf ogt, %gather3A_1436, %gather3A_1435 : vector<16xf32>
      %jit3A_1438 = arith.constant 1 : i32
      %jit3A_1439 = arith.constant 0 : i32
      %broadcast_in_dim3A_1440 = vector.broadcast %jit3A_1438 : i32 to vector<16xi32>
      %broadcast_in_dim3A_1441 = vector.broadcast %jit3A_1439 : i32 to vector<16xi32>
      %select_n3A_1442 = arith.select %gt3A_1437, %broadcast_in_dim3A_1440, %broadcast_in_dim3A_1441 : vector<16xi1>, vector<16xi32>
      %mul3A_1443 = arith.constant 2 : i32
      %mul3A_1444 = vector.broadcast %mul3A_1443 : i32 to vector<16xi32>
      %mul3A_1445 = arith.muli %add3A_1417, %mul3A_1444 : vector<16xi32>
      %add3A_1446 = arith.constant 1 : i32
      %add3A_1447 = vector.broadcast %add3A_1446 : i32 to vector<16xi32>
      %add3A_1448 = arith.addi %mul3A_1445, %add3A_1447 : vector<16xi32>
      %add3A_1449 = arith.addi %add3A_1448, %select_n3A_1442 : vector<16xi32>
      %gather3A_1450 = tpu.vector_load_idx %arg7[%add3A_1433] : memref<4095xi32, #tpu.memory_space<vmem>>[vector<16xi32>], vector<16xi32>,
      %gather3A_1451 = tpu.vector_load_idx %arg8[%add3A_1433] : memref<4095xf32, #tpu.memory_space<vmem>>[vector<16xi32>], vector<16xf32>,
      %gather3A_1452 = tpu.vector_load_idx %arg13[%add3A_31, %gather3A_1450] : memref<32x512xf32, #tpu.memory_space<vmem>>[vector<16xi32>, vector<16xi32>], vector<16xf32>,
      %gt3A_1453 = arith.cmpf ogt, %gather3A_1452, %gather3A_1451 : vector<16xf32>
      %jit3A_1454 = arith.constant 1 : i32
      %jit3A_1455 = arith.constant 0 : i32
      %broadcast_in_dim3A_1456 = vector.broadcast %jit3A_1454 : i32 to vector<16xi32>
      %broadcast_in_dim3A_1457 = vector.broadcast %jit3A_1455 : i32 to vector<16xi32>
      %select_n3A_1458 = arith.select %gt3A_1453, %broadcast_in_dim3A_1456, %broadcast_in_dim3A_1457 : vector<16xi1>, vector<16xi32>
      %mul3A_1459 = arith.constant 2 : i32
      %mul3A_1460 = vector.broadcast %mul3A_1459 : i32 to vector<16xi32>
      %mul3A_1461 = arith.muli %add3A_1433, %mul3A_1460 : vector<16xi32>
      %add3A_1462 = arith.constant 1 : i32
      %add3A_1463 = vector.broadcast %add3A_1462 : i32 to vector<16xi32>
      %add3A_1464 = arith.addi %mul3A_1461, %add3A_1463 : vector<16xi32>
      %add3A_1465 = arith.addi %add3A_1464, %select_n3A_1458 : vector<16xi32>
      %gather3A_1466 = tpu.vector_load_idx %arg7[%add3A_1449] : memref<4095xi32, #tpu.memory_space<vmem>>[vector<16xi32>], vector<16xi32>,
      %gather3A_1467 = tpu.vector_load_idx %arg8[%add3A_1449] : memref<4095xf32, #tpu.memory_space<vmem>>[vector<16xi32>], vector<16xf32>,
      %gather3A_1468 = tpu.vector_load_idx %arg13[%add3A_34, %gather3A_1466] : memref<32x512xf32, #tpu.memory_space<vmem>>[vector<16xi32>, vector<16xi32>], vector<16xf32>,
      %gt3A_1469 = arith.cmpf ogt, %gather3A_1468, %gather3A_1467 : vector<16xf32>
      %jit3A_1470 = arith.constant 1 : i32
      %jit3A_1471 = arith.constant 0 : i32
      %broadcast_in_dim3A_1472 = vector.broadcast %jit3A_1470 : i32 to vector<16xi32>
      %broadcast_in_dim3A_1473 = vector.broadcast %jit3A_1471 : i32 to vector<16xi32>
      %select_n3A_1474 = arith.select %gt3A_1469, %broadcast_in_dim3A_1472, %broadcast_in_dim3A_1473 : vector<16xi1>, vector<16xi32>
      %mul3A_1475 = arith.constant 2 : i32
      %mul3A_1476 = vector.broadcast %mul3A_1475 : i32 to vector<16xi32>
      %mul3A_1477 = arith.muli %add3A_1449, %mul3A_1476 : vector<16xi32>
      %add3A_1478 = arith.constant 1 : i32
      %add3A_1479 = vector.broadcast %add3A_1478 : i32 to vector<16xi32>
      %add3A_1480 = arith.addi %mul3A_1477, %add3A_1479 : vector<16xi32>
      %add3A_1481 = arith.addi %add3A_1480, %select_n3A_1474 : vector<16xi32>
      %gather3A_1482 = tpu.vector_load_idx %arg7[%add3A_1465] : memref<4095xi32, #tpu.memory_space<vmem>>[vector<16xi32>], vector<16xi32>,
      %gather3A_1483 = tpu.vector_load_idx %arg8[%add3A_1465] : memref<4095xf32, #tpu.memory_space<vmem>>[vector<16xi32>], vector<16xf32>,
      %gather3A_1484 = tpu.vector_load_idx %arg13[%add3A_31, %gather3A_1482] : memref<32x512xf32, #tpu.memory_space<vmem>>[vector<16xi32>, vector<16xi32>], vector<16xf32>,
      %gt3A_1485 = arith.cmpf ogt, %gather3A_1484, %gather3A_1483 : vector<16xf32>
      %jit3A_1486 = arith.constant 1 : i32
      %jit3A_1487 = arith.constant 0 : i32
      %broadcast_in_dim3A_1488 = vector.broadcast %jit3A_1486 : i32 to vector<16xi32>
      %broadcast_in_dim3A_1489 = vector.broadcast %jit3A_1487 : i32 to vector<16xi32>
      %select_n3A_1490 = arith.select %gt3A_1485, %broadcast_in_dim3A_1488, %broadcast_in_dim3A_1489 : vector<16xi1>, vector<16xi32>
      %mul3A_1491 = arith.constant 2 : i32
      %mul3A_1492 = vector.broadcast %mul3A_1491 : i32 to vector<16xi32>
      %mul3A_1493 = arith.muli %add3A_1465, %mul3A_1492 : vector<16xi32>
      %add3A_1494 = arith.constant 1 : i32
      %add3A_1495 = vector.broadcast %add3A_1494 : i32 to vector<16xi32>
      %add3A_1496 = arith.addi %mul3A_1493, %add3A_1495 : vector<16xi32>
      %add3A_1497 = arith.addi %add3A_1496, %select_n3A_1490 : vector<16xi32>
      %gather3A_1498 = tpu.vector_load_idx %arg7[%add3A_1481] : memref<4095xi32, #tpu.memory_space<vmem>>[vector<16xi32>], vector<16xi32>,
      %gather3A_1499 = tpu.vector_load_idx %arg8[%add3A_1481] : memref<4095xf32, #tpu.memory_space<vmem>>[vector<16xi32>], vector<16xf32>,
      %gather3A_1500 = tpu.vector_load_idx %arg13[%add3A_34, %gather3A_1498] : memref<32x512xf32, #tpu.memory_space<vmem>>[vector<16xi32>, vector<16xi32>], vector<16xf32>,
      %gt3A_1501 = arith.cmpf ogt, %gather3A_1500, %gather3A_1499 : vector<16xf32>
      %jit3A_1502 = arith.constant 1 : i32
      %jit3A_1503 = arith.constant 0 : i32
      %broadcast_in_dim3A_1504 = vector.broadcast %jit3A_1502 : i32 to vector<16xi32>
      %broadcast_in_dim3A_1505 = vector.broadcast %jit3A_1503 : i32 to vector<16xi32>
      %select_n3A_1506 = arith.select %gt3A_1501, %broadcast_in_dim3A_1504, %broadcast_in_dim3A_1505 : vector<16xi1>, vector<16xi32>
      %mul3A_1507 = arith.constant 2 : i32
      %mul3A_1508 = vector.broadcast %mul3A_1507 : i32 to vector<16xi32>
      %mul3A_1509 = arith.muli %add3A_1481, %mul3A_1508 : vector<16xi32>
      %add3A_1510 = arith.constant 1 : i32
      %add3A_1511 = vector.broadcast %add3A_1510 : i32 to vector<16xi32>
      %add3A_1512 = arith.addi %mul3A_1509, %add3A_1511 : vector<16xi32>
      %add3A_1513 = arith.addi %add3A_1512, %select_n3A_1506 : vector<16xi32>
      %gather3A_1514 = tpu.vector_load_idx %arg7[%add3A_1497] : memref<4095xi32, #tpu.memory_space<vmem>>[vector<16xi32>], vector<16xi32>,
      %gather3A_1515 = tpu.vector_load_idx %arg8[%add3A_1497] : memref<4095xf32, #tpu.memory_space<vmem>>[vector<16xi32>], vector<16xf32>,
      %gather3A_1516 = tpu.vector_load_idx %arg13[%add3A_31, %gather3A_1514] : memref<32x512xf32, #tpu.memory_space<vmem>>[vector<16xi32>, vector<16xi32>], vector<16xf32>,
      %gt3A_1517 = arith.cmpf ogt, %gather3A_1516, %gather3A_1515 : vector<16xf32>
      %jit3A_1518 = arith.constant 1 : i32
      %jit3A_1519 = arith.constant 0 : i32
      %broadcast_in_dim3A_1520 = vector.broadcast %jit3A_1518 : i32 to vector<16xi32>
      %broadcast_in_dim3A_1521 = vector.broadcast %jit3A_1519 : i32 to vector<16xi32>
      %select_n3A_1522 = arith.select %gt3A_1517, %broadcast_in_dim3A_1520, %broadcast_in_dim3A_1521 : vector<16xi1>, vector<16xi32>
      %mul3A_1523 = arith.constant 2 : i32
      %mul3A_1524 = vector.broadcast %mul3A_1523 : i32 to vector<16xi32>
      %mul3A_1525 = arith.muli %add3A_1497, %mul3A_1524 : vector<16xi32>
      %add3A_1526 = arith.constant 1 : i32
      %add3A_1527 = vector.broadcast %add3A_1526 : i32 to vector<16xi32>
      %add3A_1528 = arith.addi %mul3A_1525, %add3A_1527 : vector<16xi32>
      %add3A_1529 = arith.addi %add3A_1528, %select_n3A_1522 : vector<16xi32>
      %gather3A_1530 = tpu.vector_load_idx %arg7[%add3A_1513] : memref<4095xi32, #tpu.memory_space<vmem>>[vector<16xi32>], vector<16xi32>,
      %gather3A_1531 = tpu.vector_load_idx %arg8[%add3A_1513] : memref<4095xf32, #tpu.memory_space<vmem>>[vector<16xi32>], vector<16xf32>,
      %gather3A_1532 = tpu.vector_load_idx %arg13[%add3A_34, %gather3A_1530] : memref<32x512xf32, #tpu.memory_space<vmem>>[vector<16xi32>, vector<16xi32>], vector<16xf32>,
      %gt3A_1533 = arith.cmpf ogt, %gather3A_1532, %gather3A_1531 : vector<16xf32>
      %jit3A_1534 = arith.constant 1 : i32
      %jit3A_1535 = arith.constant 0 : i32
      %broadcast_in_dim3A_1536 = vector.broadcast %jit3A_1534 : i32 to vector<16xi32>
      %broadcast_in_dim3A_1537 = vector.broadcast %jit3A_1535 : i32 to vector<16xi32>
      %select_n3A_1538 = arith.select %gt3A_1533, %broadcast_in_dim3A_1536, %broadcast_in_dim3A_1537 : vector<16xi1>, vector<16xi32>
      %mul3A_1539 = arith.constant 2 : i32
      %mul3A_1540 = vector.broadcast %mul3A_1539 : i32 to vector<16xi32>
      %mul3A_1541 = arith.muli %add3A_1513, %mul3A_1540 : vector<16xi32>
      %add3A_1542 = arith.constant 1 : i32
      %add3A_1543 = vector.broadcast %add3A_1542 : i32 to vector<16xi32>
      %add3A_1544 = arith.addi %mul3A_1541, %add3A_1543 : vector<16xi32>
      %add3A_1545 = arith.addi %add3A_1544, %select_n3A_1538 : vector<16xi32>
      %gather3A_1546 = tpu.vector_load_idx %arg7[%add3A_1529] : memref<4095xi32, #tpu.memory_space<vmem>>[vector<16xi32>], vector<16xi32>,
      %gather3A_1547 = tpu.vector_load_idx %arg8[%add3A_1529] : memref<4095xf32, #tpu.memory_space<vmem>>[vector<16xi32>], vector<16xf32>,
      %gather3A_1548 = tpu.vector_load_idx %arg13[%add3A_31, %gather3A_1546] : memref<32x512xf32, #tpu.memory_space<vmem>>[vector<16xi32>, vector<16xi32>], vector<16xf32>,
      %gt3A_1549 = arith.cmpf ogt, %gather3A_1548, %gather3A_1547 : vector<16xf32>
      %jit3A_1550 = arith.constant 1 : i32
      %jit3A_1551 = arith.constant 0 : i32
      %broadcast_in_dim3A_1552 = vector.broadcast %jit3A_1550 : i32 to vector<16xi32>
      %broadcast_in_dim3A_1553 = vector.broadcast %jit3A_1551 : i32 to vector<16xi32>
      %select_n3A_1554 = arith.select %gt3A_1549, %broadcast_in_dim3A_1552, %broadcast_in_dim3A_1553 : vector<16xi1>, vector<16xi32>
      %mul3A_1555 = arith.constant 2 : i32
      %mul3A_1556 = vector.broadcast %mul3A_1555 : i32 to vector<16xi32>
      %mul3A_1557 = arith.muli %add3A_1529, %mul3A_1556 : vector<16xi32>
      %add3A_1558 = arith.constant 1 : i32
      %add3A_1559 = vector.broadcast %add3A_1558 : i32 to vector<16xi32>
      %add3A_1560 = arith.addi %mul3A_1557, %add3A_1559 : vector<16xi32>
      %add3A_1561 = arith.addi %add3A_1560, %select_n3A_1554 : vector<16xi32>
      %gather3A_1562 = tpu.vector_load_idx %arg7[%add3A_1545] : memref<4095xi32, #tpu.memory_space<vmem>>[vector<16xi32>], vector<16xi32>,
      %gather3A_1563 = tpu.vector_load_idx %arg8[%add3A_1545] : memref<4095xf32, #tpu.memory_space<vmem>>[vector<16xi32>], vector<16xf32>,
      %gather3A_1564 = tpu.vector_load_idx %arg13[%add3A_34, %gather3A_1562] : memref<32x512xf32, #tpu.memory_space<vmem>>[vector<16xi32>, vector<16xi32>], vector<16xf32>,
      %gt3A_1565 = arith.cmpf ogt, %gather3A_1564, %gather3A_1563 : vector<16xf32>
      %jit3A_1566 = arith.constant 1 : i32
      %jit3A_1567 = arith.constant 0 : i32
      %broadcast_in_dim3A_1568 = vector.broadcast %jit3A_1566 : i32 to vector<16xi32>
      %broadcast_in_dim3A_1569 = vector.broadcast %jit3A_1567 : i32 to vector<16xi32>
      %select_n3A_1570 = arith.select %gt3A_1565, %broadcast_in_dim3A_1568, %broadcast_in_dim3A_1569 : vector<16xi1>, vector<16xi32>
      %mul3A_1571 = arith.constant 2 : i32
      %mul3A_1572 = vector.broadcast %mul3A_1571 : i32 to vector<16xi32>
      %mul3A_1573 = arith.muli %add3A_1545, %mul3A_1572 : vector<16xi32>
      %add3A_1574 = arith.constant 1 : i32
      %add3A_1575 = vector.broadcast %add3A_1574 : i32 to vector<16xi32>
      %add3A_1576 = arith.addi %mul3A_1573, %add3A_1575 : vector<16xi32>
      %add3A_1577 = arith.addi %add3A_1576, %select_n3A_1570 : vector<16xi32>
      %gather3A_1578 = tpu.vector_load_idx %arg7[%add3A_1561] : memref<4095xi32, #tpu.memory_space<vmem>>[vector<16xi32>], vector<16xi32>,
      %gather3A_1579 = tpu.vector_load_idx %arg8[%add3A_1561] : memref<4095xf32, #tpu.memory_space<vmem>>[vector<16xi32>], vector<16xf32>,
      %gather3A_1580 = tpu.vector_load_idx %arg13[%add3A_31, %gather3A_1578] : memref<32x512xf32, #tpu.memory_space<vmem>>[vector<16xi32>, vector<16xi32>], vector<16xf32>,
      %gt3A_1581 = arith.cmpf ogt, %gather3A_1580, %gather3A_1579 : vector<16xf32>
      %jit3A_1582 = arith.constant 1 : i32
      %jit3A_1583 = arith.constant 0 : i32
      %broadcast_in_dim3A_1584 = vector.broadcast %jit3A_1582 : i32 to vector<16xi32>
      %broadcast_in_dim3A_1585 = vector.broadcast %jit3A_1583 : i32 to vector<16xi32>
      %select_n3A_1586 = arith.select %gt3A_1581, %broadcast_in_dim3A_1584, %broadcast_in_dim3A_1585 : vector<16xi1>, vector<16xi32>
      %mul3A_1587 = arith.constant 2 : i32
      %mul3A_1588 = vector.broadcast %mul3A_1587 : i32 to vector<16xi32>
      %mul3A_1589 = arith.muli %add3A_1561, %mul3A_1588 : vector<16xi32>
      %add3A_1590 = arith.constant 1 : i32
      %add3A_1591 = vector.broadcast %add3A_1590 : i32 to vector<16xi32>
      %add3A_1592 = arith.addi %mul3A_1589, %add3A_1591 : vector<16xi32>
      %add3A_1593 = arith.addi %add3A_1592, %select_n3A_1586 : vector<16xi32>
      %gather3A_1594 = tpu.vector_load_idx %arg7[%add3A_1577] : memref<4095xi32, #tpu.memory_space<vmem>>[vector<16xi32>], vector<16xi32>,
      %gather3A_1595 = tpu.vector_load_idx %arg8[%add3A_1577] : memref<4095xf32, #tpu.memory_space<vmem>>[vector<16xi32>], vector<16xf32>,
      %gather3A_1596 = tpu.vector_load_idx %arg13[%add3A_34, %gather3A_1594] : memref<32x512xf32, #tpu.memory_space<vmem>>[vector<16xi32>, vector<16xi32>], vector<16xf32>,
      %gt3A_1597 = arith.cmpf ogt, %gather3A_1596, %gather3A_1595 : vector<16xf32>
      %jit3A_1598 = arith.constant 1 : i32
      %jit3A_1599 = arith.constant 0 : i32
      %broadcast_in_dim3A_1600 = vector.broadcast %jit3A_1598 : i32 to vector<16xi32>
      %broadcast_in_dim3A_1601 = vector.broadcast %jit3A_1599 : i32 to vector<16xi32>
      %select_n3A_1602 = arith.select %gt3A_1597, %broadcast_in_dim3A_1600, %broadcast_in_dim3A_1601 : vector<16xi1>, vector<16xi32>
      %mul3A_1603 = arith.constant 2 : i32
      %mul3A_1604 = vector.broadcast %mul3A_1603 : i32 to vector<16xi32>
      %mul3A_1605 = arith.muli %add3A_1577, %mul3A_1604 : vector<16xi32>
      %add3A_1606 = arith.constant 1 : i32
      %add3A_1607 = vector.broadcast %add3A_1606 : i32 to vector<16xi32>
      %add3A_1608 = arith.addi %mul3A_1605, %add3A_1607 : vector<16xi32>
      %add3A_1609 = arith.addi %add3A_1608, %select_n3A_1602 : vector<16xi32>
      %gather3A_1610 = tpu.vector_load_idx %arg7[%add3A_1593] : memref<4095xi32, #tpu.memory_space<vmem>>[vector<16xi32>], vector<16xi32>,
      %gather3A_1611 = tpu.vector_load_idx %arg8[%add3A_1593] : memref<4095xf32, #tpu.memory_space<vmem>>[vector<16xi32>], vector<16xf32>,
      %gather3A_1612 = tpu.vector_load_idx %arg13[%add3A_31, %gather3A_1610] : memref<32x512xf32, #tpu.memory_space<vmem>>[vector<16xi32>, vector<16xi32>], vector<16xf32>,
      %gt3A_1613 = arith.cmpf ogt, %gather3A_1612, %gather3A_1611 : vector<16xf32>
      %jit3A_1614 = arith.constant 1 : i32
      %jit3A_1615 = arith.constant 0 : i32
      %broadcast_in_dim3A_1616 = vector.broadcast %jit3A_1614 : i32 to vector<16xi32>
      %broadcast_in_dim3A_1617 = vector.broadcast %jit3A_1615 : i32 to vector<16xi32>
      %select_n3A_1618 = arith.select %gt3A_1613, %broadcast_in_dim3A_1616, %broadcast_in_dim3A_1617 : vector<16xi1>, vector<16xi32>
      %mul3A_1619 = arith.constant 2 : i32
      %mul3A_1620 = vector.broadcast %mul3A_1619 : i32 to vector<16xi32>
      %mul3A_1621 = arith.muli %add3A_1593, %mul3A_1620 : vector<16xi32>
      %add3A_1622 = arith.constant 1 : i32
      %add3A_1623 = vector.broadcast %add3A_1622 : i32 to vector<16xi32>
      %add3A_1624 = arith.addi %mul3A_1621, %add3A_1623 : vector<16xi32>
      %add3A_1625 = arith.addi %add3A_1624, %select_n3A_1618 : vector<16xi32>
      %gather3A_1626 = tpu.vector_load_idx %arg7[%add3A_1609] : memref<4095xi32, #tpu.memory_space<vmem>>[vector<16xi32>], vector<16xi32>,
      %gather3A_1627 = tpu.vector_load_idx %arg8[%add3A_1609] : memref<4095xf32, #tpu.memory_space<vmem>>[vector<16xi32>], vector<16xf32>,
      %gather3A_1628 = tpu.vector_load_idx %arg13[%add3A_34, %gather3A_1626] : memref<32x512xf32, #tpu.memory_space<vmem>>[vector<16xi32>, vector<16xi32>], vector<16xf32>,
      %gt3A_1629 = arith.cmpf ogt, %gather3A_1628, %gather3A_1627 : vector<16xf32>
      %jit3A_1630 = arith.constant 1 : i32
      %jit3A_1631 = arith.constant 0 : i32
      %broadcast_in_dim3A_1632 = vector.broadcast %jit3A_1630 : i32 to vector<16xi32>
      %broadcast_in_dim3A_1633 = vector.broadcast %jit3A_1631 : i32 to vector<16xi32>
      %select_n3A_1634 = arith.select %gt3A_1629, %broadcast_in_dim3A_1632, %broadcast_in_dim3A_1633 : vector<16xi1>, vector<16xi32>
      %mul3A_1635 = arith.constant 2 : i32
      %mul3A_1636 = vector.broadcast %mul3A_1635 : i32 to vector<16xi32>
      %mul3A_1637 = arith.muli %add3A_1609, %mul3A_1636 : vector<16xi32>
      %add3A_1638 = arith.constant 1 : i32
      %add3A_1639 = vector.broadcast %add3A_1638 : i32 to vector<16xi32>
      %add3A_1640 = arith.addi %mul3A_1637, %add3A_1639 : vector<16xi32>
      %add3A_1641 = arith.addi %add3A_1640, %select_n3A_1634 : vector<16xi32>
      %gather3A_1642 = tpu.vector_load_idx %arg7[%add3A_1625] : memref<4095xi32, #tpu.memory_space<vmem>>[vector<16xi32>], vector<16xi32>,
      %gather3A_1643 = tpu.vector_load_idx %arg8[%add3A_1625] : memref<4095xf32, #tpu.memory_space<vmem>>[vector<16xi32>], vector<16xf32>,
      %gather3A_1644 = tpu.vector_load_idx %arg13[%add3A_31, %gather3A_1642] : memref<32x512xf32, #tpu.memory_space<vmem>>[vector<16xi32>, vector<16xi32>], vector<16xf32>,
      %gt3A_1645 = arith.cmpf ogt, %gather3A_1644, %gather3A_1643 : vector<16xf32>
      %jit3A_1646 = arith.constant 1 : i32
      %jit3A_1647 = arith.constant 0 : i32
      %broadcast_in_dim3A_1648 = vector.broadcast %jit3A_1646 : i32 to vector<16xi32>
      %broadcast_in_dim3A_1649 = vector.broadcast %jit3A_1647 : i32 to vector<16xi32>
      %select_n3A_1650 = arith.select %gt3A_1645, %broadcast_in_dim3A_1648, %broadcast_in_dim3A_1649 : vector<16xi1>, vector<16xi32>
      %mul3A_1651 = arith.constant 2 : i32
      %mul3A_1652 = vector.broadcast %mul3A_1651 : i32 to vector<16xi32>
      %mul3A_1653 = arith.muli %add3A_1625, %mul3A_1652 : vector<16xi32>
      %add3A_1654 = arith.constant 1 : i32
      %add3A_1655 = vector.broadcast %add3A_1654 : i32 to vector<16xi32>
      %add3A_1656 = arith.addi %mul3A_1653, %add3A_1655 : vector<16xi32>
      %add3A_1657 = arith.addi %add3A_1656, %select_n3A_1650 : vector<16xi32>
      %gather3A_1658 = tpu.vector_load_idx %arg7[%add3A_1641] : memref<4095xi32, #tpu.memory_space<vmem>>[vector<16xi32>], vector<16xi32>,
      %gather3A_1659 = tpu.vector_load_idx %arg8[%add3A_1641] : memref<4095xf32, #tpu.memory_space<vmem>>[vector<16xi32>], vector<16xf32>,
      %gather3A_1660 = tpu.vector_load_idx %arg13[%add3A_34, %gather3A_1658] : memref<32x512xf32, #tpu.memory_space<vmem>>[vector<16xi32>, vector<16xi32>], vector<16xf32>,
      %gt3A_1661 = arith.cmpf ogt, %gather3A_1660, %gather3A_1659 : vector<16xf32>
      %jit3A_1662 = arith.constant 1 : i32
      %jit3A_1663 = arith.constant 0 : i32
      %broadcast_in_dim3A_1664 = vector.broadcast %jit3A_1662 : i32 to vector<16xi32>
      %broadcast_in_dim3A_1665 = vector.broadcast %jit3A_1663 : i32 to vector<16xi32>
      %select_n3A_1666 = arith.select %gt3A_1661, %broadcast_in_dim3A_1664, %broadcast_in_dim3A_1665 : vector<16xi1>, vector<16xi32>
      %mul3A_1667 = arith.constant 2 : i32
      %mul3A_1668 = vector.broadcast %mul3A_1667 : i32 to vector<16xi32>
      %mul3A_1669 = arith.muli %add3A_1641, %mul3A_1668 : vector<16xi32>
      %add3A_1670 = arith.constant 1 : i32
      %add3A_1671 = vector.broadcast %add3A_1670 : i32 to vector<16xi32>
      %add3A_1672 = arith.addi %mul3A_1669, %add3A_1671 : vector<16xi32>
      %add3A_1673 = arith.addi %add3A_1672, %select_n3A_1666 : vector<16xi32>
      %lt3A_1674 = arith.constant 3 : i32
      %lt3A_1675 = arith.cmpi slt, %scan3A_56, %lt3A_1674 : i32
      %convert_element_type3A_1676 = arith.extui %lt3A_1675 : i1 to i32
      %cond3A_1677 = arith.constant 0 : i32
      %cond3A_1678 = arith.cmpi ne, %convert_element_type3A_1676, %cond3A_1677 : i32
      scf.if %cond3A_1678 {
        %add3A_1709 = arith.constant 4 : i32
        %add3A_1710 = arith.addi %add3A_1295, %add3A_1709 : i32
        %mul3A_1711 = arith.constant 32 : i32
        %mul3A_1712 = arith.muli %add3A_1710, %mul3A_1711 : i32
        %add3A_1713 = arith.addi %mul3A_2, %mul3A_1712 : i32
        %dma_start3A_1714 = arith.constant 0 : i32
        %dma_start3A_1715 = tpu.memref_slice %arg2[%add3A_1713, %dma_start3A_1714] : memref<16384x512xf32, #tpu.memory_space<hbm>> -> memref<32x512xf32, #tpu.memory_space<hbm>>
        %dma_start3A_1716 = arith.constant 0 : i32
        %dma_start3A_1717 = tpu.memref_slice %arg2[%add3A_1713, %dma_start3A_1716] : memref<16384x512xf32, #tpu.memory_space<hbm>> -> memref<32x512xf32, #tpu.memory_space<hbm>>
        tpu.enqueue_dma source(%dma_start3A_1717 : memref<32x512xf32, #tpu.memory_space<hbm>>) target(%arg13 : memref<32x512xf32, #tpu.memory_space<vmem>>) target_semaphore(%arg25 : memref<!tpu.dma_semaphore, #tpu.memory_space<semaphore_mem>>)
      } else {
      }
      %gt3A_1679 = arith.constant 0 : i32
      %gt3A_1680 = arith.cmpi sgt, %scan3A_56, %gt3A_1679 : i32
      %convert_element_type3A_1681 = arith.extui %gt3A_1680 : i1 to i32
      %cond3A_1682 = arith.constant 0 : i32
      %cond3A_1683 = arith.cmpi ne, %convert_element_type3A_1681, %cond3A_1682 : i32
      scf.if %cond3A_1683 {
        %dma_wait3A_1709 = arith.constant 0 : i32
        %dma_wait3A_1710 = tpu.memref_slice %arg6[%mul3A_2, %dma_wait3A_1709] : memref<16384x128xf32, #tpu.memory_space<hbm>> -> memref<32x128xf32, #tpu.memory_space<hbm>>
        %dma_wait3A_1711 = arith.constant 0 : i32
        %dma_wait3A_1712 = tpu.memref_slice %arg6[%mul3A_2, %dma_wait3A_1711] : memref<16384x128xf32, #tpu.memory_space<hbm>> -> memref<32x128xf32, #tpu.memory_space<hbm>>
        tpu.wait_dma2 semaphore(%arg33 : memref<!tpu.dma_semaphore, #tpu.memory_space<semaphore_mem>>) src(%arg21 : memref<32x128xf32, #tpu.memory_space<vmem>>) dst(%dma_wait3A_1712 : memref<32x128xf32, #tpu.memory_space<hbm>>)
      } else {
      }
      %sub3A_1684 = arith.constant 4095 : i32
      %sub3A_1685 = vector.broadcast %sub3A_1684 : i32 to vector<16xi32>
      %sub3A_1686 = arith.subi %add3A_1657, %sub3A_1685 : vector<16xi32>
      %swap3A_1687 = arith.constant 0 : index
      %swap3A_1688 = tpu.vector_load %arg17[%swap3A_1687] {strides = array<i32>} : memref<32xi32, #tpu.memory_space<vmem>>, vector<16xi32>,
      tpu.vector_store %arg17[%swap3A_1687], %sub3A_1686 {strides = array<i32>} : memref<32xi32, #tpu.memory_space<vmem>>, vector<16xi32>,
      %sub3A_1689 = arith.constant 4095 : i32
      %sub3A_1690 = vector.broadcast %sub3A_1689 : i32 to vector<16xi32>
      %sub3A_1691 = arith.subi %add3A_1673, %sub3A_1690 : vector<16xi32>
      %swap3A_1692 = arith.constant 16 : index
      %swap3A_1693 = tpu.vector_load %arg17[%swap3A_1692] {strides = array<i32>} : memref<32xi32, #tpu.memory_space<vmem>>, vector<16xi32>,
      tpu.vector_store %arg17[%swap3A_1692], %sub3A_1691 {strides = array<i32>} : memref<32xi32, #tpu.memory_space<vmem>>, vector<16xi32>,
      %dma_start3A_1694 = arith.constant 0 : i32
      %dma_start3A_1695 = arith.constant 0 : i32
      %dma_start3A_1696 = tpu.memref_slice %arg9[%dma_start3A_1694, %dma_start3A_1695] : memref<4096x128xf32, #tpu.memory_space<vmem_shared>> -> memref<4096x128xf32, #tpu.memory_space<vmem_shared>>
      tpu.enqueue_indirect_dma source(%dma_start3A_1696 : memref<4096x128xf32, #tpu.memory_space<vmem_shared>>) target(%arg21 : memref<32x128xf32, #tpu.memory_space<vmem>>) offsets(%arg17 : memref<32xi32, #tpu.memory_space<vmem>>) semaphore(%arg29 : memref<!tpu.dma_semaphore, #tpu.memory_space<semaphore_mem>>)
      %dma_wait3A_1697 = arith.constant 0 : i32
      %dma_wait3A_1698 = arith.constant 0 : i32
      %dma_wait3A_1699 = tpu.memref_slice %arg9[%dma_wait3A_1697, %dma_wait3A_1698] : memref<4096x128xf32, #tpu.memory_space<vmem_shared>> -> memref<4096x128xf32, #tpu.memory_space<vmem_shared>>
      tpu.wait_indirect_dma semaphore(%arg28 : memref<!tpu.dma_semaphore, #tpu.memory_space<semaphore_mem>>) src(%dma_wait3A_1699 : memref<4096x128xf32, #tpu.memory_space<vmem_shared>>) dst(%arg20 : memref<32x128xf32, #tpu.memory_space<vmem>>)
      %sub3A_1700 = arith.constant 1 : i32
      %sub3A_1701 = arith.subi %add3A_1295, %sub3A_1700 : i32
      %mul3A_1702 = arith.constant 32 : i32
      %mul3A_1703 = arith.muli %sub3A_1701, %mul3A_1702 : i32
      %add3A_1704 = arith.addi %mul3A_2, %mul3A_1703 : i32
      %dma_start3A_1705 = arith.constant 0 : i32
      %dma_start3A_1706 = tpu.memref_slice %arg6[%add3A_1704, %dma_start3A_1705] : memref<16384x128xf32, #tpu.memory_space<hbm>> -> memref<32x128xf32, #tpu.memory_space<hbm>>
      %dma_start3A_1707 = arith.constant 0 : i32
      %dma_start3A_1708 = tpu.memref_slice %arg6[%add3A_1704, %dma_start3A_1707] : memref<16384x128xf32, #tpu.memory_space<hbm>> -> memref<32x128xf32, #tpu.memory_space<hbm>>
      tpu.enqueue_dma source(%arg20 : memref<32x128xf32, #tpu.memory_space<vmem>>) target(%dma_start3A_1708 : memref<32x128xf32, #tpu.memory_space<hbm>>) target_semaphore(%arg32 : memref<!tpu.dma_semaphore, #tpu.memory_space<semaphore_mem>>)
    }
    %scan3A_39 = arith.constant 4 : i32
    %dma_wait3A = arith.constant 0 : i32
    %dma_wait3A_40 = arith.constant 0 : i32
    %dma_wait3A_41 = tpu.memref_slice %arg9[%dma_wait3A, %dma_wait3A_40] : memref<4096x128xf32, #tpu.memory_space<vmem_shared>> -> memref<4096x128xf32, #tpu.memory_space<vmem_shared>>
    tpu.wait_indirect_dma semaphore(%arg29 : memref<!tpu.dma_semaphore, #tpu.memory_space<semaphore_mem>>) src(%dma_wait3A_41 : memref<4096x128xf32, #tpu.memory_space<vmem_shared>>) dst(%arg21 : memref<32x128xf32, #tpu.memory_space<vmem>>)
    %add3A_42 = arith.constant 480 : i32
    %add3A_43 = arith.addi %mul3A_2, %add3A_42 : i32
    "tpu.region"() ({
      %run_scoped3A = tpu.sem_alloc : memref<!tpu.dma_semaphore, #tpu.memory_space<semaphore_mem>>
      %dma_start3A_56 = arith.constant 0 : i32
      %dma_start3A_57 = tpu.memref_slice %arg6[%add3A_43, %dma_start3A_56] : memref<16384x128xf32, #tpu.memory_space<hbm>> -> memref<32x128xf32, #tpu.memory_space<hbm>>
      %dma_start3A_58 = arith.constant 0 : i32
      %dma_start3A_59 = tpu.memref_slice %arg6[%add3A_43, %dma_start3A_58] : memref<16384x128xf32, #tpu.memory_space<hbm>> -> memref<32x128xf32, #tpu.memory_space<hbm>>
      tpu.enqueue_dma source(%arg21 : memref<32x128xf32, #tpu.memory_space<vmem>>) target(%dma_start3A_59 : memref<32x128xf32, #tpu.memory_space<hbm>>) target_semaphore(%run_scoped3A : memref<!tpu.dma_semaphore, #tpu.memory_space<semaphore_mem>>)
      %dma_wait3A_60 = arith.constant 0 : i32
      %dma_wait3A_61 = tpu.memref_slice %arg6[%add3A_43, %dma_wait3A_60] : memref<16384x128xf32, #tpu.memory_space<hbm>> -> memref<32x128xf32, #tpu.memory_space<hbm>>
      %dma_wait3A_62 = arith.constant 0 : i32
      %dma_wait3A_63 = tpu.memref_slice %arg6[%add3A_43, %dma_wait3A_62] : memref<16384x128xf32, #tpu.memory_space<hbm>> -> memref<32x128xf32, #tpu.memory_space<hbm>>
      tpu.wait_dma2 semaphore(%run_scoped3A : memref<!tpu.dma_semaphore, #tpu.memory_space<semaphore_mem>>) src(%arg21 : memref<32x128xf32, #tpu.memory_space<vmem>>) dst(%dma_wait3A_63 : memref<32x128xf32, #tpu.memory_space<hbm>>)
      tpu.yield
    }) : () -> ()
    %dma_wait3A_44 = arith.constant 0 : i32
    %dma_wait3A_45 = tpu.memref_slice %arg6[%mul3A_2, %dma_wait3A_44] : memref<16384x128xf32, #tpu.memory_space<hbm>> -> memref<32x128xf32, #tpu.memory_space<hbm>>
    %dma_wait3A_46 = arith.constant 0 : i32
    %dma_wait3A_47 = tpu.memref_slice %arg6[%mul3A_2, %dma_wait3A_46] : memref<16384x128xf32, #tpu.memory_space<hbm>> -> memref<32x128xf32, #tpu.memory_space<hbm>>
    tpu.wait_dma2 semaphore(%arg30 : memref<!tpu.dma_semaphore, #tpu.memory_space<semaphore_mem>>) src(%arg18 : memref<32x128xf32, #tpu.memory_space<vmem>>) dst(%dma_wait3A_47 : memref<32x128xf32, #tpu.memory_space<hbm>>)
    %dma_wait3A_48 = arith.constant 0 : i32
    %dma_wait3A_49 = tpu.memref_slice %arg6[%mul3A_2, %dma_wait3A_48] : memref<16384x128xf32, #tpu.memory_space<hbm>> -> memref<32x128xf32, #tpu.memory_space<hbm>>
    %dma_wait3A_50 = arith.constant 0 : i32
    %dma_wait3A_51 = tpu.memref_slice %arg6[%mul3A_2, %dma_wait3A_50] : memref<16384x128xf32, #tpu.memory_space<hbm>> -> memref<32x128xf32, #tpu.memory_space<hbm>>
    tpu.wait_dma2 semaphore(%arg31 : memref<!tpu.dma_semaphore, #tpu.memory_space<semaphore_mem>>) src(%arg19 : memref<32x128xf32, #tpu.memory_space<vmem>>) dst(%dma_wait3A_51 : memref<32x128xf32, #tpu.memory_space<hbm>>)
    %dma_wait3A_52 = arith.constant 0 : i32
    %dma_wait3A_53 = tpu.memref_slice %arg6[%mul3A_2, %dma_wait3A_52] : memref<16384x128xf32, #tpu.memory_space<hbm>> -> memref<32x128xf32, #tpu.memory_space<hbm>>
    %dma_wait3A_54 = arith.constant 0 : i32
    %dma_wait3A_55 = tpu.memref_slice %arg6[%mul3A_2, %dma_wait3A_54] : memref<16384x128xf32, #tpu.memory_space<hbm>> -> memref<32x128xf32, #tpu.memory_space<hbm>>
    tpu.wait_dma2 semaphore(%arg32 : memref<!tpu.dma_semaphore, #tpu.memory_space<semaphore_mem>>) src(%arg20 : memref<32x128xf32, #tpu.memory_space<vmem>>) dst(%dma_wait3A_55 : memref<32x128xf32, #tpu.memory_space<hbm>>)
    return
  }
}

module attributes {stable_mosaic.version = 14 : i64} {
  func.func @_prep_body(%arg0: memref<4095xf32, #tpu.memory_space<vmem>>, %arg1: memref<4096x128xf32, #tpu.memory_space<vmem>>, %arg2: memref<4095xi32, #tpu.memory_space<vmem>>, %arg3: memref<4096x128xf32, #tpu.memory_space<vmem>>) attributes {dimension_semantics = [], scalar_prefetch = 0 : i64, scratch_operands = 0 : i64, tpu.core_type = #tpu.core_type<tc>} {
    %get3A = arith.constant 0 : index
    %get3A_0 = vector.load %arg0[%get3A] : memref<4095xf32, #tpu.memory_space<vmem>>, vector<4095xf32>
    %floor3A = math.floor %get3A_0 : vector<4095xf32>
    %jit3A = arith.constant 0 : i32
    %jit3A_1 = arith.constant 511 : i32
    %convert_element_type3A = arith.sitofp %jit3A : i32 to f32
    %max3A = vector.broadcast %convert_element_type3A : f32 to vector<4095xf32>
    %max3A_2 = arith.maximumf %max3A, %floor3A : vector<4095xf32>
    %convert_element_type3A_3 = arith.sitofp %jit3A_1 : i32 to f32
    %min3A = vector.broadcast %convert_element_type3A_3 : f32 to vector<4095xf32>
    %min3A_4 = arith.minimumf %min3A, %max3A_2 : vector<4095xf32>
    %convert_element_type3A_5 = arith.fptosi %min3A_4 : vector<4095xf32> to vector<4095xi32>
    %swap3A = arith.constant 0 : index
    %swap3A_6 = vector.load %arg2[%swap3A] : memref<4095xi32, #tpu.memory_space<vmem>>, vector<4095xi32>
    tpu.vector_store %arg2[%swap3A], %convert_element_type3A_5 {strides = array<i32>} : memref<4095xi32, #tpu.memory_space<vmem>>, vector<4095xi32>,
    %get3A_7 = arith.constant 0 : index
    %get3A_8 = arith.constant 0 : index
    %get3A_9 = vector.load %arg1[%get3A_7, %get3A_8] : memref<4096x128xf32, #tpu.memory_space<vmem>>, vector<4096x128xf32>
    %reduce_max3A = arith.constant dense<0xFF800000> : vector<4096xf32>
    %reduce_max3A_10 = vector.multi_reduction <maximumf>, %get3A_9, %reduce_max3A [1] : vector<4096x128xf32> to vector<4096xf32>
    %broadcast_in_dim3A = vector.shape_cast %reduce_max3A_10 : vector<4096xf32> to vector<4096x1xf32>
    %sub3A = vector.broadcast %broadcast_in_dim3A : vector<4096x1xf32> to vector<4096x128xf32>
    %sub3A_11 = arith.subf %get3A_9, %sub3A : vector<4096x128xf32>
    %exp3A = math.exp %sub3A_11 : vector<4096x128xf32>
    %reduce_sum3A = arith.constant dense<0.000000e+00> : vector<4096xf32>
    %reduce_sum3A_12 = vector.multi_reduction <add>, %exp3A, %reduce_sum3A [1] : vector<4096x128xf32> to vector<4096xf32>
    %broadcast_in_dim3A_13 = vector.shape_cast %reduce_sum3A_12 : vector<4096xf32> to vector<4096x1xf32>
    %div3A = vector.broadcast %broadcast_in_dim3A_13 : vector<4096x1xf32> to vector<4096x128xf32>
    %div3A_14 = arith.divf %exp3A, %div3A : vector<4096x128xf32>
    %swap3A_15 = arith.constant 0 : index
    %swap3A_16 = arith.constant 0 : index
    %swap3A_17 = vector.load %arg3[%swap3A_15, %swap3A_16] : memref<4096x128xf32, #tpu.memory_space<vmem>>, vector<4096x128xf32>
    tpu.vector_store %arg3[%swap3A_15, %swap3A_16], %div3A_14 {strides = array<i32>} : memref<4096x128xf32, #tpu.memory_space<vmem>>, vector<4096x128xf32>,
    return
  }
}

</mosaic_0001>

<sc_bundles>
// kernel: kernel.4.cloned.1.call-start
scs
__scs_entry_jumppad:
0x0: {  	(pc) =	sbr.rel $0x88, $3  }
0x1: {  	(tag) =	ssettag $0x0;
	lr =	simm.s32 $0x1  }
0x2: {  	[smem:$0x3F9D] =	sst lr;
	_ =	strace $0xD0000000  }
0x3: {  	_ = 	snop  }
0x4: {  	_ = 	snop  }
0x5: {  	_ = 	snop  }
0x6: {  	_ = 	snop  }
0x7: {  	_ = 	snop  }
__scs_overlays_trampoline_lowered:
0x8: {  	[smem:$0x3FAC] =	sst s0  }
0x9: {  	[smem:$0x3FAD] =	sst s1  }
0xa: {  	[smem:$0x3FAE] =	sst s2  }
0xb: {  	[smem:$0x3FAF] =	sst s3  }
0xc: {  	[smem:$0x3FB0] =	sst s4  }
0xd: {  	[smem:$0x3FB1] =	sst s5  }
0xe: {  	[smem:$0x3FB2] =	sst s6  }
0xf: {  	[smem:$0x3FB3] =	sst s7  }
0x10: {  	[smem:$0x3FB4] =	sst s8  }
0x11: {  	[smem:$0x3FB5] =	sst s9;
	s0 =	simm.s32 @!p0 $0x0  }
0x12: {  	s1 =	sld [smem:$0x3F9B];
	s0 =	simm.s32 @p0 $0x1  }
0x13: {  	[smem:$0x3FB6] =	sst s0;
	s0 =	simm.s32 @!p1 $0x0  }
0x14: {  	s2 =	sld [smem:$0x3F9A];
	s0 =	simm.s32 @p1 $0x1  }
0x15: {  	[smem:$0x3FB7] =	sst s0;
	s0 =	simm.s32 @!p2 $0x0  }
0x16: {  	s3 =	sld [smem:$0x3FDB];
	s0 =	simm.s32 @p2 $0x1  }
0x17: {  	s4 =	simm.s32 $0x1BF5;
	[smem:$0x3FB9] =	sst s0  }
0x18: {  	s0 =	sld [smem:$0x3F9C];
	_ =	swait.ge [sflag:s4], $0x0  }
0x19: {  	s7 =	sld [smem:$0x3F9D]  }
0x1a: {  	s8 =	sadd.s32 $0xFFFFE003, lr  }
0x1b: {  	s9 =	sadd.s32 $0xFFFFFEF7, lr;
	s5 =	simm.s32 $0xFFFFFFFF;
	p2 =	slt.u32 s8, $0xFFFFF086  }
0x1c: {  	p1 =	slt.u32 s9, $0xF7A;
	s5 =	simm.s32 @!p2 $0x0  }
0x1d: {  	s5 =	simm.s32 @p1 $0x1;
	p0 =	seq.s32 s7, s2  }
0x1e: {  	s7 =	smul.u32 @!p0 $0xF7A, s2;
	p2 =	seq.s32 @!p0 s5, $0x0  }
0x1f: {  	s9 =	smul.u32 $0xF7A, s1;
	s8 =	simm.s32 @!p0 $0x1BF5;
	p2 =	por !p2, p0  }
0x20: {  	[sflag:s8] =	ssyncset.s32 @!p0 $0xFFFFF086;
	s6 =	sadd.s32 @!p0 s3, s7;
	s7 =	simm.s32 @!p0 $0x108  }
0x21: {  	s3 =	sadd.s32 s3, s9;
	s6 =	sadd.s32 @!p0 $0x88, s6;
	s7 =	simm.s32 @p2 $0x1082  }
0x22: {  	[simem:s7], [sflag:s8] =	dma.local @!p0 [hbm:s6], $0xF7A  }
0x23: {  	s9 =	sor.u32 $0xD0000000, s2;
	s6 =	simm.s32 $0x108;
	_ =	swait.ge @!p0 [sflag:s8], $0x0  }
0x24: {  	s3 =	sadd.s32 $0x88, s3;
	s6 =	simm.s32 @!p1 $0x1082;
	[sflag:s4] =	ssyncset.s32 $0xFFFFF086  }
0x25: {  	[simem:s6], [sflag:s4] =	dma.local [hbm:s3], $0xF7A  }
0x26: {  	[smem:$0x3F9D] =	sst s1;
	(tag) =	ssettag s2;
	_ =	strace s9  }
0x27: {  	s1 =	sld [smem:$0x3FAD]  }
0x28: {  	s2 =	sld [smem:$0x3FAE]  }
0x29: {  	s4 =	sld [smem:$0x3FB0]  }
0x2a: {  	p0 =	seq.s32 s5, $0x0;
	s5 =	sld [smem:$0x3FB1]  }
0x2b: {  	s6 =	sld [smem:$0x3FB2]  }
0x2c: {  	s7 =	sld [smem:$0x3FB3]  }
0x2d: {  	s3 =	simm.s32 $0x108;
	s8 =	sld [smem:$0x3FB4]  }
0x2e: {  	s3 =	simm.s32 @!p0 $0x1082;
	s9 =	sld [smem:$0x3FB5]  }
0x2f: {  	lr =	sadd.s32 s0, s3;
	s0 =	sld [smem:$0x3FAC]  }
0x30: {  	s3 =	sld [smem:$0x3FAF]  }
0x31: {  	[smem:$0x3FB8] =	sst s10  }
0x32: {  	s10 =	sld [smem:$0x3FB6];
	_ =	sdelay $0x3  }
0x33: {  	p0 =	seq.s32 s10, $0x1;
	s10 =	sld [smem:$0x3FB8];
	_ =	sdelay $0x3  }
0x34: {  	[smem:$0x3FB8] =	sst s10  }
0x35: {  	s10 =	sld [smem:$0x3FB7];
	_ =	sdelay $0x3  }
0x36: {  	p1 =	seq.s32 s10, $0x1;
	s10 =	sld [smem:$0x3FB8];
	_ =	sdelay $0x3  }
0x37: {  	[smem:$0x3FB8] =	sst s10  }
0x38: {  	s10 =	sld [smem:$0x3FB9]  }
0x39: {  	_ = 	snop;
	(pc) =	sbr.ind lr, $3  }
0x3a: {  	_ = 	snop  }
0x3b: {  	_ = 	snop  }
0x3c: {  	p2 =	seq.s32 s10, $0x1;
	s10 =	sld [smem:$0x3FB8]  }
0x3d: {  	_ =	shalt  }
0x3e: {  	_ =	shalt  }
0x3f: {  	_ =	shalt  }
0x40: {  	_ =	shalt  }
0x41: {  	_ =	shalt  }
0x42: {  	_ =	shalt  }
0x43: {  	_ =	shalt  }
0x44: {  	_ =	shalt  }
0x45: {  	_ =	shalt  }
0x46: {  	_ =	shalt  }
0x47: {  	_ =	shalt  }
0x48: {  	_ =	shalt  }
0x49: {  	_ =	shalt  }
0x4a: {  	_ =	shalt  }
0x4b: {  	_ =	shalt  }
0x4c: {  	_ =	shalt  }
0x4d: {  	_ =	shalt  }
0x4e: {  	_ =	shalt  }
0x4f: {  	_ =	shalt  }
0x50: {  	_ =	shalt  }
0x51: {  	_ =	shalt  }
0x52: {  	_ =	shalt  }
0x53: {  	_ =	shalt  }
0x54: {  	_ =	shalt  }
0x55: {  	_ =	shalt  }
0x56: {  	_ =	shalt  }
0x57: {  	_ =	shalt  }
0x58: {  	_ =	shalt  }
0x59: {  	_ =	shalt  }
0x5a: {  	_ =	shalt  }
0x5b: {  	_ =	shalt  }
0x5c: {  	_ =	shalt  }
0x5d: {  	_ =	shalt  }
0x5e: {  	_ =	shalt  }
0x5f: {  	_ =	shalt  }
0x60: {  	_ =	shalt  }
0x61: {  	_ =	shalt  }
0x62: {  	_ =	shalt  }
0x63: {  	_ =	shalt  }
0x64: {  	_ =	shalt  }
0x65: {  	_ =	shalt  }
0x66: {  	_ =	shalt  }
0x67: {  	_ =	shalt  }
0x68: {  	_ =	shalt  }
0x69: {  	_ =	shalt  }
0x6a: {  	_ =	shalt  }
0x6b: {  	_ =	shalt  }
0x6c: {  	_ =	shalt  }
0x6d: {  	_ =	shalt  }
0x6e: {  	_ =	shalt  }
0x6f: {  	_ =	shalt  }
0x70: {  	_ =	shalt  }
0x71: {  	_ =	shalt  }
0x72: {  	_ =	shalt  }
0x73: {  	_ =	shalt  }
0x74: {  	_ =	shalt  }
0x75: {  	_ =	shalt  }
0x76: {  	_ =	shalt  }
0x77: {  	_ =	shalt  }
0x78: {  	_ =	shalt  }
0x79: {  	_ =	shalt  }
0x7a: {  	_ =	shalt  }
0x7b: {  	_ =	shalt  }
0x7c: {  	_ =	shalt  }
0x7d: {  	_ =	shalt  }
0x7e: {  	_ =	shalt  }
0x7f: {  	_ =	shalt  }
0x80: {  	_ =	shalt  }
0x81: {  	_ =	shalt  }
0x82: {  	_ =	shalt  }
0x83: {  	_ =	shalt  }
0x84: {  	_ =	shalt  }
0x85: {  	_ =	shalt  }
0x86: {  	_ =	shalt  }
0x87: {  	_ =	shalt  }
.Lfunc_end0:
.L_simem_size_0:
called_computation_lowered:
.L_overlay_start_0:
0x88: {  	s2 =	sld [smem:$0x3FD9]  }
0x89: {  	s3 =	sld [smem:$0x3FFE];
	_ =	sdelay $0x1  }
0x8a: {  	s1 =	srdreg.scid  }
0x8b: {  	s0 =	sand.u32 $0x1, s1  }
0x8c: {  	s17 =	sshll.u32 s0, $0xA;
	s2 =	sadd.s32 s3, s2  }
0x8d: {  	s2 =	sadd.s32 s2, s17  }
0x8e: {  	[smem:$0x3FC4] =	sst s2  }
0x8f: {  	_ = 	snop  }
0x90: {  	s2 =	sld [smem:$0x3FC9]  }
0x91: {  	s18 =	sld [smem:$0x3FC7]  }
0x92: {  	s4 =	sld [smem:$0x3FD0];
	(tm) =	ssettm $0x1  }
0x93: {  	s5 =	sld [smem:$0x3FFB];
	_ =	sdelay $0x3  }
0x94: {  	_ =	strace s5  }
0x95: {  	s5 =	sld [smem:$0x3FFC];
	_ =	sdelay $0x3  }
0x96: {  	_ =	strace s5  }
0x97: {  	s5 =	sld [smem:$0x3FFD];
	_ =	sdelay $0x3  }
0x98: {  	_ =	strace s5  }
0x99: {  	_ =	strace $0x8FFFFFFF  }
0x9a: {  	s19 =	sld [smem:$0x3FDB];
	_ =	sdelay $0x1  }
0x9b: {  	s6 =	simm.s32 $_scs_section_size  }
0x9c: {  	s7 =	simm.s32 $_size__tile_overlayer_lowered;
	s8 =	simm.s32 $_tile_overlayer_lowered  }
0x9d: {  	s22 =	simm.s32 $0x1BFF;
	s21 =	sshll.u32 s8, $0x1;
	s5 =	sadd.s32 s6, s19  }
0x9e: {  	s9 =	simm.s32 $0x0;
	s20 =	sshll.u32 s7, $0x1;
	s7 =	sadd.s32 s21, s5  }
0x9f: {  	[timem:s9], [sflag:s22] =	dma.local [hbm:s7], s20  }
0xa0: {  	_ =	swait.ge [sflag:s22], s20  }
0xa1: {  	s6 =	ssub.s32 $0x0, s20;
	[sflag:s22] =	ssyncset.done $0x0  }
0xa2: {  	[sflag:s22] =	ssyncadd.s32 s6;
	_ =	sdelay $0x1  }
0xa3: {  	s23 =	simm.s32 $0x1B8B  }
0xa4: {  	_ =	swait.ge [sflag:s23], $0x1  }
0xa5: {  	[sflag:s23] =	ssyncset.done $0x0  }
0xa6: {  	s25 =	simm.s32 $0x1B8E;
	s24 =	sld [smem:$0x3FFE];
	[sflag:s23] =	ssyncadd.s32 $0xFFFFFFFF  }
0xa7: {  	s26 =	simm.s32 $execute0_lowered;
	[smem:$0x3FD2] =	sst s25  }
0xa8: {  	s7 =	sshll.u32 s26, $0x1;
	_ =	strace $0x80000046;
	[dreg:$0x1] =	wrdreg $0xFFFFFFFF  }
0xa9: {  	s28 =	simm.s32 $_size_execute0_lowered;
	s5 =	sadd.s32 s5, s7;
	[dreg:$0x0] =	wrdreg $0x0  }
0xaa: {  	s7 =	sshll.u32 s28, $0x1;
	[dreg:$0x2] =	wrdreg s5  }
0xab: {  	[dreg:$0x3] =	wrdreg s7  }
0xac: {  	[dreg:$0x4] =	wrdreg $0xC0  }
0xad: {  	_ =	task [dreg:s9], $0x5FFFF  }
0xae: {  	[dreg:$0x1] =	wrdreg $0xFFFFFFFF  }
0xaf: {  	[dreg:$0x0] =	wrdreg $0x60  }
0xb0: {  	[dreg:$0x2] =	wrdreg s2  }
0xb1: {  	[dreg:$0x3] =	wrdreg s24  }
0xb2: {  	[dreg:$0x4] =	wrdreg s18  }
0xb3: {  	[dreg:$0x5] =	wrdreg s4  }
0xb4: {  	[dreg:$0x6] =	wrdreg $0x20000  }
0xb5: {  	[dreg:$0x7] =	wrdreg $0x9  }
0xb6: {  	_ =	task.clear_ibuf [dreg:s9], $0x8FFFF;
	_ =	strace $0x90000046  }
0xb7: {  	s29 =	simm.s32 $0x9;
	_ =	strace $0x80000048  }
0xb8: {  	_ =	swait.ge [sflag:s29], $0x1  }
0xb9: {  	[sflag:s29] =	ssyncadd.s32 $0xFFFFFFFF  }
0xba: {  	_ =	strace $0x90000048  }
0xbb: {  	_ =	sfence  }
0xbc: {  	s30 =	sld [smem:$0x0];
	_ =	sdelay $0x2  }
0xbd: {  	s31 =	sshll.u32 s1, $0xD;
	s1 =	sshrl.u32 s1, $0x2  }
0xbe: {  	s3 =	sand.u32 $0x4000, s31;
	s1 =	sadd.s32 s1, s30  }
0xbf: {  	s0 =	sor.u32 s3, s0;
	s1 =	sshll.u32 s1, $0x11  }
0xc0: {  	s0 =	sor.u32 s1, s0  }
0xc1: {  	s0 =	sadd.s32 $0x8F2B, s0  }
0xc2: {  	[sflag:s0] =	ssyncadd.remote.s32 $0x1  }
0xc3: {  	_ =	sfence.sel $0xFFFF  }
0xc4: {  	[dreg:$0x0] =	wrdreg $0xFFFFFFFF;
	(pc) =	sbr.abs _section_cstart, $3  }
0xc5: {  	[dreg:$0x1] =	wrdreg $0xFFFFFFFF  }
0xc6: {  	_ =	task.clear_ibuf [dreg:s9], $0x2FFFF;
	_ =	strace $0x9FFFFFFF  }
0xc7: {  	(tm) =	ssettm $0x7FFFFFFF  }
tec
execute0_lowered:
.L_overlay_start_1:
0x0: {  	(tag) =	ssettag $0x1  }
0x1: {  	s0 =	rddreg [dreg:$0x0]  }
0x2: {  	s1 =	rddreg [dreg:$0x1]  }
0x3: {  	s2 =	rddreg [dreg:$0x3]  }
0x4: {  	s3 =	rddreg [dreg:$0x4]  }
0x5: {  	s5 =	srdreg.scid;
	s4 =	simm.s32 $0x0;
	s11 =	stileid.u32  }
0x6: {  	s28 =	simm.s32 $0x2;
	s29 =	simm.s32 $0x1A080;
	s30 =	simm.s32 $0x1B200  }
0x7: {  	s31 =	simm.s32 $0x5;
	s12 =	simm.s32 $0x9;
	s5 =	sand.u32 $0x1, s5  }
0x8: {  	[smem:$0x7FF] =	sst s4;
	s6 =	sshll.u32 s11, $0xA;
	s14 =	sadd.s32 $0x10E00, s1  }
0x9: {  	s9 =	sshll.u32 s11, $0xC;
	s18 =	sshll.u32 s11, $0xF;
	s19 =	sshll.u32 s11, $0x6  }
0xa: {  	s23 =	sshll.u32 s11, $0x10;
	s24 =	sshll.u32 s11, $0xE;
	s11 =	simm.s32 $0x8  }
0xb: {  	s7 =	sshll.u32 s5, $0x9;
	_ =	strace $0x80000047;
	[dreg:$0x6] =	wrdreg s14  }
0xc: {  	s15 =	ssub.s32 $0x2, s5;
	s1 =	sadd.s32 s9, s1;
	s20 =	sor.u32 $0x1C0D, s19  }
0xd: {  	v0 =	vimm.s32 $0x1380;
	s25 =	sshll.u32 s5, $0xF;
	s5 =	sshll.u32 s5, $0xD;
	s19 =	simm.s32 $0x16000  }
0xe: {  	vm0 =	vcmask $0x300;
	vm1 =	vcmask $0x704;
	v1 =	vimm.s32 $0x3380;
	s9 =	simm.s32 $0x1D200;
	s6 =	sor.u32 s7, s6;
	s10 =	sshrl.u32 s15, $0x1  }
0xf: {  	vm2 =	vcmask $0xB08;
	v0 =	vsel vm0, $0x0, v0;
	v1 =	vsel vm0, $0x2000, v1;
	s1 =	sadd.s32 $0xE00, s1;
	[dreg:$0xc] =	wrdreg s20;
	s20 =	simm.s32 $0xD  }
0x10: {  	vm4 =	vcmask $0xF0C;
	v0 =	vsel vm1, $0x80, v0;
	v1 =	vsel vm1, $0x2080, v1;
	s8 =	sshll.u32 s6, $0x6;
	s7 =	ssub.s32 s15, s10;
	s6 =	sshll.u32 s6, $0x4  }
0x11: {  	vm5 =	vcmask $0x1310;
	v0 =	vsel vm2, $0x100, v0;
	v1 =	vsel vm2, $0x2100, v1;
	[dreg:$0xb] =	wrdreg s1;
	s10 =	simm.s32 $0x7;
	s15 =	simm.s32 $0x0  }
0x12: {  	vm6 =	vcmask $0x1714;
	v0 =	vsel vm4, $0x180, v0;
	v1 =	vsel vm4, $0x2180, v1;
	s8 =	sadd.s32 s0, s8;
	s21 =	sadd.s32 s6, s2;
	s22 =	smax.u32 s7, $0x1  }
0x13: {  	vm7 =	vcmask $0x1B18;
	s0 =	sadd.s32 s23, s0;
	v0 =	vsel vm5, $0x200, v0;
	s2 =	sadd.s32 s24, s2;
	v1 =	vsel vm5, $0x2200, v1;
	s23 =	simm.s32 $0x1  }
0x14: {  	vm8 =	vcmask $0x1F1C;
	s24 =	simm.s32 $0x20;
	s7 =	simm.s32 $0x4;
	s16 =	sadd.s32 $0x800, s8;
	v0 =	vsel vm6, $0x280, v0;
	v1 =	vsel vm6, $0x2280, v1  }
0x15: {  	vm9 =	vcmask $0x2320;
	s17 =	sadd.s32 $0x1000, s8;
	[dreg:$0x7] =	wrdreg s8;
	s8 =	sadd.s32 $0x1800, s8;
	v0 =	vsel vm7, $0x300, v0;
	v1 =	vsel vm7, $0x2300, v1  }
0x16: {  	vm10 =	vcmask $0x2724;
	s1 =	sadd.s32 $0x1E00, s21;
	[dreg:$0xe] =	wrdreg s22;
	s0 =	sadd.s32 s25, s0;
	v0 =	vsel vm8, $0x380, v0;
	v1 =	vsel vm8, $0x2380, v1  }
0x17: {  	vm11 =	vcmask $0x2B28;
	s14 =	sadd.s32 s5, s2;
	s22 =	simm.s32 $0x1000;
	[dreg:$0x8] =	wrdreg s16;
	v0 =	vsel vm9, $0x1000, v0;
	v1 =	vsel vm9, $0x3000, v1  }
0x18: {  	vm12 =	vcmask $0x2F2C;
	s2 =	simm.s32 $0x1A100;
	s5 =	simm.s32 $0x6;
	[dreg:$0x9] =	wrdreg s17;
	v0 =	vsel vm10, $0x1080, v0;
	v1 =	vsel vm10, $0x3080, v1  }
.Ltmp0:
0x19: {  	vm13 =	vcmask $0x3330;
	[dreg:$0xa] =	wrdreg s8;
	s8 =	sadd.s32 s18, s3;
	v0 =	vsel vm11, $0x1100, v0;
	v1 =	vsel vm11, $0x3100, v1;
	(pc) =	sbr.rel .LBB2_1-.Ltmp0, $4  }
0x1a: {  	vm14 =	vcmask $0x3734;
	[dreg:$0xd] =	wrdreg s1;
	s0 =	sadd.s32 $0x3800, s0;
	s16 =	simm.s32 $0xA000;
	v0 =	vsel vm12, $0x1180, v0;
	v1 =	vsel vm12, $0x3180, v1  }
0x1b: {  	vm15 =	vcmask $0x3B38;
	s17 =	simm.s32 $0xE000;
	s18 =	simm.s32 $0x12000;
	s1 =	simm.s32 $0x1C200;
	v0 =	vsel vm13, $0x1200, v0;
	v1 =	vsel vm13, $0x3200, v1  }
0x1c: {  	v3 =	vimm.s32 $0x0;
	[dreg:$0xf] =	wrdreg s0;
	s26 =	sshrl.u32 s8, $0x3;
	s0 =	simm.s32 $0x3;
	v0 =	vsel vm14, $0x1280, v0;
	v2 =	vsel vm14, $0x3280, v1  }
0x1d: {  	s8 =	simm.s32 $0x1A180;
	[dreg:$0x10] =	wrdreg s26;
	s26 =	simm.s32 $0x1A200;
	v1 =	vimm.s32 $0x1;
	v0 =	vsel vm15, $0x1300, v0;
	v2 =	vsel vm15, $0x3300, v2  }
.LBB2_6:
0x1e: {  	_ =	swait.ge [sflag:s11], $0x1000  }
0x1f: {  	[sflag:s11] =	ssyncset.done $0x0  }
0x20: {  	s20 =	simm.s32 $0xD;
	s6 =	rddreg [dreg:$0xd];
	[sflag:s11] =	ssyncadd.s32 $0xFFFFF000  }
0x21: {  	[hbm4b:s6+s4] =	stream.linear.scatter [tilespmem:s9], [sflag:$0xD], $0x1000, $0x38;
	[tilespmem:$0x1E200] =	vst v63  }
0x22: {  	_ =	swait.ge [sflag:s20], $0x1000  }
0x23: {  	[sflag:s20] =	ssyncset.done $0x0  }
0x24: {  	[sflag:s20] =	ssyncadd.s32 $0xFFFFF000  }
0x25: {  	_ =	swait.ge [sflag:s12], $0x1000  }
0x26: {  	[sflag:s12] =	ssyncset.done $0x0  }
0x27: {  	s21 =	simm.s32 $0xA;
	[sflag:s12] =	ssyncadd.s32 $0xFFFFF000  }
0x28: {  	_ =	swait.ge [sflag:s21], $0x1000  }
0x29: {  	[sflag:s21] =	ssyncset.done $0x0  }
0x2a: {  	s13 =	simm.s32 $0xB;
	[sflag:s21] =	ssyncadd.s32 $0xFFFFF000  }
0x2b: {  	_ =	swait.ge [sflag:s13], $0x1000  }
0x2c: {  	s15 =	rddreg [dreg:$0x11]  }
0x2d: {  	s25 =	rddreg [dreg:$0xe];
	s15 =	sadd.s32 $0x1, s15  }
0x2e: {  	p0 =	sne.s32 s15, s25  }
.Ltmp1:
0x2f: {  	_ = 	snop;
	(pc) =	sbr.rel @!p0 .LBB2_7-.Ltmp1, $3  }
0x30: {  	_ =	sdelay $0x1  }
0x31: {  	[sflag:s13] =	ssyncset.done $0x0  }
0x32: {  	[sflag:s13] =	ssyncadd.s32 $0xFFFFF000  }
.LBB2_1:
0x33: {  	[dreg:$0x11] =	wrdreg s15  }
0x34: {  	s6 =	rddreg [dreg:$0x7]  }
0x35: {  	s25 =	rddreg [dreg:$0x8]  }
0x36: {  	s13 =	rddreg [dreg:$0x9]  }
0x37: {  	s15 =	rddreg [dreg:$0xa]  }
0x38: {  	[tilespmem:s16], [sflag:$0x1] =	stream.linear.gather [hbm4b:s6+s4], $0x4000, $0x38;
	[tilespmem:$0x1E200] =	vst v63  }
0x39: {  	s21 =	rddreg [dreg:$0xb]  }
0x3a: {  	[tilespmem:s17], [sflag:$0x2] =	stream.linear.gather [hbm4b:s25+s4], $0x4000, $0x38;
	[tilespmem:$0x1E200] =	vst v63  }
0x3b: {  	s25 =	rddreg [dreg:$0x10]  }
0x3c: {  	[tilespmem:s18], [sflag:$0x3] =	stream.linear.gather [hbm4b:s13+s4], $0x4000, $0x38;
	[tilespmem:$0x1E200] =	vst v63  }
0x3d: {  	s13 =	rddreg [dreg:$0xc]  }
0x3e: {  	[tilespmem:s19], [sflag:$0x4] =	stream.linear.gather [hbm4b:s15+s4], $0x4000, $0x38;
	[tilespmem:$0x1E200] =	vst v63  }
0x3f: {  	[spmem:s25], [sflag:s13] =	dma.local [hbm:s21], $0x1000  }
0x40: {  	_ =	swait.ge [sflag:s20], $0x1000  }
0x41: {  	[sflag:s20] =	ssyncset.done $0x0  }
0x42: {  	s21 =	rddreg [dreg:$0x6];
	[sflag:s20] =	ssyncadd.s32 $0xFFFFF000  }
0x43: {  	[tilespmem:s4], [sflag:$0xD] =	stream.linear.gather [hbm4b:s21+s4], $0x1000, $0x38;
	[tilespmem:$0x1E200] =	vst v63  }
0x44: {  	_ =	swait.ge [sflag:s20], $0x1000  }
0x45: {  	[sflag:s20] =	ssyncset.done $0x0  }
0x46: {  	[sflag:s20] =	ssyncadd.s32 $0xFFFFF000  }
0x47: {  	s25 =	rddreg [dreg:$0x2]  }
0x48: {  	[tilespmem:s22], [sflag:$0xD] =	stream.linear.gather [hbm4b:s25+s4], $0x1000, $0x38;
	[tilespmem:$0x1E200] =	vst v63  }
.Ltmp2:
0x49: {  	_ =	swait.ge [sflag:s20], $0x1000;
	(pc) =	sbr.rel .LBB2_2-.Ltmp2, $4  }
0x4a: {  	[sflag:s20] =	ssyncset.done $0x0  }
0x4b: {  	[sflag:s20] =	ssyncadd.s32 $0xFFFFF000  }
0x4c: {  	[bflag:$0x0] =	sbarrier.arrive $0xFFFF  }
0x4d: {  	s13 =	simm.s32 $0x0;
	s6 =	rddreg [dreg:$0xf]  }
.LBB2_4:
0x4e: {  	[tilespmem:$0x1A000] =	vst v5  }
0x4f: {  	[tilespmem:$0x1A010] =	vst v4;
	s15 =	simm.s32 $0x1A000;
	p1 =	por $0x1, $0x1  }
0x50: {  	[tilespmem:s26], [sflag:$0x5] =	stream.indirect.gather [spmem:s3], $0x80, s15, s24, $0xb8;
	[tilespmem:$0x1E200] =	vst v63  }
.LBB2_5:
0x51: {  	_ =	swait.ge [sflag:s28], $0x4000  }
0x52: {  	[sflag:s28] =	ssyncset.done $0x0  }
0x53: {  	[sflag:s28] =	ssyncadd.s32 $0xFFFFC000  }
0x54: {  	v4 =	vld.msk [tilespmem:s4+$0x0], $0xffff;
	_ =	sdelay $0x4  }
0x55: {  	v5 =	vshll.u32 v4, $0x3  }
0x56: {  	v4 =	vand.u32 $0x7F, v4;
	v5 =	vand.u32 $0xFFFFFC00, v5  }
0x57: {  	v4 =	vor.u32 v4, v5  }
0x58: {  	v5 =	vadd.s32 v0, v4  }
0x59: {  	v4 =	vadd.s32 v2, v4;
	_ =	sdelay $0x2  }
0x5a: {  	v6 =	vld.msk [tilespmem:s22+$0x0], $0xffff  }
0x5b: {  	v5 =	vld.idx.msk [tilespmem:v5+s17+$0x0], $0xffff  }
0x5c: {  	v4 =	vld.idx.msk [tilespmem:v4+s17+$0x0], $0xffff;
	_ =	sdelay $0x3  }
0x5d: {  	vm0 =	vgt.f32 v5, v6  }
0x5e: {  	vm5 =	vgt.f32 v4, v6;
	v5 =	vsel vm0, $0x2, v1  }
0x5f: {  	v4 =	vsel vm5, $0x2, v1;
	_ =	sdelay $0x3  }
0x60: {  	v47 =	vld.idx.msk [tilespmem:v5+s4+$0x0], $0xffff  }
0x61: {  	v7 =	vld.idx.msk [tilespmem:v4+s4+$0x0], $0xffff;
	_ =	sdelay $0x3  }
0x62: {  	v8 =	vshll.u32 v47, $0x3  }
0x63: {  	v6 =	vand.u32 $0x7F, v47;
	v48 =	vshll.u32 v7, $0x3;
	v8 =	vand.u32 $0xFFFFFC00, v8  }
0x64: {  	v7 =	vand.u32 $0x7F, v7;
	v6 =	vor.u32 v6, v8;
	v8 =	vand.u32 $0xFFFFFC00, v48  }
0x65: {  	v6 =	vadd.s32 v0, v6;
	v7 =	vor.u32 v7, v8  }
0x66: {  	v7 =	vadd.s32 v2, v7;
	_ =	sdelay $0x1  }
0x67: {  	v49 =	vld.idx.msk [tilespmem:v5+s22+$0x0], $0xffff  }
0x68: {  	v9 =	vld.idx.msk [tilespmem:v4+s22+$0x0], $0xffff  }
0x69: {  	v6 =	vld.idx.msk [tilespmem:v6+s17+$0x0], $0xffff  }
0x6a: {  	v7 =	vld.idx.msk [tilespmem:v7+s17+$0x0], $0xffff;
	_ =	sdelay $0x3  }
0x6b: {  	vm6 =	vgt.f32 v6, v49  }
0x6c: {  	v5 =	vshll.u32 v5, $0x1;
	v6 =	vsel vm6, $0x1, v3;
	vm7 =	vgt.f32 v7, v9  }
0x6d: {  	v4 =	vshll.u32 v4, $0x1;
	v5 =	vor.u32 v5, v6;
	v50 =	vsel vm7, $0x1, v3  }
0x6e: {  	v5 =	vadd.s32 $0x1, v5;
	v4 =	vor.u32 v4, v50  }
0x6f: {  	v4 =	vadd.s32 $0x1, v4;
	_ =	sdelay $0x3  }
0x70: {  	v51 =	vld.idx.msk [tilespmem:v5+s4+$0x0], $0xffff  }
0x71: {  	v52 =	vld.idx.msk [tilespmem:v4+s4+$0x0], $0xffff;
	_ =	sdelay $0x3  }
0x72: {  	v53 =	vshll.u32 v51, $0x3  }
0x73: {  	v6 =	vand.u32 $0x7F, v51;
	v8 =	vand.u32 $0xFFFFFC00, v53;
	v54 =	vshll.u32 v52, $0x3  }
0x74: {  	v7 =	vand.u32 $0x7F, v52;
	v6 =	vor.u32 v6, v8;
	v8 =	vand.u32 $0xFFFFFC00, v54  }
0x75: {  	v6 =	vadd.s32 v0, v6;
	v7 =	vor.u32 v7, v8  }
0x76: {  	v7 =	vadd.s32 v2, v7;
	_ =	sdelay $0x1  }
0x77: {  	v55 =	vld.idx.msk [tilespmem:v5+s22+$0x0], $0xffff  }
0x78: {  	v56 =	vld.idx.msk [tilespmem:v4+s22+$0x0], $0xffff  }
0x79: {  	v6 =	vld.idx.msk [tilespmem:v6+s17+$0x0], $0xffff  }
0x7a: {  	v7 =	vld.idx.msk [tilespmem:v7+s17+$0x0], $0xffff;
	_ =	sdelay $0x3  }
0x7b: {  	vm8 =	vgt.f32 v6, v55  }
0x7c: {  	v5 =	vshll.u32 v5, $0x1;
	v6 =	vsel vm8, $0x1, v3;
	vm9 =	vgt.f32 v7, v56  }
0x7d: {  	v4 =	vshll.u32 v4, $0x1;
	v5 =	vor.u32 v5, v6;
	v57 =	vsel vm9, $0x1, v3  }
0x7e: {  	v5 =	vadd.s32 $0x1, v5;
	v4 =	vor.u32 v4, v57  }
0x7f: {  	v4 =	vadd.s32 $0x1, v4;
	_ =	sdelay $0x3  }
0x80: {  	v58 =	vld.idx.msk [tilespmem:v5+s4+$0x0], $0xffff  }
0x81: {  	v59 =	vld.idx.msk [tilespmem:v4+s4+$0x0], $0xffff;
	_ =	sdelay $0x3  }
0x82: {  	v60 =	vshll.u32 v58, $0x3  }
0x83: {  	v6 =	vand.u32 $0x7F, v58;
	v8 =	vand.u32 $0xFFFFFC00, v60;
	v61 =	vshll.u32 v59, $0x3  }
0x84: {  	v7 =	vand.u32 $0x7F, v59;
	v6 =	vor.u32 v6, v8;
	v8 =	vand.u32 $0xFFFFFC00, v61  }
0x85: {  	v6 =	vadd.s32 v0, v6;
	v7 =	vor.u32 v7, v8  }
0x86: {  	v7 =	vadd.s32 v2, v7;
	_ =	sdelay $0x1  }
0x87: {  	v62 =	vld.idx.msk [tilespmem:v5+s22+$0x0], $0xffff  }
0x88: {  	v63 =	vld.idx.msk [tilespmem:v4+s22+$0x0], $0xffff  }
0x89: {  	v6 =	vld.idx.msk [tilespmem:v6+s17+$0x0], $0xffff  }
0x8a: {  	v7 =	vld.idx.msk [tilespmem:v7+s17+$0x0], $0xffff;
	_ =	sdelay $0x3  }
0x8b: {  	vm10 =	vgt.f32 v6, v62  }
0x8c: {  	v5 =	vshll.u32 v5, $0x1;
	v6 =	vsel vm10, $0x1, v3;
	vm11 =	vgt.f32 v7, v63  }
0x8d: {  	v4 =	vshll.u32 v4, $0x1;
	v5 =	vor.u32 v5, v6;
	v11 =	vsel vm11, $0x1, v3  }
0x8e: {  	v5 =	vadd.s32 $0x1, v5;
	v4 =	vor.u32 v4, v11  }
0x8f: {  	v4 =	vadd.s32 $0x1, v4;
	_ =	sdelay $0x3  }
0x90: {  	v12 =	vld.idx.msk [tilespmem:v5+s4+$0x0], $0xffff  }
0x91: {  	v13 =	vld.idx.msk [tilespmem:v4+s4+$0x0], $0xffff;
	_ =	sdelay $0x3  }
0x92: {  	v14 =	vshll.u32 v12, $0x3  }
0x93: {  	v6 =	vand.u32 $0x7F, v12;
	v8 =	vand.u32 $0xFFFFFC00, v14;
	v15 =	vshll.u32 v13, $0x3  }
0x94: {  	v7 =	vand.u32 $0x7F, v13;
	v6 =	vor.u32 v6, v8;
	v8 =	vand.u32 $0xFFFFFC00, v15  }
0x95: {  	v6 =	vadd.s32 v0, v6;
	v7 =	vor.u32 v7, v8  }
0x96: {  	v7 =	vadd.s32 v2, v7;
	_ =	sdelay $0x1  }
0x97: {  	v16 =	vld.idx.msk [tilespmem:v5+s22+$0x0], $0xffff  }
0x98: {  	v17 =	vld.idx.msk [tilespmem:v4+s22+$0x0], $0xffff  }
0x99: {  	v6 =	vld.idx.msk [tilespmem:v6+s17+$0x0], $0xffff  }
0x9a: {  	v7 =	vld.idx.msk [tilespmem:v7+s17+$0x0], $0xffff;
	_ =	sdelay $0x3  }
0x9b: {  	vm12 =	vgt.f32 v6, v16  }
0x9c: {  	v5 =	vshll.u32 v5, $0x1;
	v6 =	vsel vm12, $0x1, v3;
	vm13 =	vgt.f32 v7, v17  }
0x9d: {  	v4 =	vshll.u32 v4, $0x1;
	v5 =	vor.u32 v5, v6;
	v18 =	vsel vm13, $0x1, v3  }
0x9e: {  	v5 =	vadd.s32 $0x1, v5;
	v4 =	vor.u32 v4, v18  }
0x9f: {  	v4 =	vadd.s32 $0x1, v4;
	_ =	sdelay $0x3  }
0xa0: {  	v19 =	vld.idx.msk [tilespmem:v5+s4+$0x0], $0xffff  }
0xa1: {  	v20 =	vld.idx.msk [tilespmem:v4+s4+$0x0], $0xffff;
	_ =	sdelay $0x3  }
0xa2: {  	v21 =	vshll.u32 v19, $0x3  }
0xa3: {  	v6 =	vand.u32 $0x7F, v19;
	v8 =	vand.u32 $0xFFFFFC00, v21;
	v22 =	vshll.u32 v20, $0x3  }
0xa4: {  	v7 =	vand.u32 $0x7F, v20;
	v6 =	vor.u32 v6, v8;
	v8 =	vand.u32 $0xFFFFFC00, v22  }
0xa5: {  	v6 =	vadd.s32 v0, v6;
	v7 =	vor.u32 v7, v8  }
0xa6: {  	v7 =	vadd.s32 v2, v7;
	_ =	sdelay $0x1  }
0xa7: {  	v23 =	vld.idx.msk [tilespmem:v5+s22+$0x0], $0xffff  }
0xa8: {  	v24 =	vld.idx.msk [tilespmem:v4+s22+$0x0], $0xffff  }
0xa9: {  	v6 =	vld.idx.msk [tilespmem:v6+s17+$0x0], $0xffff  }
0xaa: {  	v7 =	vld.idx.msk [tilespmem:v7+s17+$0x0], $0xffff;
	_ =	sdelay $0x3  }
0xab: {  	vm14 =	vgt.f32 v6, v23  }
0xac: {  	v5 =	vshll.u32 v5, $0x1;
	v6 =	vsel vm14, $0x1, v3;
	vm15 =	vgt.f32 v7, v24  }
0xad: {  	v4 =	vshll.u32 v4, $0x1;
	v5 =	vor.u32 v5, v6;
	v25 =	vsel vm15, $0x1, v3  }
0xae: {  	v5 =	vadd.s32 $0x1, v5;
	v4 =	vor.u32 v4, v25  }
0xaf: {  	v4 =	vadd.s32 $0x1, v4;
	_ =	sdelay $0x3  }
0xb0: {  	v26 =	vld.idx.msk [tilespmem:v5+s4+$0x0], $0xffff  }
0xb1: {  	v27 =	vld.idx.msk [tilespmem:v4+s4+$0x0], $0xffff;
	_ =	sdelay $0x3  }
0xb2: {  	v28 =	vshll.u32 v26, $0x3  }
0xb3: {  	v6 =	vand.u32 $0x7F, v26;
	v8 =	vand.u32 $0xFFFFFC00, v28;
	v29 =	vshll.u32 v27, $0x3  }
0xb4: {  	v7 =	vand.u32 $0x7F, v27;
	v6 =	vor.u32 v6, v8;
	v8 =	vand.u32 $0xFFFFFC00, v29  }
0xb5: {  	v6 =	vadd.s32 v0, v6;
	v7 =	vor.u32 v7, v8  }
0xb6: {  	v7 =	vadd.s32 v2, v7;
	_ =	sdelay $0x1  }
0xb7: {  	v30 =	vld.idx.msk [tilespmem:v5+s22+$0x0], $0xffff  }
0xb8: {  	v31 =	vld.idx.msk [tilespmem:v4+s22+$0x0], $0xffff  }
0xb9: {  	v6 =	vld.idx.msk [tilespmem:v6+s17+$0x0], $0xffff  }
0xba: {  	v7 =	vld.idx.msk [tilespmem:v7+s17+$0x0], $0xffff;
	_ =	sdelay $0x3  }
0xbb: {  	vm4 =	vgt.f32 v6, v30  }
0xbc: {  	v5 =	vshll.u32 v5, $0x1;
	v6 =	vsel vm4, $0x1, v3;
	vm5 =	vgt.f32 v7, v31  }
0xbd: {  	v4 =	vshll.u32 v4, $0x1;
	v5 =	vor.u32 v5, v6;
	v32 =	vsel vm5, $0x1, v3  }
0xbe: {  	v5 =	vadd.s32 $0x1, v5;
	v4 =	vor.u32 v4, v32  }
0xbf: {  	v4 =	vadd.s32 $0x1, v4;
	_ =	sdelay $0x3  }
0xc0: {  	v33 =	vld.idx.msk [tilespmem:v5+s4+$0x0], $0xffff  }
0xc1: {  	v34 =	vld.idx.msk [tilespmem:v4+s4+$0x0], $0xffff;
	_ =	sdelay $0x3  }
0xc2: {  	v35 =	vshll.u32 v33, $0x3  }
0xc3: {  	v6 =	vand.u32 $0x7F, v33;
	v8 =	vand.u32 $0xFFFFFC00, v35;
	v36 =	vshll.u32 v34, $0x3  }
0xc4: {  	v7 =	vand.u32 $0x7F, v34;
	v6 =	vor.u32 v6, v8;
	v8 =	vand.u32 $0xFFFFFC00, v36  }
0xc5: {  	v6 =	vadd.s32 v0, v6;
	v7 =	vor.u32 v7, v8  }
0xc6: {  	v7 =	vadd.s32 v2, v7;
	_ =	sdelay $0x1  }
0xc7: {  	v37 =	vld.idx.msk [tilespmem:v5+s22+$0x0], $0xffff  }
0xc8: {  	v38 =	vld.idx.msk [tilespmem:v4+s22+$0x0], $0xffff  }
0xc9: {  	v6 =	vld.idx.msk [tilespmem:v6+s17+$0x0], $0xffff  }
0xca: {  	v7 =	vld.idx.msk [tilespmem:v7+s17+$0x0], $0xffff;
	_ =	sdelay $0x3  }
0xcb: {  	vm6 =	vgt.f32 v6, v37  }
0xcc: {  	v5 =	vshll.u32 v5, $0x1;
	v6 =	vsel vm6, $0x1, v3;
	vm7 =	vgt.f32 v7, v38  }
0xcd: {  	v4 =	vshll.u32 v4, $0x1;
	v5 =	vor.u32 v5, v6;
	v39 =	vsel vm7, $0x1, v3  }
0xce: {  	v5 =	vadd.s32 $0x1, v5;
	v4 =	vor.u32 v4, v39  }
0xcf: {  	v4 =	vadd.s32 $0x1, v4;
	_ =	sdelay $0x3  }
0xd0: {  	v40 =	vld.idx.msk [tilespmem:v5+s4+$0x0], $0xffff  }
0xd1: {  	v41 =	vld.idx.msk [tilespmem:v4+s4+$0x0], $0xffff;
	_ =	sdelay $0x3  }
0xd2: {  	v42 =	vshll.u32 v40, $0x3  }
0xd3: {  	v6 =	vand.u32 $0x7F, v40;
	v8 =	vand.u32 $0xFFFFFC00, v42;
	v43 =	vshll.u32 v41, $0x3  }
0xd4: {  	v7 =	vand.u32 $0x7F, v41;
	v6 =	vor.u32 v6, v8;
	v8 =	vand.u32 $0xFFFFFC00, v43  }
0xd5: {  	v6 =	vadd.s32 v0, v6;
	v7 =	vor.u32 v7, v8  }
0xd6: {  	v7 =	vadd.s32 v2, v7;
	_ =	sdelay $0x1  }
0xd7: {  	v44 =	vld.idx.msk [tilespmem:v5+s22+$0x0], $0xffff  }
0xd8: {  	v45 =	vld.idx.msk [tilespmem:v4+s22+$0x0], $0xffff  }
0xd9: {  	v6 =	vld.idx.msk [tilespmem:v6+s17+$0x0], $0xffff  }
0xda: {  	v7 =	vld.idx.msk [tilespmem:v7+s17+$0x0], $0xffff;
	_ =	sdelay $0x3  }
0xdb: {  	vm8 =	vgt.f32 v6, v44  }
0xdc: {  	v5 =	vshll.u32 v5, $0x1;
	v6 =	vsel vm8, $0x1, v3;
	vm9 =	vgt.f32 v7, v45  }
0xdd: {  	v4 =	vshll.u32 v4, $0x1;
	v5 =	vor.u32 v5, v6;
	v46 =	vsel vm9, $0x1, v3  }
0xde: {  	v5 =	vadd.s32 $0x1, v5;
	v4 =	vor.u32 v4, v46  }
0xdf: {  	v4 =	vadd.s32 $0x1, v4;
	_ =	sdelay $0x3  }
0xe0: {  	v47 =	vld.idx.msk [tilespmem:v5+s4+$0x0], $0xffff  }
0xe1: {  	v48 =	vld.idx.msk [tilespmem:v4+s4+$0x0], $0xffff;
	_ =	sdelay $0x3  }
0xe2: {  	v49 =	vshll.u32 v47, $0x3  }
0xe3: {  	v6 =	vand.u32 $0x7F, v47;
	v8 =	vand.u32 $0xFFFFFC00, v49;
	v50 =	vshll.u32 v48, $0x3  }
0xe4: {  	v7 =	vand.u32 $0x7F, v48;
	v6 =	vor.u32 v6, v8;
	v8 =	vand.u32 $0xFFFFFC00, v50  }
0xe5: {  	v6 =	vadd.s32 v0, v6;
	v7 =	vor.u32 v7, v8  }
0xe6: {  	v7 =	vadd.s32 v2, v7;
	_ =	sdelay $0x1  }
0xe7: {  	v51 =	vld.idx.msk [tilespmem:v5+s22+$0x0], $0xffff  }
0xe8: {  	v52 =	vld.idx.msk [tilespmem:v4+s22+$0x0], $0xffff  }
0xe9: {  	v6 =	vld.idx.msk [tilespmem:v6+s17+$0x0], $0xffff  }
0xea: {  	v7 =	vld.idx.msk [tilespmem:v7+s17+$0x0], $0xffff;
	_ =	sdelay $0x3  }
0xeb: {  	vm10 =	vgt.f32 v6, v51  }
0xec: {  	v5 =	vshll.u32 v5, $0x1;
	v6 =	vsel vm10, $0x1, v3;
	vm11 =	vgt.f32 v7, v52  }
0xed: {  	v4 =	vshll.u32 v4, $0x1;
	v5 =	vor.u32 v5, v6;
	v53 =	vsel vm11, $0x1, v3  }
0xee: {  	v5 =	vadd.s32 $0x1, v5;
	v4 =	vor.u32 v4, v53  }
0xef: {  	v4 =	vadd.s32 $0x1, v4;
	_ =	sdelay $0x3  }
0xf0: {  	v54 =	vld.idx.msk [tilespmem:v5+s4+$0x0], $0xffff  }
0xf1: {  	v55 =	vld.idx.msk [tilespmem:v4+s4+$0x0], $0xffff;
	_ =	sdelay $0x3  }
0xf2: {  	v56 =	vshll.u32 v54, $0x3  }
0xf3: {  	v6 =	vand.u32 $0x7F, v54;
	v8 =	vand.u32 $0xFFFFFC00, v56;
	v57 =	vshll.u32 v55, $0x3  }
0xf4: {  	v7 =	vand.u32 $0x7F, v55;
	v6 =	vor.u32 v6, v8;
	v8 =	vand.u32 $0xFFFFFC00, v57  }
0xf5: {  	v6 =	vadd.s32 v0, v6;
	v7 =	vor.u32 v7, v8  }
0xf6: {  	v7 =	vadd.s32 v2, v7;
	_ =	sdelay $0x1  }
0xf7: {  	v58 =	vld.idx.msk [tilespmem:v5+s22+$0x0], $0xffff  }
0xf8: {  	v59 =	vld.idx.msk [tilespmem:v4+s22+$0x0], $0xffff  }
0xf9: {  	v6 =	vld.idx.msk [tilespmem:v6+s17+$0x0], $0xffff  }
0xfa: {  	v7 =	vld.idx.msk [tilespmem:v7+s17+$0x0], $0xffff;
	_ =	sdelay $0x3  }
0xfb: {  	vm12 =	vgt.f32 v6, v58  }
0xfc: {  	v5 =	vshll.u32 v5, $0x1;
	v6 =	vsel vm12, $0x1, v3;
	vm13 =	vgt.f32 v7, v59  }
0xfd: {  	v4 =	vshll.u32 v4, $0x1;
	v5 =	vor.u32 v5, v6;
	v60 =	vsel vm13, $0x1, v3  }
0xfe: {  	v5 =	vadd.s32 $0x1, v5;
	v4 =	vor.u32 v4, v60  }
0xff: {  	v4 =	vadd.s32 $0x1, v4;
	_ =	sdelay $0x3  }
0x100: {  	v61 =	vld.idx.msk [tilespmem:v5+s4+$0x0], $0xffff  }
0x101: {  	v62 =	vld.idx.msk [tilespmem:v4+s4+$0x0], $0xffff;
	_ =	sdelay $0x3  }
0x102: {  	v63 =	vshll.u32 v61, $0x3  }
0x103: {  	v6 =	vand.u32 $0x7F, v61;
	v8 =	vand.u32 $0xFFFFFC00, v63;
	v12 =	vshll.u32 v62, $0x3  }
0x104: {  	v7 =	vand.u32 $0x7F, v62;
	v6 =	vor.u32 v6, v8;
	v8 =	vand.u32 $0xFFFFFC00, v12  }
0x105: {  	v6 =	vadd.s32 v0, v6;
	v7 =	vor.u32 v7, v8  }
0x106: {  	v7 =	vadd.s32 v2, v7;
	_ =	sdelay $0x1  }
0x107: {  	v13 =	vld.idx.msk [tilespmem:v5+s22+$0x0], $0xffff  }
0x108: {  	v14 =	vld.idx.msk [tilespmem:v4+s22+$0x0], $0xffff  }
0x109: {  	v6 =	vld.idx.msk [tilespmem:v6+s17+$0x0], $0xffff  }
0x10a: {  	v7 =	vld.idx.msk [tilespmem:v7+s17+$0x0], $0xffff;
	_ =	sdelay $0x1  }
0x10b: {  	s15 =	sadd.s32 @!p0 $0xFFFFF000, s6;
	s20 =	simm.s32 @!p0 $0x0;
	s21 =	simm.s32 @!p0 $0xE000  }
0x10c: {  	[tilespmem:s21], [sflag:$0x2] =	stream.linear.gather @!p0 [hbm4b:s15+s20], $0x4000, $0x38;
	[tilespmem:$0x1E200] =	vst v63  }
0x10d: {  	s15 =	simm.s32 @!p1 $0xA;
	vm14 =	vgt.f32 v6, v13  }
0x10e: {  	v5 =	vshll.u32 v5, $0x1;
	_ =	swait.ge @!p1 [sflag:s15], $0x1000;
	v6 =	vsel vm14, $0x1, v3;
	vm15 =	vgt.f32 v7, v14  }
0x10f: {  	v4 =	vshll.u32 v4, $0x1;
	[sflag:s15] =	ssyncset.done @!p1 $0x0;
	v7 =	vsel vm15, $0x1, v3;
	v5 =	vadd.s32 v6, v5  }
0x110: {  	[sflag:s15] =	ssyncadd.s32 @!p1 $0xFFFFF000;
	v5 =	vadd.s32 $0xFFFFF002, v5;
	v4 =	vadd.s32 v7, v4  }
0x111: {  	[tilespmem:$0x1A080] =	vst v5;
	v4 =	vadd.s32 $0xFFFFF002, v4  }
0x112: {  	[tilespmem:$0x1A090] =	vst v4  }
0x113: {  	[tilespmem:s30], [sflag:$0x6] =	stream.indirect.gather [spmem:s3], $0x80, s29, s24, $0xb8;
	[tilespmem:$0x1E200] =	vst v63  }
0x114: {  	_ =	swait.ge [sflag:s31], $0x1000  }
0x115: {  	[sflag:s31] =	ssyncset.done $0x0  }
0x116: {  	s21 =	sadd.s32 s13, s14;
	[sflag:s31] =	ssyncadd.s32 $0xFFFFF000  }
0x117: {  	[hbm4b:s21+s4] =	stream.linear.scatter [tilespmem:s26], [sflag:$0x9], $0x1000, $0x38;
	[tilespmem:$0x1E200] =	vst v63  }
0x118: {  	_ =	swait.ge [sflag:s0], $0x4000  }
0x119: {  	[sflag:s0] =	ssyncset.done $0x0  }
0x11a: {  	[sflag:s0] =	ssyncadd.s32 $0xFFFFC000  }
0x11b: {  	v4 =	vld.msk [tilespmem:s4+$0x0], $0xffff;
	_ =	sdelay $0x4  }
0x11c: {  	v5 =	vshll.u32 v4, $0x3  }
0x11d: {  	v4 =	vand.u32 $0x7F, v4;
	v5 =	vand.u32 $0xFFFFFC00, v5  }
0x11e: {  	v4 =	vor.u32 v4, v5  }
0x11f: {  	v5 =	vadd.s32 v0, v4  }
0x120: {  	v4 =	vadd.s32 v2, v4;
	_ =	sdelay $0x2  }
0x121: {  	v15 =	vld.msk [tilespmem:s22+$0x0], $0xffff  }
0x122: {  	v5 =	vld.idx.msk [tilespmem:v5+s18+$0x0], $0xffff  }
0x123: {  	v4 =	vld.idx.msk [tilespmem:v4+s18+$0x0], $0xffff;
	_ =	sdelay $0x3  }
0x124: {  	vm4 =	vgt.f32 v5, v15  }
0x125: {  	vm5 =	vgt.f32 v4, v15;
	v5 =	vsel vm4, $0x2, v1  }
0x126: {  	v4 =	vsel vm5, $0x2, v1;
	_ =	sdelay $0x3  }
0x127: {  	v16 =	vld.idx.msk [tilespmem:v5+s4+$0x0], $0xffff  }
0x128: {  	v17 =	vld.idx.msk [tilespmem:v4+s4+$0x0], $0xffff;
	_ =	sdelay $0x3  }
0x129: {  	v18 =	vshll.u32 v16, $0x3  }
0x12a: {  	v6 =	vand.u32 $0x7F, v16;
	v19 =	vshll.u32 v17, $0x3;
	v8 =	vand.u32 $0xFFFFFC00, v18  }
0x12b: {  	v7 =	vand.u32 $0x7F, v17;
	v6 =	vor.u32 v6, v8;
	v8 =	vand.u32 $0xFFFFFC00, v19  }
0x12c: {  	v6 =	vadd.s32 v0, v6;
	v7 =	vor.u32 v7, v8  }
0x12d: {  	v7 =	vadd.s32 v2, v7;
	_ =	sdelay $0x1  }
0x12e: {  	v20 =	vld.idx.msk [tilespmem:v5+s22+$0x0], $0xffff  }
0x12f: {  	v21 =	vld.idx.msk [tilespmem:v4+s22+$0x0], $0xffff  }
0x130: {  	v6 =	vld.idx.msk [tilespmem:v6+s18+$0x0], $0xffff  }
0x131: {  	v7 =	vld.idx.msk [tilespmem:v7+s18+$0x0], $0xffff;
	_ =	sdelay $0x3  }
0x132: {  	vm6 =	vgt.f32 v6, v20  }
0x133: {  	v5 =	vshll.u32 v5, $0x1;
	v6 =	vsel vm6, $0x1, v3;
	vm7 =	vgt.f32 v7, v21  }
0x134: {  	v4 =	vshll.u32 v4, $0x1;
	v5 =	vor.u32 v5, v6;
	v22 =	vsel vm7, $0x1, v3  }
0x135: {  	v5 =	vadd.s32 $0x1, v5;
	v4 =	vor.u32 v4, v22  }
0x136: {  	v4 =	vadd.s32 $0x1, v4;
	_ =	sdelay $0x3  }
0x137: {  	v23 =	vld.idx.msk [tilespmem:v5+s4+$0x0], $0xffff  }
0x138: {  	v24 =	vld.idx.msk [tilespmem:v4+s4+$0x0], $0xffff;
	_ =	sdelay $0x3  }
0x139: {  	v25 =	vshll.u32 v23, $0x3  }
0x13a: {  	v6 =	vand.u32 $0x7F, v23;
	v8 =	vand.u32 $0xFFFFFC00, v25;
	v26 =	vshll.u32 v24, $0x3  }
0x13b: {  	v7 =	vand.u32 $0x7F, v24;
	v6 =	vor.u32 v6, v8;
	v8 =	vand.u32 $0xFFFFFC00, v26  }
0x13c: {  	v6 =	vadd.s32 v0, v6;
	v7 =	vor.u32 v7, v8  }
0x13d: {  	v7 =	vadd.s32 v2, v7;
	_ =	sdelay $0x1  }
0x13e: {  	v27 =	vld.idx.msk [tilespmem:v5+s22+$0x0], $0xffff  }
0x13f: {  	v28 =	vld.idx.msk [tilespmem:v4+s22+$0x0], $0xffff  }
0x140: {  	v6 =	vld.idx.msk [tilespmem:v6+s18+$0x0], $0xffff  }
0x141: {  	v7 =	vld.idx.msk [tilespmem:v7+s18+$0x0], $0xffff;
	_ =	sdelay $0x3  }
0x142: {  	vm8 =	vgt.f32 v6, v27  }
0x143: {  	v5 =	vshll.u32 v5, $0x1;
	v6 =	vsel vm8, $0x1, v3;
	vm9 =	vgt.f32 v7, v28  }
0x144: {  	v4 =	vshll.u32 v4, $0x1;
	v5 =	vor.u32 v5, v6;
	v29 =	vsel vm9, $0x1, v3  }
0x145: {  	v5 =	vadd.s32 $0x1, v5;
	v4 =	vor.u32 v4, v29  }
0x146: {  	v4 =	vadd.s32 $0x1, v4;
	_ =	sdelay $0x3  }
0x147: {  	v30 =	vld.idx.msk [tilespmem:v5+s4+$0x0], $0xffff  }
0x148: {  	v31 =	vld.idx.msk [tilespmem:v4+s4+$0x0], $0xffff;
	_ =	sdelay $0x3  }
0x149: {  	v32 =	vshll.u32 v30, $0x3  }
0x14a: {  	v6 =	vand.u32 $0x7F, v30;
	v8 =	vand.u32 $0xFFFFFC00, v32;
	v33 =	vshll.u32 v31, $0x3  }
0x14b: {  	v7 =	vand.u32 $0x7F, v31;
	v6 =	vor.u32 v6, v8;
	v8 =	vand.u32 $0xFFFFFC00, v33  }
0x14c: {  	v6 =	vadd.s32 v0, v6;
	v7 =	vor.u32 v7, v8  }
0x14d: {  	v7 =	vadd.s32 v2, v7;
	_ =	sdelay $0x1  }
0x14e: {  	v34 =	vld.idx.msk [tilespmem:v5+s22+$0x0], $0xffff  }
0x14f: {  	v35 =	vld.idx.msk [tilespmem:v4+s22+$0x0], $0xffff  }
0x150: {  	v6 =	vld.idx.msk [tilespmem:v6+s18+$0x0], $0xffff  }
0x151: {  	v7 =	vld.idx.msk [tilespmem:v7+s18+$0x0], $0xffff;
	_ =	sdelay $0x3  }
0x152: {  	vm10 =	vgt.f32 v6, v34  }
0x153: {  	v5 =	vshll.u32 v5, $0x1;
	v6 =	vsel vm10, $0x1, v3;
	vm11 =	vgt.f32 v7, v35  }
0x154: {  	v4 =	vshll.u32 v4, $0x1;
	v5 =	vor.u32 v5, v6;
	v36 =	vsel vm11, $0x1, v3  }
0x155: {  	v5 =	vadd.s32 $0x1, v5;
	v4 =	vor.u32 v4, v36  }
0x156: {  	v4 =	vadd.s32 $0x1, v4;
	_ =	sdelay $0x3  }
0x157: {  	v37 =	vld.idx.msk [tilespmem:v5+s4+$0x0], $0xffff  }
0x158: {  	v38 =	vld.idx.msk [tilespmem:v4+s4+$0x0], $0xffff;
	_ =	sdelay $0x3  }
0x159: {  	v39 =	vshll.u32 v37, $0x3  }
0x15a: {  	v6 =	vand.u32 $0x7F, v37;
	v8 =	vand.u32 $0xFFFFFC00, v39;
	v40 =	vshll.u32 v38, $0x3  }
0x15b: {  	v7 =	vand.u32 $0x7F, v38;
	v6 =	vor.u32 v6, v8;
	v8 =	vand.u32 $0xFFFFFC00, v40  }
0x15c: {  	v6 =	vadd.s32 v0, v6;
	v7 =	vor.u32 v7, v8  }
0x15d: {  	v7 =	vadd.s32 v2, v7;
	_ =	sdelay $0x1  }
0x15e: {  	v41 =	vld.idx.msk [tilespmem:v5+s22+$0x0], $0xffff  }
0x15f: {  	v42 =	vld.idx.msk [tilespmem:v4+s22+$0x0], $0xffff  }
0x160: {  	v6 =	vld.idx.msk [tilespmem:v6+s18+$0x0], $0xffff  }
0x161: {  	v7 =	vld.idx.msk [tilespmem:v7+s18+$0x0], $0xffff;
	_ =	sdelay $0x3  }
0x162: {  	vm12 =	vgt.f32 v6, v41  }
0x163: {  	v5 =	vshll.u32 v5, $0x1;
	v6 =	vsel vm12, $0x1, v3;
	vm13 =	vgt.f32 v7, v42  }
0x164: {  	v4 =	vshll.u32 v4, $0x1;
	v5 =	vor.u32 v5, v6;
	v43 =	vsel vm13, $0x1, v3  }
0x165: {  	v5 =	vadd.s32 $0x1, v5;
	v4 =	vor.u32 v4, v43  }
0x166: {  	v4 =	vadd.s32 $0x1, v4;
	_ =	sdelay $0x3  }
0x167: {  	v44 =	vld.idx.msk [tilespmem:v5+s4+$0x0], $0xffff  }
0x168: {  	v45 =	vld.idx.msk [tilespmem:v4+s4+$0x0], $0xffff;
	_ =	sdelay $0x3  }
0x169: {  	v46 =	vshll.u32 v44, $0x3  }
0x16a: {  	v6 =	vand.u32 $0x7F, v44;
	v8 =	vand.u32 $0xFFFFFC00, v46;
	v47 =	vshll.u32 v45, $0x3  }
0x16b: {  	v7 =	vand.u32 $0x7F, v45;
	v6 =	vor.u32 v6, v8;
	v8 =	vand.u32 $0xFFFFFC00, v47  }
0x16c: {  	v6 =	vadd.s32 v0, v6;
	v7 =	vor.u32 v7, v8  }
0x16d: {  	v7 =	vadd.s32 v2, v7;
	_ =	sdelay $0x1  }
0x16e: {  	v48 =	vld.idx.msk [tilespmem:v5+s22+$0x0], $0xffff  }
0x16f: {  	v49 =	vld.idx.msk [tilespmem:v4+s22+$0x0], $0xffff  }
0x170: {  	v6 =	vld.idx.msk [tilespmem:v6+s18+$0x0], $0xffff  }
0x171: {  	v7 =	vld.idx.msk [tilespmem:v7+s18+$0x0], $0xffff;
	_ =	sdelay $0x3  }
0x172: {  	vm14 =	vgt.f32 v6, v48  }
0x173: {  	v5 =	vshll.u32 v5, $0x1;
	v6 =	vsel vm14, $0x1, v3;
	vm15 =	vgt.f32 v7, v49  }
0x174: {  	v4 =	vshll.u32 v4, $0x1;
	v5 =	vor.u32 v5, v6;
	v50 =	vsel vm15, $0x1, v3  }
0x175: {  	v5 =	vadd.s32 $0x1, v5;
	v4 =	vor.u32 v4, v50  }
0x176: {  	v4 =	vadd.s32 $0x1, v4;
	_ =	sdelay $0x3  }
0x177: {  	v51 =	vld.idx.msk [tilespmem:v5+s4+$0x0], $0xffff  }
0x178: {  	v52 =	vld.idx.msk [tilespmem:v4+s4+$0x0], $0xffff;
	_ =	sdelay $0x3  }
0x179: {  	v53 =	vshll.u32 v51, $0x3  }
0x17a: {  	v6 =	vand.u32 $0x7F, v51;
	v8 =	vand.u32 $0xFFFFFC00, v53;
	v54 =	vshll.u32 v52, $0x3  }
0x17b: {  	v7 =	vand.u32 $0x7F, v52;
	v6 =	vor.u32 v6, v8;
	v8 =	vand.u32 $0xFFFFFC00, v54  }
0x17c: {  	v6 =	vadd.s32 v0, v6;
	v7 =	vor.u32 v7, v8  }
0x17d: {  	v7 =	vadd.s32 v2, v7;
	_ =	sdelay $0x1  }
0x17e: {  	v55 =	vld.idx.msk [tilespmem:v5+s22+$0x0], $0xffff  }
0x17f: {  	v56 =	vld.idx.msk [tilespmem:v4+s22+$0x0], $0xffff  }
0x180: {  	v6 =	vld.idx.msk [tilespmem:v6+s18+$0x0], $0xffff  }
0x181: {  	v7 =	vld.idx.msk [tilespmem:v7+s18+$0x0], $0xffff;
	_ =	sdelay $0x3  }
0x182: {  	vm4 =	vgt.f32 v6, v55  }
0x183: {  	v5 =	vshll.u32 v5, $0x1;
	v6 =	vsel vm4, $0x1, v3;
	vm5 =	vgt.f32 v7, v56  }
0x184: {  	v4 =	vshll.u32 v4, $0x1;
	v5 =	vor.u32 v5, v6;
	v57 =	vsel vm5, $0x1, v3  }
0x185: {  	v5 =	vadd.s32 $0x1, v5;
	v4 =	vor.u32 v4, v57  }
0x186: {  	v4 =	vadd.s32 $0x1, v4;
	_ =	sdelay $0x3  }
0x187: {  	v58 =	vld.idx.msk [tilespmem:v5+s4+$0x0], $0xffff  }
0x188: {  	v59 =	vld.idx.msk [tilespmem:v4+s4+$0x0], $0xffff;
	_ =	sdelay $0x3  }
0x189: {  	v60 =	vshll.u32 v58, $0x3  }
0x18a: {  	v6 =	vand.u32 $0x7F, v58;
	v8 =	vand.u32 $0xFFFFFC00, v60;
	v61 =	vshll.u32 v59, $0x3  }
0x18b: {  	v7 =	vand.u32 $0x7F, v59;
	v6 =	vor.u32 v6, v8;
	v8 =	vand.u32 $0xFFFFFC00, v61  }
0x18c: {  	v6 =	vadd.s32 v0, v6;
	v7 =	vor.u32 v7, v8  }
0x18d: {  	v7 =	vadd.s32 v2, v7;
	_ =	sdelay $0x1  }
0x18e: {  	v62 =	vld.idx.msk [tilespmem:v5+s22+$0x0], $0xffff  }
0x18f: {  	v63 =	vld.idx.msk [tilespmem:v4+s22+$0x0], $0xffff  }
0x190: {  	v6 =	vld.idx.msk [tilespmem:v6+s18+$0x0], $0xffff  }
0x191: {  	v7 =	vld.idx.msk [tilespmem:v7+s18+$0x0], $0xffff;
	_ =	sdelay $0x3  }
0x192: {  	vm6 =	vgt.f32 v6, v62  }
0x193: {  	v5 =	vshll.u32 v5, $0x1;
	v6 =	vsel vm6, $0x1, v3;
	vm7 =	vgt.f32 v7, v63  }
0x194: {  	v4 =	vshll.u32 v4, $0x1;
	v5 =	vor.u32 v5, v6;
	v11 =	vsel vm7, $0x1, v3  }
0x195: {  	v5 =	vadd.s32 $0x1, v5;
	v4 =	vor.u32 v4, v11  }
0x196: {  	v4 =	vadd.s32 $0x1, v4;
	_ =	sdelay $0x3  }
0x197: {  	v12 =	vld.idx.msk [tilespmem:v5+s4+$0x0], $0xffff  }
0x198: {  	v13 =	vld.idx.msk [tilespmem:v4+s4+$0x0], $0xffff;
	_ =	sdelay $0x3  }
0x199: {  	v14 =	vshll.u32 v12, $0x3  }
0x19a: {  	v6 =	vand.u32 $0x7F, v12;
	v8 =	vand.u32 $0xFFFFFC00, v14;
	v15 =	vshll.u32 v13, $0x3  }
0x19b: {  	v7 =	vand.u32 $0x7F, v13;
	v6 =	vor.u32 v6, v8;
	v8 =	vand.u32 $0xFFFFFC00, v15  }
0x19c: {  	v6 =	vadd.s32 v0, v6;
	v7 =	vor.u32 v7, v8  }
0x19d: {  	v7 =	vadd.s32 v2, v7;
	_ =	sdelay $0x1  }
0x19e: {  	v16 =	vld.idx.msk [tilespmem:v5+s22+$0x0], $0xffff  }
0x19f: {  	v17 =	vld.idx.msk [tilespmem:v4+s22+$0x0], $0xffff  }
0x1a0: {  	v6 =	vld.idx.msk [tilespmem:v6+s18+$0x0], $0xffff  }
0x1a1: {  	v7 =	vld.idx.msk [tilespmem:v7+s18+$0x0], $0xffff;
	_ =	sdelay $0x3  }
0x1a2: {  	vm8 =	vgt.f32 v6, v16  }
0x1a3: {  	v5 =	vshll.u32 v5, $0x1;
	v6 =	vsel vm8, $0x1, v3;
	vm9 =	vgt.f32 v7, v17  }
0x1a4: {  	v4 =	vshll.u32 v4, $0x1;
	v5 =	vor.u32 v5, v6;
	v18 =	vsel vm9, $0x1, v3  }
0x1a5: {  	v5 =	vadd.s32 $0x1, v5;
	v4 =	vor.u32 v4, v18  }
0x1a6: {  	v4 =	vadd.s32 $0x1, v4;
	_ =	sdelay $0x3  }
0x1a7: {  	v19 =	vld.idx.msk [tilespmem:v5+s4+$0x0], $0xffff  }
0x1a8: {  	v20 =	vld.idx.msk [tilespmem:v4+s4+$0x0], $0xffff;
	_ =	sdelay $0x3  }
0x1a9: {  	v21 =	vshll.u32 v19, $0x3  }
0x1aa: {  	v6 =	vand.u32 $0x7F, v19;
	v8 =	vand.u32 $0xFFFFFC00, v21;
	v22 =	vshll.u32 v20, $0x3  }
0x1ab: {  	v7 =	vand.u32 $0x7F, v20;
	v6 =	vor.u32 v6, v8;
	v8 =	vand.u32 $0xFFFFFC00, v22  }
0x1ac: {  	v6 =	vadd.s32 v0, v6;
	v7 =	vor.u32 v7, v8  }
0x1ad: {  	v7 =	vadd.s32 v2, v7;
	_ =	sdelay $0x1  }
0x1ae: {  	v23 =	vld.idx.msk [tilespmem:v5+s22+$0x0], $0xffff  }
0x1af: {  	v24 =	vld.idx.msk [tilespmem:v4+s22+$0x0], $0xffff  }
0x1b0: {  	v6 =	vld.idx.msk [tilespmem:v6+s18+$0x0], $0xffff  }
0x1b1: {  	v7 =	vld.idx.msk [tilespmem:v7+s18+$0x0], $0xffff;
	_ =	sdelay $0x3  }
0x1b2: {  	vm10 =	vgt.f32 v6, v23  }
0x1b3: {  	v5 =	vshll.u32 v5, $0x1;
	v6 =	vsel vm10, $0x1, v3;
	vm11 =	vgt.f32 v7, v24  }
0x1b4: {  	v4 =	vshll.u32 v4, $0x1;
	v5 =	vor.u32 v5, v6;
	v25 =	vsel vm11, $0x1, v3  }
0x1b5: {  	v5 =	vadd.s32 $0x1, v5;
	v4 =	vor.u32 v4, v25  }
0x1b6: {  	v4 =	vadd.s32 $0x1, v4;
	_ =	sdelay $0x3  }
0x1b7: {  	v26 =	vld.idx.msk [tilespmem:v5+s4+$0x0], $0xffff  }
0x1b8: {  	v27 =	vld.idx.msk [tilespmem:v4+s4+$0x0], $0xffff;
	_ =	sdelay $0x3  }
0x1b9: {  	v28 =	vshll.u32 v26, $0x3  }
0x1ba: {  	v6 =	vand.u32 $0x7F, v26;
	v8 =	vand.u32 $0xFFFFFC00, v28;
	v29 =	vshll.u32 v27, $0x3  }
0x1bb: {  	v7 =	vand.u32 $0x7F, v27;
	v6 =	vor.u32 v6, v8;
	v8 =	vand.u32 $0xFFFFFC00, v29  }
0x1bc: {  	v6 =	vadd.s32 v0, v6;
	v7 =	vor.u32 v7, v8  }
0x1bd: {  	v7 =	vadd.s32 v2, v7;
	_ =	sdelay $0x1  }
0x1be: {  	v30 =	vld.idx.msk [tilespmem:v5+s22+$0x0], $0xffff  }
0x1bf: {  	v31 =	vld.idx.msk [tilespmem:v4+s22+$0x0], $0xffff  }
0x1c0: {  	v6 =	vld.idx.msk [tilespmem:v6+s18+$0x0], $0xffff  }
0x1c1: {  	v7 =	vld.idx.msk [tilespmem:v7+s18+$0x0], $0xffff;
	_ =	sdelay $0x3  }
0x1c2: {  	vm12 =	vgt.f32 v6, v30  }
0x1c3: {  	v5 =	vshll.u32 v5, $0x1;
	v6 =	vsel vm12, $0x1, v3;
	vm13 =	vgt.f32 v7, v31  }
0x1c4: {  	v4 =	vshll.u32 v4, $0x1;
	v5 =	vor.u32 v5, v6;
	v32 =	vsel vm13, $0x1, v3  }
0x1c5: {  	v5 =	vadd.s32 $0x1, v5;
	v4 =	vor.u32 v4, v32  }
0x1c6: {  	v4 =	vadd.s32 $0x1, v4;
	_ =	sdelay $0x3  }
0x1c7: {  	v33 =	vld.idx.msk [tilespmem:v5+s4+$0x0], $0xffff  }
0x1c8: {  	v34 =	vld.idx.msk [tilespmem:v4+s4+$0x0], $0xffff;
	_ =	sdelay $0x3  }
0x1c9: {  	v35 =	vshll.u32 v33, $0x3  }
0x1ca: {  	v6 =	vand.u32 $0x7F, v33;
	v8 =	vand.u32 $0xFFFFFC00, v35;
	v36 =	vshll.u32 v34, $0x3  }
0x1cb: {  	v7 =	vand.u32 $0x7F, v34;
	v6 =	vor.u32 v6, v8;
	v8 =	vand.u32 $0xFFFFFC00, v36  }
0x1cc: {  	v6 =	vadd.s32 v0, v6;
	v7 =	vor.u32 v7, v8  }
0x1cd: {  	v7 =	vadd.s32 v2, v7;
	_ =	sdelay $0x1  }
0x1ce: {  	v37 =	vld.idx.msk [tilespmem:v5+s22+$0x0], $0xffff  }
0x1cf: {  	v38 =	vld.idx.msk [tilespmem:v4+s22+$0x0], $0xffff  }
0x1d0: {  	v6 =	vld.idx.msk [tilespmem:v6+s18+$0x0], $0xffff  }
0x1d1: {  	v7 =	vld.idx.msk [tilespmem:v7+s18+$0x0], $0xffff;
	_ =	sdelay $0x1  }
0x1d2: {  	s25 =	simm.s32 @!p0 $0x12000;
	s15 =	sadd.s32 @!p0 $0xFFFFF800, s6  }
0x1d3: {  	[tilespmem:s25], [sflag:$0x3] =	stream.linear.gather @!p0 [hbm4b:s15+s20], $0x4000, $0x38;
	[tilespmem:$0x1E200] =	vst v63  }
0x1d4: {  	s15 =	simm.s32 @!p1 $0xB;
	vm14 =	vgt.f32 v6, v37  }
0x1d5: {  	v5 =	vshll.u32 v5, $0x1;
	_ =	swait.ge @!p1 [sflag:s15], $0x1000;
	v6 =	vsel vm14, $0x1, v3;
	vm15 =	vgt.f32 v7, v38  }
0x1d6: {  	v4 =	vshll.u32 v4, $0x1;
	[sflag:s15] =	ssyncset.done @!p1 $0x0;
	v7 =	vsel vm15, $0x1, v3;
	v5 =	vadd.s32 v6, v5  }
0x1d7: {  	[sflag:s15] =	ssyncadd.s32 @!p1 $0xFFFFF000;
	v5 =	vadd.s32 $0xFFFFF002, v5;
	v4 =	vadd.s32 v7, v4  }
0x1d8: {  	[tilespmem:$0x1A100] =	vst v5;
	v4 =	vadd.s32 $0xFFFFF002, v4  }
0x1d9: {  	[tilespmem:$0x1A110] =	vst v4  }
0x1da: {  	[tilespmem:s1], [sflag:$0x7] =	stream.indirect.gather [spmem:s3], $0x80, s2, s24, $0xb8;
	[tilespmem:$0x1E200] =	vst v63  }
0x1db: {  	_ =	swait.ge [sflag:s5], $0x1000  }
0x1dc: {  	[sflag:s5] =	ssyncset.done $0x0  }
0x1dd: {  	s25 =	sadd.s32 $0x200, s21;
	[sflag:s5] =	ssyncadd.s32 $0xFFFFF000  }
0x1de: {  	[hbm4b:s25+s4] =	stream.linear.scatter [tilespmem:s30], [sflag:$0xA], $0x1000, $0x38;
	[tilespmem:$0x1E200] =	vst v63  }
0x1df: {  	_ =	swait.ge [sflag:s7], $0x4000  }
0x1e0: {  	[sflag:s7] =	ssyncset.done $0x0  }
0x1e1: {  	[sflag:s7] =	ssyncadd.s32 $0xFFFFC000  }
0x1e2: {  	v4 =	vld.msk [tilespmem:s4+$0x0], $0xffff;
	_ =	sdelay $0x4  }
0x1e3: {  	v5 =	vshll.u32 v4, $0x3  }
0x1e4: {  	v4 =	vand.u32 $0x7F, v4;
	v5 =	vand.u32 $0xFFFFFC00, v5  }
0x1e5: {  	v4 =	vor.u32 v4, v5  }
0x1e6: {  	v5 =	vadd.s32 v0, v4  }
0x1e7: {  	v4 =	vadd.s32 v2, v4;
	_ =	sdelay $0x2  }
0x1e8: {  	v39 =	vld.msk [tilespmem:s22+$0x0], $0xffff  }
0x1e9: {  	v5 =	vld.idx.msk [tilespmem:v5+s19+$0x0], $0xffff  }
0x1ea: {  	v4 =	vld.idx.msk [tilespmem:v4+s19+$0x0], $0xffff;
	_ =	sdelay $0x3  }
0x1eb: {  	vm4 =	vgt.f32 v5, v39  }
0x1ec: {  	vm5 =	vgt.f32 v4, v39;
	v5 =	vsel vm4, $0x2, v1  }
0x1ed: {  	v4 =	vsel vm5, $0x2, v1;
	_ =	sdelay $0x3  }
0x1ee: {  	v40 =	vld.idx.msk [tilespmem:v5+s4+$0x0], $0xffff  }
0x1ef: {  	v41 =	vld.idx.msk [tilespmem:v4+s4+$0x0], $0xffff;
	_ =	sdelay $0x3  }
0x1f0: {  	v42 =	vshll.u32 v40, $0x3  }
0x1f1: {  	v6 =	vand.u32 $0x7F, v40;
	v43 =	vshll.u32 v41, $0x3;
	v8 =	vand.u32 $0xFFFFFC00, v42  }
0x1f2: {  	v7 =	vand.u32 $0x7F, v41;
	v6 =	vor.u32 v6, v8;
	v8 =	vand.u32 $0xFFFFFC00, v43  }
0x1f3: {  	v6 =	vadd.s32 v0, v6;
	v7 =	vor.u32 v7, v8  }
0x1f4: {  	v7 =	vadd.s32 v2, v7;
	_ =	sdelay $0x1  }
0x1f5: {  	v44 =	vld.idx.msk [tilespmem:v5+s22+$0x0], $0xffff  }
0x1f6: {  	v45 =	vld.idx.msk [tilespmem:v4+s22+$0x0], $0xffff  }
0x1f7: {  	v6 =	vld.idx.msk [tilespmem:v6+s19+$0x0], $0xffff  }
0x1f8: {  	v7 =	vld.idx.msk [tilespmem:v7+s19+$0x0], $0xffff;
	_ =	sdelay $0x3  }
0x1f9: {  	vm6 =	vgt.f32 v6, v44  }
0x1fa: {  	v5 =	vshll.u32 v5, $0x1;
	v6 =	vsel vm6, $0x1, v3;
	vm7 =	vgt.f32 v7, v45  }
0x1fb: {  	v4 =	vshll.u32 v4, $0x1;
	v5 =	vor.u32 v5, v6;
	v46 =	vsel vm7, $0x1, v3  }
0x1fc: {  	v5 =	vadd.s32 $0x1, v5;
	v4 =	vor.u32 v4, v46  }
0x1fd: {  	v4 =	vadd.s32 $0x1, v4;
	_ =	sdelay $0x3  }
0x1fe: {  	v47 =	vld.idx.msk [tilespmem:v5+s4+$0x0], $0xffff  }
0x1ff: {  	v48 =	vld.idx.msk [tilespmem:v4+s4+$0x0], $0xffff;
	_ =	sdelay $0x3  }
0x200: {  	v49 =	vshll.u32 v47, $0x3  }
0x201: {  	v6 =	vand.u32 $0x7F, v47;
	v8 =	vand.u32 $0xFFFFFC00, v49;
	v50 =	vshll.u32 v48, $0x3  }
0x202: {  	v7 =	vand.u32 $0x7F, v48;
	v6 =	vor.u32 v6, v8;
	v8 =	vand.u32 $0xFFFFFC00, v50  }
0x203: {  	v6 =	vadd.s32 v0, v6;
	v7 =	vor.u32 v7, v8  }
0x204: {  	v7 =	vadd.s32 v2, v7;
	_ =	sdelay $0x1  }
0x205: {  	v51 =	vld.idx.msk [tilespmem:v5+s22+$0x0], $0xffff  }
0x206: {  	v52 =	vld.idx.msk [tilespmem:v4+s22+$0x0], $0xffff  }
0x207: {  	v6 =	vld.idx.msk [tilespmem:v6+s19+$0x0], $0xffff  }
0x208: {  	v7 =	vld.idx.msk [tilespmem:v7+s19+$0x0], $0xffff;
	_ =	sdelay $0x3  }
0x209: {  	vm8 =	vgt.f32 v6, v51  }
0x20a: {  	v5 =	vshll.u32 v5, $0x1;
	v6 =	vsel vm8, $0x1, v3;
	vm9 =	vgt.f32 v7, v52  }
0x20b: {  	v4 =	vshll.u32 v4, $0x1;
	v5 =	vor.u32 v5, v6;
	v53 =	vsel vm9, $0x1, v3  }
0x20c: {  	v5 =	vadd.s32 $0x1, v5;
	v4 =	vor.u32 v4, v53  }
0x20d: {  	v4 =	vadd.s32 $0x1, v4;
	_ =	sdelay $0x3  }
0x20e: {  	v54 =	vld.idx.msk [tilespmem:v5+s4+$0x0], $0xffff  }
0x20f: {  	v55 =	vld.idx.msk [tilespmem:v4+s4+$0x0], $0xffff;
	_ =	sdelay $0x3  }
0x210: {  	v56 =	vshll.u32 v54, $0x3  }
0x211: {  	v6 =	vand.u32 $0x7F, v54;
	v8 =	vand.u32 $0xFFFFFC00, v56;
	v57 =	vshll.u32 v55, $0x3  }
0x212: {  	v7 =	vand.u32 $0x7F, v55;
	v6 =	vor.u32 v6, v8;
	v8 =	vand.u32 $0xFFFFFC00, v57  }
0x213: {  	v6 =	vadd.s32 v0, v6;
	v7 =	vor.u32 v7, v8  }
0x214: {  	v7 =	vadd.s32 v2, v7;
	_ =	sdelay $0x1  }
0x215: {  	v58 =	vld.idx.msk [tilespmem:v5+s22+$0x0], $0xffff  }
0x216: {  	v59 =	vld.idx.msk [tilespmem:v4+s22+$0x0], $0xffff  }
0x217: {  	v6 =	vld.idx.msk [tilespmem:v6+s19+$0x0], $0xffff  }
0x218: {  	v7 =	vld.idx.msk [tilespmem:v7+s19+$0x0], $0xffff;
	_ =	sdelay $0x3  }
0x219: {  	vm10 =	vgt.f32 v6, v58  }
0x21a: {  	v5 =	vshll.u32 v5, $0x1;
	v6 =	vsel vm10, $0x1, v3;
	vm11 =	vgt.f32 v7, v59  }
0x21b: {  	v4 =	vshll.u32 v4, $0x1;
	v5 =	vor.u32 v5, v6;
	v60 =	vsel vm11, $0x1, v3  }
0x21c: {  	v5 =	vadd.s32 $0x1, v5;
	v4 =	vor.u32 v4, v60  }
0x21d: {  	v4 =	vadd.s32 $0x1, v4;
	_ =	sdelay $0x3  }
0x21e: {  	v61 =	vld.idx.msk [tilespmem:v5+s4+$0x0], $0xffff  }
0x21f: {  	v62 =	vld.idx.msk [tilespmem:v4+s4+$0x0], $0xffff;
	_ =	sdelay $0x3  }
0x220: {  	v63 =	vshll.u32 v61, $0x3  }
0x221: {  	v6 =	vand.u32 $0x7F, v61;
	v8 =	vand.u32 $0xFFFFFC00, v63;
	v12 =	vshll.u32 v62, $0x3  }
0x222: {  	v7 =	vand.u32 $0x7F, v62;
	v6 =	vor.u32 v6, v8;
	v8 =	vand.u32 $0xFFFFFC00, v12  }
0x223: {  	v6 =	vadd.s32 v0, v6;
	v7 =	vor.u32 v7, v8  }
0x224: {  	v7 =	vadd.s32 v2, v7;
	_ =	sdelay $0x1  }
0x225: {  	v13 =	vld.idx.msk [tilespmem:v5+s22+$0x0], $0xffff  }
0x226: {  	v14 =	vld.idx.msk [tilespmem:v4+s22+$0x0], $0xffff  }
0x227: {  	v6 =	vld.idx.msk [tilespmem:v6+s19+$0x0], $0xffff  }
0x228: {  	v7 =	vld.idx.msk [tilespmem:v7+s19+$0x0], $0xffff;
	_ =	sdelay $0x3  }
0x229: {  	vm12 =	vgt.f32 v6, v13  }
0x22a: {  	v5 =	vshll.u32 v5, $0x1;
	v6 =	vsel vm12, $0x1, v3;
	vm13 =	vgt.f32 v7, v14  }
0x22b: {  	v4 =	vshll.u32 v4, $0x1;
	v5 =	vor.u32 v5, v6;
	v15 =	vsel vm13, $0x1, v3  }
0x22c: {  	v5 =	vadd.s32 $0x1, v5;
	v4 =	vor.u32 v4, v15  }
0x22d: {  	v4 =	vadd.s32 $0x1, v4;
	_ =	sdelay $0x3  }
0x22e: {  	v16 =	vld.idx.msk [tilespmem:v5+s4+$0x0], $0xffff  }
0x22f: {  	v17 =	vld.idx.msk [tilespmem:v4+s4+$0x0], $0xffff;
	_ =	sdelay $0x3  }
0x230: {  	v18 =	vshll.u32 v16, $0x3  }
0x231: {  	v6 =	vand.u32 $0x7F, v16;
	v8 =	vand.u32 $0xFFFFFC00, v18;
	v19 =	vshll.u32 v17, $0x3  }
0x232: {  	v7 =	vand.u32 $0x7F, v17;
	v6 =	vor.u32 v6, v8;
	v8 =	vand.u32 $0xFFFFFC00, v19  }
0x233: {  	v6 =	vadd.s32 v0, v6;
	v7 =	vor.u32 v7, v8  }
0x234: {  	v7 =	vadd.s32 v2, v7;
	_ =	sdelay $0x1  }
0x235: {  	v20 =	vld.idx.msk [tilespmem:v5+s22+$0x0], $0xffff  }
0x236: {  	v21 =	vld.idx.msk [tilespmem:v4+s22+$0x0], $0xffff  }
0x237: {  	v6 =	vld.idx.msk [tilespmem:v6+s19+$0x0], $0xffff  }
0x238: {  	v7 =	vld.idx.msk [tilespmem:v7+s19+$0x0], $0xffff;
	_ =	sdelay $0x3  }
0x239: {  	vm14 =	vgt.f32 v6, v20  }
0x23a: {  	v5 =	vshll.u32 v5, $0x1;
	v6 =	vsel vm14, $0x1, v3;
	vm15 =	vgt.f32 v7, v21  }
0x23b: {  	v4 =	vshll.u32 v4, $0x1;
	v5 =	vor.u32 v5, v6;
	v22 =	vsel vm15, $0x1, v3  }
0x23c: {  	v5 =	vadd.s32 $0x1, v5;
	v4 =	vor.u32 v4, v22  }
0x23d: {  	v4 =	vadd.s32 $0x1, v4;
	_ =	sdelay $0x3  }
0x23e: {  	v23 =	vld.idx.msk [tilespmem:v5+s4+$0x0], $0xffff  }
0x23f: {  	v24 =	vld.idx.msk [tilespmem:v4+s4+$0x0], $0xffff;
	_ =	sdelay $0x3  }
0x240: {  	v25 =	vshll.u32 v23, $0x3  }
0x241: {  	v6 =	vand.u32 $0x7F, v23;
	v8 =	vand.u32 $0xFFFFFC00, v25;
	v26 =	vshll.u32 v24, $0x3  }
0x242: {  	v7 =	vand.u32 $0x7F, v24;
	v6 =	vor.u32 v6, v8;
	v8 =	vand.u32 $0xFFFFFC00, v26  }
0x243: {  	v6 =	vadd.s32 v0, v6;
	v7 =	vor.u32 v7, v8  }
0x244: {  	v7 =	vadd.s32 v2, v7;
	_ =	sdelay $0x1  }
0x245: {  	v27 =	vld.idx.msk [tilespmem:v5+s22+$0x0], $0xffff  }
0x246: {  	v28 =	vld.idx.msk [tilespmem:v4+s22+$0x0], $0xffff  }
0x247: {  	v6 =	vld.idx.msk [tilespmem:v6+s19+$0x0], $0xffff  }
0x248: {  	v7 =	vld.idx.msk [tilespmem:v7+s19+$0x0], $0xffff;
	_ =	sdelay $0x3  }
0x249: {  	vm4 =	vgt.f32 v6, v27  }
0x24a: {  	v5 =	vshll.u32 v5, $0x1;
	v6 =	vsel vm4, $0x1, v3;
	vm5 =	vgt.f32 v7, v28  }
0x24b: {  	v4 =	vshll.u32 v4, $0x1;
	v5 =	vor.u32 v5, v6;
	v29 =	vsel vm5, $0x1, v3  }
0x24c: {  	v5 =	vadd.s32 $0x1, v5;
	v4 =	vor.u32 v4, v29  }
0x24d: {  	v4 =	vadd.s32 $0x1, v4;
	_ =	sdelay $0x3  }
0x24e: {  	v30 =	vld.idx.msk [tilespmem:v5+s4+$0x0], $0xffff  }
0x24f: {  	v31 =	vld.idx.msk [tilespmem:v4+s4+$0x0], $0xffff;
	_ =	sdelay $0x3  }
0x250: {  	v32 =	vshll.u32 v30, $0x3  }
0x251: {  	v6 =	vand.u32 $0x7F, v30;
	v8 =	vand.u32 $0xFFFFFC00, v32;
	v33 =	vshll.u32 v31, $0x3  }
0x252: {  	v7 =	vand.u32 $0x7F, v31;
	v6 =	vor.u32 v6, v8;
	v8 =	vand.u32 $0xFFFFFC00, v33  }
0x253: {  	v6 =	vadd.s32 v0, v6;
	v7 =	vor.u32 v7, v8  }
0x254: {  	v7 =	vadd.s32 v2, v7;
	_ =	sdelay $0x1  }
0x255: {  	v34 =	vld.idx.msk [tilespmem:v5+s22+$0x0], $0xffff  }
0x256: {  	v35 =	vld.idx.msk [tilespmem:v4+s22+$0x0], $0xffff  }
0x257: {  	v6 =	vld.idx.msk [tilespmem:v6+s19+$0x0], $0xffff  }
0x258: {  	v7 =	vld.idx.msk [tilespmem:v7+s19+$0x0], $0xffff;
	_ =	sdelay $0x3  }
0x259: {  	vm6 =	vgt.f32 v6, v34  }
0x25a: {  	v5 =	vshll.u32 v5, $0x1;
	v6 =	vsel vm6, $0x1, v3;
	vm7 =	vgt.f32 v7, v35  }
0x25b: {  	v4 =	vshll.u32 v4, $0x1;
	v5 =	vor.u32 v5, v6;
	v36 =	vsel vm7, $0x1, v3  }
0x25c: {  	v5 =	vadd.s32 $0x1, v5;
	v4 =	vor.u32 v4, v36  }
0x25d: {  	v4 =	vadd.s32 $0x1, v4;
	_ =	sdelay $0x3  }
0x25e: {  	v37 =	vld.idx.msk [tilespmem:v5+s4+$0x0], $0xffff  }
0x25f: {  	v38 =	vld.idx.msk [tilespmem:v4+s4+$0x0], $0xffff;
	_ =	sdelay $0x3  }
0x260: {  	v39 =	vshll.u32 v37, $0x3  }
0x261: {  	v6 =	vand.u32 $0x7F, v37;
	v8 =	vand.u32 $0xFFFFFC00, v39;
	v40 =	vshll.u32 v38, $0x3  }
0x262: {  	v7 =	vand.u32 $0x7F, v38;
	v6 =	vor.u32 v6, v8;
	v8 =	vand.u32 $0xFFFFFC00, v40  }
0x263: {  	v6 =	vadd.s32 v0, v6;
	v7 =	vor.u32 v7, v8  }
0x264: {  	v7 =	vadd.s32 v2, v7;
	_ =	sdelay $0x1  }
0x265: {  	v41 =	vld.idx.msk [tilespmem:v5+s22+$0x0], $0xffff  }
0x266: {  	v42 =	vld.idx.msk [tilespmem:v4+s22+$0x0], $0xffff  }
0x267: {  	v6 =	vld.idx.msk [tilespmem:v6+s19+$0x0], $0xffff  }
0x268: {  	v7 =	vld.idx.msk [tilespmem:v7+s19+$0x0], $0xffff;
	_ =	sdelay $0x3  }
0x269: {  	vm8 =	vgt.f32 v6, v41  }
0x26a: {  	v5 =	vshll.u32 v5, $0x1;
	v6 =	vsel vm8, $0x1, v3;
	vm9 =	vgt.f32 v7, v42  }
0x26b: {  	v4 =	vshll.u32 v4, $0x1;
	v5 =	vor.u32 v5, v6;
	v43 =	vsel vm9, $0x1, v3  }
0x26c: {  	v5 =	vadd.s32 $0x1, v5;
	v4 =	vor.u32 v4, v43  }
0x26d: {  	v4 =	vadd.s32 $0x1, v4;
	_ =	sdelay $0x3  }
0x26e: {  	v44 =	vld.idx.msk [tilespmem:v5+s4+$0x0], $0xffff  }
0x26f: {  	v45 =	vld.idx.msk [tilespmem:v4+s4+$0x0], $0xffff;
	_ =	sdelay $0x3  }
0x270: {  	v46 =	vshll.u32 v44, $0x3  }
0x271: {  	v6 =	vand.u32 $0x7F, v44;
	v8 =	vand.u32 $0xFFFFFC00, v46;
	v47 =	vshll.u32 v45, $0x3  }
0x272: {  	v7 =	vand.u32 $0x7F, v45;
	v6 =	vor.u32 v6, v8;
	v8 =	vand.u32 $0xFFFFFC00, v47  }
0x273: {  	v6 =	vadd.s32 v0, v6;
	v7 =	vor.u32 v7, v8  }
0x274: {  	v7 =	vadd.s32 v2, v7;
	_ =	sdelay $0x1  }
0x275: {  	v48 =	vld.idx.msk [tilespmem:v5+s22+$0x0], $0xffff  }
0x276: {  	v49 =	vld.idx.msk [tilespmem:v4+s22+$0x0], $0xffff  }
0x277: {  	v6 =	vld.idx.msk [tilespmem:v6+s19+$0x0], $0xffff  }
0x278: {  	v7 =	vld.idx.msk [tilespmem:v7+s19+$0x0], $0xffff;
	_ =	sdelay $0x3  }
0x279: {  	vm10 =	vgt.f32 v6, v48  }
0x27a: {  	v5 =	vshll.u32 v5, $0x1;
	v6 =	vsel vm10, $0x1, v3;
	vm11 =	vgt.f32 v7, v49  }
0x27b: {  	v4 =	vshll.u32 v4, $0x1;
	v5 =	vor.u32 v5, v6;
	v50 =	vsel vm11, $0x1, v3  }
0x27c: {  	v5 =	vadd.s32 $0x1, v5;
	v4 =	vor.u32 v4, v50  }
0x27d: {  	v4 =	vadd.s32 $0x1, v4;
	_ =	sdelay $0x3  }
0x27e: {  	v51 =	vld.idx.msk [tilespmem:v5+s4+$0x0], $0xffff  }
0x27f: {  	v52 =	vld.idx.msk [tilespmem:v4+s4+$0x0], $0xffff;
	_ =	sdelay $0x3  }
0x280: {  	v53 =	vshll.u32 v51, $0x3  }
0x281: {  	v6 =	vand.u32 $0x7F, v51;
	v8 =	vand.u32 $0xFFFFFC00, v53;
	v54 =	vshll.u32 v52, $0x3  }
0x282: {  	v7 =	vand.u32 $0x7F, v52;
	v6 =	vor.u32 v6, v8;
	v8 =	vand.u32 $0xFFFFFC00, v54  }
0x283: {  	v6 =	vadd.s32 v0, v6;
	v7 =	vor.u32 v7, v8  }
0x284: {  	v7 =	vadd.s32 v2, v7;
	_ =	sdelay $0x1  }
0x285: {  	v55 =	vld.idx.msk [tilespmem:v5+s22+$0x0], $0xffff  }
0x286: {  	v56 =	vld.idx.msk [tilespmem:v4+s22+$0x0], $0xffff  }
0x287: {  	v6 =	vld.idx.msk [tilespmem:v6+s19+$0x0], $0xffff  }
0x288: {  	v7 =	vld.idx.msk [tilespmem:v7+s19+$0x0], $0xffff;
	_ =	sdelay $0x3  }
0x289: {  	vm12 =	vgt.f32 v6, v55  }
0x28a: {  	v5 =	vshll.u32 v5, $0x1;
	v6 =	vsel vm12, $0x1, v3;
	vm13 =	vgt.f32 v7, v56  }
0x28b: {  	v4 =	vshll.u32 v4, $0x1;
	v5 =	vor.u32 v5, v6;
	v57 =	vsel vm13, $0x1, v3  }
0x28c: {  	v5 =	vadd.s32 $0x1, v5;
	v4 =	vor.u32 v4, v57  }
0x28d: {  	v4 =	vadd.s32 $0x1, v4;
	_ =	sdelay $0x3  }
0x28e: {  	v58 =	vld.idx.msk [tilespmem:v5+s4+$0x0], $0xffff  }
0x28f: {  	v59 =	vld.idx.msk [tilespmem:v4+s4+$0x0], $0xffff;
	_ =	sdelay $0x3  }
0x290: {  	v60 =	vshll.u32 v58, $0x3  }
0x291: {  	v6 =	vand.u32 $0x7F, v58;
	v8 =	vand.u32 $0xFFFFFC00, v60;
	v61 =	vshll.u32 v59, $0x3  }
0x292: {  	v7 =	vand.u32 $0x7F, v59;
	v6 =	vor.u32 v6, v8;
	v8 =	vand.u32 $0xFFFFFC00, v61  }
0x293: {  	v6 =	vadd.s32 v0, v6;
	v7 =	vor.u32 v7, v8  }
0x294: {  	v7 =	vadd.s32 v2, v7;
	_ =	sdelay $0x1  }
0x295: {  	v62 =	vld.idx.msk [tilespmem:v5+s22+$0x0], $0xffff  }
0x296: {  	v63 =	vld.idx.msk [tilespmem:v4+s22+$0x0], $0xffff  }
0x297: {  	v6 =	vld.idx.msk [tilespmem:v6+s19+$0x0], $0xffff  }
0x298: {  	v7 =	vld.idx.msk [tilespmem:v7+s19+$0x0], $0xffff;
	_ =	sdelay $0x1  }
0x299: {  	s15 =	simm.s32 @!p0 $0x16000  }
0x29a: {  	[tilespmem:s15], [sflag:$0x4] =	stream.linear.gather @!p0 [hbm4b:s6+s20], $0x4000, $0x38;
	[tilespmem:$0x1E200] =	vst v63  }
0x29b: {  	s15 =	simm.s32 @!p1 $0xC;
	vm14 =	vgt.f32 v6, v62  }
0x29c: {  	v5 =	vshll.u32 v5, $0x1;
	_ =	swait.ge @!p1 [sflag:s15], $0x1000;
	v6 =	vsel vm14, $0x1, v3;
	vm15 =	vgt.f32 v7, v63  }
0x29d: {  	v4 =	vshll.u32 v4, $0x1;
	[sflag:s15] =	ssyncset.done @!p1 $0x0;
	v7 =	vsel vm15, $0x1, v3;
	v5 =	vadd.s32 v6, v5  }
0x29e: {  	[sflag:s15] =	ssyncadd.s32 @!p1 $0xFFFFF000;
	v5 =	vadd.s32 $0xFFFFF002, v5;
	v4 =	vadd.s32 v7, v4  }
0x29f: {  	s13 =	sadd.s32 $0x800, s13;
	[tilespmem:$0x1A180] =	vst v5;
	v4 =	vadd.s32 $0xFFFFF002, v4  }
0x2a0: {  	p0 =	sne.s32 s13, $0x2000;
	[tilespmem:$0x1A190] =	vst v4  }
0x2a1: {  	[tilespmem:s9], [sflag:$0x8] =	stream.indirect.gather [spmem:s3], $0x80, s8, s24, $0xb8;
	[tilespmem:$0x1E200] =	vst v63  }
.Ltmp3:
0x2a2: {  	_ = 	snop;
	(pc) =	sbr.rel @!p0 .LBB2_6-.Ltmp3, $4  }
0x2a3: {  	_ =	swait.ge [sflag:s10], $0x1000  }
0x2a4: {  	[sflag:s10] =	ssyncset.done $0x0  }
0x2a5: {  	s25 =	sadd.s32 $0x400, s21;
	s6 =	sadd.s32 $0x2000, s6;
	[sflag:s10] =	ssyncadd.s32 $0xFFFFF000  }
0x2a6: {  	[hbm4b:s25+s4] =	stream.linear.scatter [tilespmem:s1], [sflag:$0xB], $0x1000, $0x38;
	[tilespmem:$0x1E200] =	vst v63  }
.LBB2_2:
0x2a7: {  	_ =	swait.ge [sflag:s23], $0x4000  }
0x2a8: {  	[sflag:s23] =	ssyncset.done $0x0  }
0x2a9: {  	[sflag:s23] =	ssyncadd.s32 $0xFFFFC000  }
0x2aa: {  	v4 =	vld.msk [tilespmem:s4+$0x0], $0xffff;
	_ =	sdelay $0x4  }
0x2ab: {  	v5 =	vshll.u32 v4, $0x3  }
0x2ac: {  	v4 =	vand.u32 $0x7F, v4;
	v5 =	vand.u32 $0xFFFFFC00, v5  }
0x2ad: {  	v4 =	vor.u32 v4, v5  }
0x2ae: {  	v5 =	vadd.s32 v0, v4  }
0x2af: {  	v4 =	vadd.s32 v2, v4;
	_ =	sdelay $0x2  }
0x2b0: {  	v6 =	vld.msk [tilespmem:s22+$0x0], $0xffff  }
0x2b1: {  	v5 =	vld.idx.msk [tilespmem:v5+s16+$0x0], $0xffff  }
0x2b2: {  	v4 =	vld.idx.msk [tilespmem:v4+s16+$0x0], $0xffff;
	_ =	sdelay $0x3  }
0x2b3: {  	vm0 =	vgt.f32 v5, v6  }
0x2b4: {  	vm5 =	vgt.f32 v4, v6;
	v5 =	vsel vm0, $0x2, v1  }
0x2b5: {  	v4 =	vsel vm5, $0x2, v1;
	_ =	sdelay $0x3  }
0x2b6: {  	v6 =	vld.idx.msk [tilespmem:v5+s4+$0x0], $0xffff  }
0x2b7: {  	v7 =	vld.idx.msk [tilespmem:v4+s4+$0x0], $0xffff;
	_ =	sdelay $0x3  }
0x2b8: {  	v8 =	vshll.u32 v6, $0x3  }
0x2b9: {  	v6 =	vand.u32 $0x7F, v6;
	v22 =	vshll.u32 v7, $0x3;
	v8 =	vand.u32 $0xFFFFFC00, v8  }
0x2ba: {  	v7 =	vand.u32 $0x7F, v7;
	v6 =	vor.u32 v6, v8;
	v8 =	vand.u32 $0xFFFFFC00, v22  }
0x2bb: {  	v6 =	vadd.s32 v0, v6;
	v7 =	vor.u32 v7, v8  }
0x2bc: {  	v7 =	vadd.s32 v2, v7;
	_ =	sdelay $0x1  }
0x2bd: {  	v23 =	vld.idx.msk [tilespmem:v5+s22+$0x0], $0xffff  }
0x2be: {  	v9 =	vld.idx.msk [tilespmem:v4+s22+$0x0], $0xffff  }
0x2bf: {  	v6 =	vld.idx.msk [tilespmem:v6+s16+$0x0], $0xffff  }
0x2c0: {  	v7 =	vld.idx.msk [tilespmem:v7+s16+$0x0], $0xffff;
	_ =	sdelay $0x3  }
0x2c1: {  	vm6 =	vgt.f32 v6, v23  }
0x2c2: {  	v5 =	vshll.u32 v5, $0x1;
	v6 =	vsel vm6, $0x1, v3;
	vm7 =	vgt.f32 v7, v9  }
0x2c3: {  	v4 =	vshll.u32 v4, $0x1;
	v5 =	vor.u32 v5, v6;
	v6 =	vsel vm7, $0x1, v3  }
0x2c4: {  	v5 =	vadd.s32 $0x1, v5;
	v4 =	vor.u32 v4, v6  }
0x2c5: {  	v4 =	vadd.s32 $0x1, v4;
	_ =	sdelay $0x3  }
0x2c6: {  	v6 =	vld.idx.msk [tilespmem:v5+s4+$0x0], $0xffff  }
0x2c7: {  	v7 =	vld.idx.msk [tilespmem:v4+s4+$0x0], $0xffff;
	_ =	sdelay $0x3  }
0x2c8: {  	v24 =	vshll.u32 v6, $0x3  }
0x2c9: {  	v6 =	vand.u32 $0x7F, v6;
	v8 =	vand.u32 $0xFFFFFC00, v24;
	v25 =	vshll.u32 v7, $0x3  }
0x2ca: {  	v7 =	vand.u32 $0x7F, v7;
	v6 =	vor.u32 v6, v8;
	v8 =	vand.u32 $0xFFFFFC00, v25  }
0x2cb: {  	v6 =	vadd.s32 v0, v6;
	v7 =	vor.u32 v7, v8  }
0x2cc: {  	v7 =	vadd.s32 v2, v7;
	_ =	sdelay $0x1  }
0x2cd: {  	v26 =	vld.idx.msk [tilespmem:v5+s22+$0x0], $0xffff  }
0x2ce: {  	v27 =	vld.idx.msk [tilespmem:v4+s22+$0x0], $0xffff  }
0x2cf: {  	v6 =	vld.idx.msk [tilespmem:v6+s16+$0x0], $0xffff  }
0x2d0: {  	v7 =	vld.idx.msk [tilespmem:v7+s16+$0x0], $0xffff;
	_ =	sdelay $0x3  }
0x2d1: {  	vm8 =	vgt.f32 v6, v26  }
0x2d2: {  	v5 =	vshll.u32 v5, $0x1;
	v6 =	vsel vm8, $0x1, v3;
	vm9 =	vgt.f32 v7, v27  }
0x2d3: {  	v4 =	vshll.u32 v4, $0x1;
	v5 =	vor.u32 v5, v6;
	v6 =	vsel vm9, $0x1, v3  }
0x2d4: {  	v5 =	vadd.s32 $0x1, v5;
	v4 =	vor.u32 v4, v6  }
0x2d5: {  	v4 =	vadd.s32 $0x1, v4;
	_ =	sdelay $0x3  }
0x2d6: {  	v6 =	vld.idx.msk [tilespmem:v5+s4+$0x0], $0xffff  }
0x2d7: {  	v7 =	vld.idx.msk [tilespmem:v4+s4+$0x0], $0xffff;
	_ =	sdelay $0x3  }
0x2d8: {  	v28 =	vshll.u32 v6, $0x3  }
0x2d9: {  	v6 =	vand.u32 $0x7F, v6;
	v8 =	vand.u32 $0xFFFFFC00, v28;
	v29 =	vshll.u32 v7, $0x3  }
0x2da: {  	v7 =	vand.u32 $0x7F, v7;
	v6 =	vor.u32 v6, v8;
	v8 =	vand.u32 $0xFFFFFC00, v29  }
0x2db: {  	v6 =	vadd.s32 v0, v6;
	v7 =	vor.u32 v7, v8  }
0x2dc: {  	v7 =	vadd.s32 v2, v7;
	_ =	sdelay $0x1  }
0x2dd: {  	v30 =	vld.idx.msk [tilespmem:v5+s22+$0x0], $0xffff  }
0x2de: {  	v31 =	vld.idx.msk [tilespmem:v4+s22+$0x0], $0xffff  }
0x2df: {  	v6 =	vld.idx.msk [tilespmem:v6+s16+$0x0], $0xffff  }
0x2e0: {  	v7 =	vld.idx.msk [tilespmem:v7+s16+$0x0], $0xffff;
	_ =	sdelay $0x3  }
0x2e1: {  	vm10 =	vgt.f32 v6, v30  }
0x2e2: {  	v5 =	vshll.u32 v5, $0x1;
	v6 =	vsel vm10, $0x1, v3;
	vm11 =	vgt.f32 v7, v31  }
0x2e3: {  	v4 =	vshll.u32 v4, $0x1;
	v5 =	vor.u32 v5, v6;
	v6 =	vsel vm11, $0x1, v3  }
0x2e4: {  	v5 =	vadd.s32 $0x1, v5;
	v4 =	vor.u32 v4, v6  }
0x2e5: {  	v4 =	vadd.s32 $0x1, v4;
	_ =	sdelay $0x3  }
0x2e6: {  	v6 =	vld.idx.msk [tilespmem:v5+s4+$0x0], $0xffff  }
0x2e7: {  	v7 =	vld.idx.msk [tilespmem:v4+s4+$0x0], $0xffff;
	_ =	sdelay $0x3  }
0x2e8: {  	v32 =	vshll.u32 v6, $0x3  }
0x2e9: {  	v6 =	vand.u32 $0x7F, v6;
	v8 =	vand.u32 $0xFFFFFC00, v32;
	v33 =	vshll.u32 v7, $0x3  }
0x2ea: {  	v7 =	vand.u32 $0x7F, v7;
	v6 =	vor.u32 v6, v8;
	v8 =	vand.u32 $0xFFFFFC00, v33  }
0x2eb: {  	v6 =	vadd.s32 v0, v6;
	v7 =	vor.u32 v7, v8  }
0x2ec: {  	v7 =	vadd.s32 v2, v7;
	_ =	sdelay $0x1  }
0x2ed: {  	v34 =	vld.idx.msk [tilespmem:v5+s22+$0x0], $0xffff  }
0x2ee: {  	v35 =	vld.idx.msk [tilespmem:v4+s22+$0x0], $0xffff  }
0x2ef: {  	v6 =	vld.idx.msk [tilespmem:v6+s16+$0x0], $0xffff  }
0x2f0: {  	v7 =	vld.idx.msk [tilespmem:v7+s16+$0x0], $0xffff;
	_ =	sdelay $0x3  }
0x2f1: {  	vm12 =	vgt.f32 v6, v34  }
0x2f2: {  	v5 =	vshll.u32 v5, $0x1;
	v6 =	vsel vm12, $0x1, v3;
	vm13 =	vgt.f32 v7, v35  }
0x2f3: {  	v4 =	vshll.u32 v4, $0x1;
	v5 =	vor.u32 v5, v6;
	v6 =	vsel vm13, $0x1, v3  }
0x2f4: {  	v5 =	vadd.s32 $0x1, v5;
	v4 =	vor.u32 v4, v6  }
0x2f5: {  	v4 =	vadd.s32 $0x1, v4;
	_ =	sdelay $0x3  }
0x2f6: {  	v6 =	vld.idx.msk [tilespmem:v5+s4+$0x0], $0xffff  }
0x2f7: {  	v7 =	vld.idx.msk [tilespmem:v4+s4+$0x0], $0xffff;
	_ =	sdelay $0x3  }
0x2f8: {  	v36 =	vshll.u32 v6, $0x3  }
0x2f9: {  	v6 =	vand.u32 $0x7F, v6;
	v8 =	vand.u32 $0xFFFFFC00, v36;
	v37 =	vshll.u32 v7, $0x3  }
0x2fa: {  	v7 =	vand.u32 $0x7F, v7;
	v6 =	vor.u32 v6, v8;
	v8 =	vand.u32 $0xFFFFFC00, v37  }
0x2fb: {  	v6 =	vadd.s32 v0, v6;
	v7 =	vor.u32 v7, v8  }
0x2fc: {  	v7 =	vadd.s32 v2, v7;
	_ =	sdelay $0x1  }
0x2fd: {  	v38 =	vld.idx.msk [tilespmem:v5+s22+$0x0], $0xffff  }
0x2fe: {  	v39 =	vld.idx.msk [tilespmem:v4+s22+$0x0], $0xffff  }
0x2ff: {  	v6 =	vld.idx.msk [tilespmem:v6+s16+$0x0], $0xffff  }
0x300: {  	v7 =	vld.idx.msk [tilespmem:v7+s16+$0x0], $0xffff;
	_ =	sdelay $0x3  }
0x301: {  	vm14 =	vgt.f32 v6, v38  }
0x302: {  	v5 =	vshll.u32 v5, $0x1;
	v6 =	vsel vm14, $0x1, v3;
	vm15 =	vgt.f32 v7, v39  }
0x303: {  	v4 =	vshll.u32 v4, $0x1;
	v5 =	vor.u32 v5, v6;
	v6 =	vsel vm15, $0x1, v3  }
0x304: {  	v5 =	vadd.s32 $0x1, v5;
	v4 =	vor.u32 v4, v6  }
0x305: {  	v4 =	vadd.s32 $0x1, v4;
	_ =	sdelay $0x3  }
0x306: {  	v6 =	vld.idx.msk [tilespmem:v5+s4+$0x0], $0xffff  }
0x307: {  	v7 =	vld.idx.msk [tilespmem:v4+s4+$0x0], $0xffff;
	_ =	sdelay $0x3  }
0x308: {  	v40 =	vshll.u32 v6, $0x3  }
0x309: {  	v6 =	vand.u32 $0x7F, v6;
	v8 =	vand.u32 $0xFFFFFC00, v40;
	v41 =	vshll.u32 v7, $0x3  }
0x30a: {  	v7 =	vand.u32 $0x7F, v7;
	v6 =	vor.u32 v6, v8;
	v8 =	vand.u32 $0xFFFFFC00, v41  }
0x30b: {  	v6 =	vadd.s32 v0, v6;
	v7 =	vor.u32 v7, v8  }
0x30c: {  	v7 =	vadd.s32 v2, v7;
	_ =	sdelay $0x1  }
0x30d: {  	v42 =	vld.idx.msk [tilespmem:v5+s22+$0x0], $0xffff  }
0x30e: {  	v43 =	vld.idx.msk [tilespmem:v4+s22+$0x0], $0xffff  }
0x30f: {  	v6 =	vld.idx.msk [tilespmem:v6+s16+$0x0], $0xffff  }
0x310: {  	v7 =	vld.idx.msk [tilespmem:v7+s16+$0x0], $0xffff;
	_ =	sdelay $0x3  }
0x311: {  	vm4 =	vgt.f32 v6, v42  }
0x312: {  	v5 =	vshll.u32 v5, $0x1;
	v6 =	vsel vm4, $0x1, v3;
	vm5 =	vgt.f32 v7, v43  }
0x313: {  	v4 =	vshll.u32 v4, $0x1;
	v5 =	vor.u32 v5, v6;
	v6 =	vsel vm5, $0x1, v3  }
0x314: {  	v5 =	vadd.s32 $0x1, v5;
	v4 =	vor.u32 v4, v6  }
0x315: {  	v4 =	vadd.s32 $0x1, v4;
	_ =	sdelay $0x3  }
0x316: {  	v6 =	vld.idx.msk [tilespmem:v5+s4+$0x0], $0xffff  }
0x317: {  	v7 =	vld.idx.msk [tilespmem:v4+s4+$0x0], $0xffff;
	_ =	sdelay $0x3  }
0x318: {  	v44 =	vshll.u32 v6, $0x3  }
0x319: {  	v6 =	vand.u32 $0x7F, v6;
	v8 =	vand.u32 $0xFFFFFC00, v44;
	v45 =	vshll.u32 v7, $0x3  }
0x31a: {  	v7 =	vand.u32 $0x7F, v7;
	v6 =	vor.u32 v6, v8;
	v8 =	vand.u32 $0xFFFFFC00, v45  }
0x31b: {  	v6 =	vadd.s32 v0, v6;
	v7 =	vor.u32 v7, v8  }
0x31c: {  	v7 =	vadd.s32 v2, v7;
	_ =	sdelay $0x1  }
0x31d: {  	v46 =	vld.idx.msk [tilespmem:v5+s22+$0x0], $0xffff  }
0x31e: {  	v47 =	vld.idx.msk [tilespmem:v4+s22+$0x0], $0xffff  }
0x31f: {  	v6 =	vld.idx.msk [tilespmem:v6+s16+$0x0], $0xffff  }
0x320: {  	v7 =	vld.idx.msk [tilespmem:v7+s16+$0x0], $0xffff;
	_ =	sdelay $0x3  }
0x321: {  	vm6 =	vgt.f32 v6, v46  }
0x322: {  	v5 =	vshll.u32 v5, $0x1;
	v6 =	vsel vm6, $0x1, v3;
	vm7 =	vgt.f32 v7, v47  }
0x323: {  	v4 =	vshll.u32 v4, $0x1;
	v5 =	vor.u32 v5, v6;
	v6 =	vsel vm7, $0x1, v3  }
0x324: {  	v5 =	vadd.s32 $0x1, v5;
	v4 =	vor.u32 v4, v6  }
0x325: {  	v4 =	vadd.s32 $0x1, v4;
	_ =	sdelay $0x3  }
0x326: {  	v6 =	vld.idx.msk [tilespmem:v5+s4+$0x0], $0xffff  }
0x327: {  	v7 =	vld.idx.msk [tilespmem:v4+s4+$0x0], $0xffff;
	_ =	sdelay $0x3  }
0x328: {  	v48 =	vshll.u32 v6, $0x3  }
0x329: {  	v6 =	vand.u32 $0x7F, v6;
	v8 =	vand.u32 $0xFFFFFC00, v48;
	v49 =	vshll.u32 v7, $0x3  }
0x32a: {  	v7 =	vand.u32 $0x7F, v7;
	v6 =	vor.u32 v6, v8;
	v8 =	vand.u32 $0xFFFFFC00, v49  }
0x32b: {  	v6 =	vadd.s32 v0, v6;
	v7 =	vor.u32 v7, v8  }
0x32c: {  	v7 =	vadd.s32 v2, v7;
	_ =	sdelay $0x1  }
0x32d: {  	v50 =	vld.idx.msk [tilespmem:v5+s22+$0x0], $0xffff  }
0x32e: {  	v51 =	vld.idx.msk [tilespmem:v4+s22+$0x0], $0xffff  }
0x32f: {  	v6 =	vld.idx.msk [tilespmem:v6+s16+$0x0], $0xffff  }
0x330: {  	v7 =	vld.idx.msk [tilespmem:v7+s16+$0x0], $0xffff;
	_ =	sdelay $0x3  }
0x331: {  	vm8 =	vgt.f32 v6, v50  }
0x332: {  	v5 =	vshll.u32 v5, $0x1;
	v6 =	vsel vm8, $0x1, v3;
	vm9 =	vgt.f32 v7, v51  }
0x333: {  	v4 =	vshll.u32 v4, $0x1;
	v5 =	vor.u32 v5, v6;
	v6 =	vsel vm9, $0x1, v3  }
0x334: {  	v5 =	vadd.s32 $0x1, v5;
	v4 =	vor.u32 v4, v6  }
0x335: {  	v4 =	vadd.s32 $0x1, v4;
	_ =	sdelay $0x3  }
0x336: {  	v6 =	vld.idx.msk [tilespmem:v5+s4+$0x0], $0xffff  }
0x337: {  	v7 =	vld.idx.msk [tilespmem:v4+s4+$0x0], $0xffff;
	_ =	sdelay $0x3  }
0x338: {  	v52 =	vshll.u32 v6, $0x3  }
0x339: {  	v6 =	vand.u32 $0x7F, v6;
	v8 =	vand.u32 $0xFFFFFC00, v52;
	v53 =	vshll.u32 v7, $0x3  }
0x33a: {  	v7 =	vand.u32 $0x7F, v7;
	v6 =	vor.u32 v6, v8;
	v8 =	vand.u32 $0xFFFFFC00, v53  }
0x33b: {  	v6 =	vadd.s32 v0, v6;
	v7 =	vor.u32 v7, v8  }
0x33c: {  	v7 =	vadd.s32 v2, v7;
	_ =	sdelay $0x1  }
0x33d: {  	v54 =	vld.idx.msk [tilespmem:v5+s22+$0x0], $0xffff  }
0x33e: {  	v55 =	vld.idx.msk [tilespmem:v4+s22+$0x0], $0xffff  }
0x33f: {  	v6 =	vld.idx.msk [tilespmem:v6+s16+$0x0], $0xffff  }
0x340: {  	v7 =	vld.idx.msk [tilespmem:v7+s16+$0x0], $0xffff;
	_ =	sdelay $0x3  }
0x341: {  	vm10 =	vgt.f32 v6, v54  }
0x342: {  	v5 =	vshll.u32 v5, $0x1;
	v6 =	vsel vm10, $0x1, v3;
	vm11 =	vgt.f32 v7, v55  }
0x343: {  	v4 =	vshll.u32 v4, $0x1;
	v5 =	vor.u32 v5, v6;
	v6 =	vsel vm11, $0x1, v3  }
0x344: {  	v5 =	vadd.s32 $0x1, v5;
	v4 =	vor.u32 v4, v6  }
0x345: {  	v4 =	vadd.s32 $0x1, v4;
	_ =	sdelay $0x3  }
0x346: {  	v6 =	vld.idx.msk [tilespmem:v5+s4+$0x0], $0xffff  }
0x347: {  	v7 =	vld.idx.msk [tilespmem:v4+s4+$0x0], $0xffff;
	_ =	sdelay $0x3  }
0x348: {  	v56 =	vshll.u32 v6, $0x3  }
0x349: {  	v6 =	vand.u32 $0x7F, v6;
	v8 =	vand.u32 $0xFFFFFC00, v56;
	v57 =	vshll.u32 v7, $0x3  }
0x34a: {  	v7 =	vand.u32 $0x7F, v7;
	v6 =	vor.u32 v6, v8;
	v8 =	vand.u32 $0xFFFFFC00, v57  }
0x34b: {  	v6 =	vadd.s32 v0, v6;
	v7 =	vor.u32 v7, v8  }
0x34c: {  	v7 =	vadd.s32 v2, v7;
	_ =	sdelay $0x1  }
0x34d: {  	v58 =	vld.idx.msk [tilespmem:v5+s22+$0x0], $0xffff  }
0x34e: {  	v59 =	vld.idx.msk [tilespmem:v4+s22+$0x0], $0xffff  }
0x34f: {  	v6 =	vld.idx.msk [tilespmem:v6+s16+$0x0], $0xffff  }
0x350: {  	v7 =	vld.idx.msk [tilespmem:v7+s16+$0x0], $0xffff;
	_ =	sdelay $0x3  }
0x351: {  	vm12 =	vgt.f32 v6, v58  }
0x352: {  	v5 =	vshll.u32 v5, $0x1;
	v6 =	vsel vm12, $0x1, v3;
	vm13 =	vgt.f32 v7, v59  }
0x353: {  	v4 =	vshll.u32 v4, $0x1;
	v5 =	vor.u32 v5, v6;
	v6 =	vsel vm13, $0x1, v3  }
0x354: {  	v5 =	vadd.s32 $0x1, v5;
	v4 =	vor.u32 v4, v6  }
0x355: {  	v4 =	vadd.s32 $0x1, v4;
	_ =	sdelay $0x3  }
0x356: {  	v6 =	vld.idx.msk [tilespmem:v5+s4+$0x0], $0xffff  }
0x357: {  	v7 =	vld.idx.msk [tilespmem:v4+s4+$0x0], $0xffff;
	_ =	sdelay $0x3  }
0x358: {  	v60 =	vshll.u32 v6, $0x3  }
0x359: {  	v6 =	vand.u32 $0x7F, v6;
	v8 =	vand.u32 $0xFFFFFC00, v60;
	v61 =	vshll.u32 v7, $0x3  }
0x35a: {  	v7 =	vand.u32 $0x7F, v7;
	v6 =	vor.u32 v6, v8;
	v8 =	vand.u32 $0xFFFFFC00, v61  }
0x35b: {  	v6 =	vadd.s32 v0, v6;
	v7 =	vor.u32 v7, v8  }
0x35c: {  	v7 =	vadd.s32 v2, v7;
	_ =	sdelay $0x1  }
0x35d: {  	v62 =	vld.idx.msk [tilespmem:v5+s22+$0x0], $0xffff  }
0x35e: {  	v63 =	vld.idx.msk [tilespmem:v4+s22+$0x0], $0xffff  }
0x35f: {  	v6 =	vld.idx.msk [tilespmem:v6+s16+$0x0], $0xffff  }
0x360: {  	v7 =	vld.idx.msk [tilespmem:v7+s16+$0x0], $0xffff;
	_ =	sdelay $0x1  }
0x361: {  	p0 =	seq.s32 s13, $0x1800  }
0x362: {  	p1 =	seq.s32 @!p0 s13, $0x0  }
0x363: {  	p1 =	por p0, !p1  }
.Ltmp4:
0x364: {  	v5 =	vshll.u32 v5, $0x1;
	vm14 =	vgt.f32 v6, v62;
	vm15 =	vgt.f32 v7, v63;
	(pc) =	sbr.rel @!p1 .LBB2_4-.Ltmp4, $4  }
0x365: {  	v4 =	vshll.u32 v4, $0x1;
	v6 =	vsel vm14, $0x1, v3;
	v7 =	vsel vm15, $0x1, v3  }
0x366: {  	v5 =	vor.u32 v5, v6;
	v4 =	vor.u32 v4, v7  }
0x367: {  	s20 =	sadd.s32 @!p0 $0xFFFFE800, s6;
	s21 =	simm.s32 @!p0 $0x0;
	s15 =	simm.s32 @!p0 $0xA000;
	v5 =	vadd.s32 $0x1, v5;
	v4 =	vadd.s32 $0x1, v4  }
0x368: {  	[tilespmem:s15], [sflag:$0x1] =	stream.linear.gather @!p0 [hbm4b:s20+s21], $0x4000, $0x38;
	v5 =	vadd.s32 $0xFFFFF001, v5;
	v4 =	vadd.s32 $0xFFFFF001, v4;
	[tilespmem:$0x1E200] =	vst v63  }
0x369: {  	_ =	swait.ge [sflag:s12], $0x1000  }
0x36a: {  	[sflag:s12] =	ssyncset.done $0x0  }
0x36b: {  	[sflag:s12] =	ssyncadd.s32 $0xFFFFF000  }
0x36c: {  	[tilespmem:$0x1A000] =	vst v5  }
0x36d: {  	s15 =	simm.s32 $0x1A000;
	[tilespmem:$0x1A010] =	vst v4  }
0x36e: {  	[tilespmem:s26], [sflag:$0x5] =	stream.indirect.gather [spmem:s3], $0x80, s15, s24, $0xb8;
	[tilespmem:$0x1E200] =	vst v63  }
.Ltmp5:
0x36f: {  	_ = 	snop;
	(pc) =	sbr.rel .LBB2_5-.Ltmp5, $4  }
0x370: {  	_ =	swait.ge [sflag:s11], $0x1000  }
0x371: {  	s25 =	sadd.s32 s13, s14;
	[sflag:s11] =	ssyncset.done $0x0  }
0x372: {  	p1 =	por $0x0, $0x0;
	s15 =	sadd.s32 $0xFFFFFE00, s25;
	[sflag:s11] =	ssyncadd.s32 $0xFFFFF000  }
0x373: {  	[hbm4b:s15+s4] =	stream.linear.scatter [tilespmem:s9], [sflag:$0xC], $0x1000, $0x38;
	[tilespmem:$0x1E200] =	vst v63  }
.LBB2_7:
0x374: {  	_ =	sfence.sel $0x180000  }
0x375: {  	[bflag:$0x0] =	sbarrier.arrive $0xFFFF  }
0x376: {  	_ =	strace $0x90000047  }
0x377: {  	s0 =	stileid.u32;
	[bflag:$0x2] =	sbarrier.arrive $0xFFFF  }
0x378: {  	p0 =	sne.s32 s0, $0x0;
	s0 =	rddreg [dreg:$0x5]  }
0x379: {  	s0 =	sadd.s32 @!p0 $0x100000, s0  }
0x37a: {  	[sflag:s0] =	ssyncadd.tile.s32 @!p0 $0x1;
	_ =	shalt  }
.Lfunc_end2:
_tile_overlayer_lowered:
.L_overlay_start_2:
0x37b: {  	(tag) =	ssettag $0x2  }
0x37c: {  	s0 =	rddreg [dreg:$0x0];
	s2 =	stileid.u32  }
0x37d: {  	s1 =	rddreg [dreg:$0x1];
	p0 =	sne.s32 s2, $0x0  }
0x37e: {  	s3 =	rddreg [dreg:$0x2];
	[bflag:$0x3] =	sbarrier.arrive $0xFFFF;
	s2 =	simm.s32 @!p0 $0x1C0D  }
0x37f: {  	[timem:s3], [sflag:s2] =	dma.local @!p0 [hbm:s0], s1  }
0x380: {  	s0 =	simm.s32 @!p0 $0xD  }
0x381: {  	_ =	swait.ge @!p0 [sflag:s0], s1  }
0x382: {  	s1 =	ssub.s32 @!p0 $0x0, s1;
	[sflag:s0] =	ssyncset.done @!p0 $0x0  }
0x383: {  	[sflag:s0] =	ssyncadd.s32 @!p0 s1  }
0x384: {  	[bflag:$0x3] =	sbarrier.arrive $0xFFFF  }
0x385: {  	_ =	shalt  }

</sc_bundles>
